<compile_context>
chip_gen: v7x
topology: tpu7x:2x2x1
jax: 0.10.2.dev20260603
libtpu: 0.0.44.dev20260713+nightly
codegen_flags: <defaults>
</compile_context>

<pallas_src>
import functools

import jax
import jax.numpy as jnp
from jax import lax
from jax.experimental import pallas as pl
from jax.experimental.pallas import tpu as pltpu
from jax.experimental.pallas import tpu_sc as plsc

N = 100000
E = N - 1
H = 128
NCLS = 5

NC = 2
NS = 16
NW = NC * NS

EB = 128
NP = 102400
EP = 102400

_SC_MESH = plsc.VectorSubcoreMesh(core_axis_name="c", subcore_axis_name="s")
_SC_PARAMS = pltpu.CompilerParams(needs_layout_passes=False)


def _zero_fill(buf):
  zeros16 = jnp.zeros((16,), jnp.float32)
  nrows = buf.shape[0]

  def row(r, _):
    for cc in range(8):
      buf[r, pl.ds(cc * 16, 16)] = zeros16
    return 0

  lax.fori_loop(0, nrows, row, 0)




@functools.partial(
    pl.kernel,
    out_type=jax.ShapeDtypeStruct((NP, H), jnp.float32),
    mesh=_SC_MESH,
    scratch_types=[
        pltpu.VMEM((EB,), jnp.int32),
        pltpu.VMEM((EB, H), jnp.float32),
        pltpu.SemaphoreType.DMA,
    ],
    compiler_params=_SC_PARAMS,
)
def _sc_embed_gather(table_hbm, xm_hbm, out_hbm, idx_v, rows_v, sem):
  cid = lax.axis_index("c")
  sid = lax.axis_index("s")
  wid = sid * NC + cid
  rows_per_w = NP // NW
  nwin = rows_per_w // EB

  def win(w, _):
    base = wid * rows_per_w + w * EB
    pltpu.sync_copy(xm_hbm.at[pl.ds(base, EB)], idx_v)
    pltpu.async_copy(table_hbm.at[idx_v], rows_v, sem).wait()
    pltpu.sync_copy(rows_v, out_hbm.at[pl.ds(base, EB)])
    return 0

  lax.fori_loop(0, nwin, win, 0)



ROWS_W = 6400
NPASS = NP // ROWS_W
EPT = EP // NS
TRASH = ROWS_W
FCH = 40
EW = 64
NWIN = EPT // EW
CH = 800


@functools.partial(
    pl.kernel,
    out_type=jax.ShapeDtypeStruct((2 * NP, H), jnp.float32),
    mesh=_SC_MESH,
    scratch_types=[
        pltpu.VMEM((CH,), jnp.int32),
        pltpu.VMEM((CH,), jnp.int32),
        pltpu.VMEM((NWIN + 1, EW), jnp.int32),
        pltpu.VMEM((NWIN + 1, EW), jnp.int32),
        pltpu.VMEM((NWIN + 1, EW), jnp.int32),
        pltpu.VMEM((EW, H), jnp.float32),
        pltpu.VMEM((EW, 2 * H), jnp.float32),
        pltpu.VMEM((EW, H), jnp.float32),
        pltpu.VMEM((FCH, H), jnp.float32),
        pltpu.VMEM_SHARED((ROWS_W + 8, H), jnp.float32),
        pltpu.SemaphoreType.DMA,
    ],
    compiler_params=_SC_PARAMS,
)
def _sc_edge_sweep(h_hbm, huc_hbm, fin_hbm, src_hbm, dst_hbm, out_hbm,
                   cs_b, cd_b, sc_b, dl_b, dg_b,
                   h_v, g_v, f_v, z_v, acc, sem):
  cid = lax.axis_index("c")
  sid = lax.axis_index("s")
  i16 = jnp.int32

  _zero_fill(z_v)

  def zinit(k, _):
    pltpu.sync_copy(z_v,
                    acc.at[pl.ds(sid * (ROWS_W // NS) + k * FCH, FCH)])
    return 0
  lax.fori_loop(0, ROWS_W // NS // FCH, zinit, 0)
  plsc.subcore_barrier()

  zeros_i = jnp.zeros((16,), i16)
  trash_i = jnp.full((16,), TRASH, i16)
  last_l = jnp.full((16,), 15, i16)
  iota16 = lax.iota(i16, 16)

  def one_pass(p, _):
    base = p * ROWS_W
    base_v = jnp.full((16,), base, i16)
    ph = lax.rem(p + cid, 2)

    def chunk(q, cnt_v0):
      cpa = pltpu.async_copy(src_hbm.at[pl.ds(sid * EPT + q * CH, CH)],
                             cs_b, sem)
      cpb = pltpu.async_copy(dst_hbm.at[pl.ds(sid * EPT + q * CH, CH)],
                             cd_b, sem)
      cpa.wait()
      cpb.wait()

      def comp(i, cnt_v):
        s16 = cs_b[pl.ds(i * 16, 16)]
        d16 = cd_b[pl.ds(i * 16, 16)]
        m = (d16 >= base_v) & (d16 < base_v + ROWS_W)
        cum = plsc.cumsum(m.astype(i16))
        pos = cnt_v + cum - 1
        pr = lax.shift_right_logical(pos, 6)
        pc = lax.bitwise_and(pos, EW - 1)
        plsc.store_scatter(sc_b, [pr, pc], s16, mask=m)
        plsc.store_scatter(dl_b, [pr, pc], d16 - base_v, mask=m)
        plsc.store_scatter(dg_b, [pr, pc], d16, mask=m)
        return cnt_v + cum.at[last_l].get(mode="promise_in_bounds")

      return lax.fori_loop(0, CH // 16, comp, cnt_v0)

    cnt_v = lax.fori_loop(0, EPT // CH, chunk, jnp.zeros((16,), i16))

    for k in range(EW // 16):
      posp = cnt_v + iota16 + (k * 16)
      ppr = lax.shift_right_logical(posp, 6)
      ppc = lax.bitwise_and(posp, EW - 1)
      plsc.store_scatter(sc_b, [ppr, ppc], zeros_i)
      plsc.store_scatter(dl_b, [ppr, ppc], trash_i)
      plsc.store_scatter(dg_b, [ppr, ppc], zeros_i)

    def wint(t, _):
      live = jnp.any(cnt_v > t * EW)

      @pl.when(live)
      def _wbody():
        _wint_body(t)
      return 0

    def _wint_body(t):
      src_w = sc_b.at[t]
      dl_w = dl_b.at[t]

      @pl.when(ph == 0)
      def _():
        pltpu.async_copy(h_hbm.at[src_w], h_v, sem).wait()
        pltpu.async_copy(h_v, acc.at[dl_w], sem, add=True).wait()

      @pl.when(ph == 1)
      def _():
        cp1 = pltpu.async_copy(huc_hbm.at[src_w], g_v, sem)
        cp3 = pltpu.async_copy(fin_hbm.at[dg_b.at[t]], f_v, sem)
        cp1.wait()
        cp3.wait()

        def row(r, _):
          for cc in range(8):
            sl = pl.ds(cc * 16, 16)
            x = g_v[r, sl] + f_v[r, sl]
            f_v[r, sl] = g_v[r, pl.ds(H + cc * 16, 16)] / (1.0 + jnp.exp(-x))
          return 0

        lax.fori_loop(0, EW, row, 0)
        pltpu.async_copy(f_v, acc.at[dl_w], sem, add=True).wait()

    lax.fori_loop(0, NWIN, wint, 0)
    plsc.subcore_barrier()

    r0 = sid * (ROWS_W // NS)
    fcps = [
        pltpu.async_copy(
            acc.at[pl.ds(r0 + k * FCH, FCH)],
            out_hbm.at[pl.ds(ph * NP + base + r0 + k * FCH, FCH)], sem)
        for k in range(ROWS_W // NS // FCH)
    ]
    for cp in fcps:
      cp.wait()
    zcps = [
        pltpu.async_copy(z_v, acc.at[pl.ds(r0 + k * FCH, FCH)], sem)
        for k in range(ROWS_W // NS // FCH)
    ]
    for cp in zcps:
      cp.wait()
    plsc.subcore_barrier()
    return 0

  lax.fori_loop(0, NPASS, one_pass, 0)



_BN = 1024
_GRID = NP // _BN


def _row_spec(cols):
  return pl.BlockSpec((_BN, cols), lambda i: (i, 0))


def _full_spec(r, c):
  return pl.BlockSpec((r, c), lambda i: (0, 0))


def _gates(iou):
  i = jax.nn.sigmoid(iou[:, :H])
  o = jax.nn.sigmoid(iou[:, H:2 * H])
  u = jnp.tanh(iou[:, 2 * H:])
  return i, o, u


def _tc_pre_body(emb_ref, mask_ref, wiou_ref, bwiou_ref, wf_ref, bwf_ref,
                 biou_ref, uf_ref,
                 iouin_ref, fin_ref, h_ref, huc_ref):
  e = emb_ref[...]
  m = mask_ref[...][:, 0:1]
  iou_in = (jnp.dot(e, wiou_ref[...], preferred_element_type=jnp.float32)
            + bwiou_ref[...]) * m
  f_in = (jnp.dot(e, wf_ref[...], preferred_element_type=jnp.float32)
          + bwf_ref[...]) * m
  iouin_ref[...] = iou_in
  fin_ref[...] = f_in
  i, o, u = _gates(iou_in + biou_ref[...])
  c = i * u
  h = o * jnp.tanh(c)
  h_ref[...] = h
  hu = jnp.dot(h, uf_ref[...], preferred_element_type=jnp.float32)
  huc_ref[...] = jnp.concatenate([hu, c], axis=1)


_tc_pre = pl.pallas_call(
    _tc_pre_body,
    grid=(_GRID,),
    in_specs=[
        _row_spec(H),
        _row_spec(H),
        _full_spec(H, 3 * H),
        _full_spec(1, 3 * H),
        _full_spec(H, H),
        _full_spec(1, H),
        _full_spec(1, 3 * H),
        _full_spec(H, H),
    ],
    out_specs=[
        _row_spec(3 * H),
        _row_spec(H),
        _row_spec(H),
        _row_spec(2 * H),
    ],
    out_shape=[
        jax.ShapeDtypeStruct((NP, 3 * H), jnp.float32),
        jax.ShapeDtypeStruct((NP, H), jnp.float32),
        jax.ShapeDtypeStruct((NP, H), jnp.float32),
        jax.ShapeDtypeStruct((NP, 2 * H), jnp.float32),
    ],
)


def _tc_step_body(iouin_ref, hsum_ref, cred_ref, uiou_ref, biou_ref, uf_ref,
                  h_ref, huc_ref):
  hs = hsum_ref[...]
  iou = (iouin_ref[...]
         + jnp.dot(hs, uiou_ref[...], preferred_element_type=jnp.float32)
         + biou_ref[...])
  i, o, u = _gates(iou)
  c = i * u + cred_ref[...]
  h = o * jnp.tanh(c)
  h_ref[...] = h
  hu = jnp.dot(h, uf_ref[...], preferred_element_type=jnp.float32)
  huc_ref[...] = jnp.concatenate([hu, c], axis=1)


_tc_step = pl.pallas_call(
    _tc_step_body,
    grid=(_GRID,),
    in_specs=[
        _row_spec(3 * H),
        pl.BlockSpec((_BN, H), lambda i: (i, 0)),
        pl.BlockSpec((_BN, H), lambda i: (i + _GRID, 0)),
        _full_spec(H, 3 * H),
        _full_spec(1, 3 * H),
        _full_spec(H, H),
    ],
    out_specs=[_row_spec(H), _row_spec(2 * H)],
    out_shape=[
        jax.ShapeDtypeStruct((NP, H), jnp.float32),
        jax.ShapeDtypeStruct((NP, 2 * H), jnp.float32),
    ],
)


def _tc_last_body(iouin_ref, hsum_ref, cred_ref, uiou_ref, biou_ref,
                  wout_ref, bout_ref, out_ref):
  hs = hsum_ref[...]
  iou = (iouin_ref[...]
         + jnp.dot(hs, uiou_ref[...], preferred_element_type=jnp.float32)
         + biou_ref[...])
  i, o, u = _gates(iou)
  c = i * u + cred_ref[...]
  h = o * jnp.tanh(c)
  out_ref[...] = (jnp.dot(h, wout_ref[...], preferred_element_type=jnp.float32)
                  + bout_ref[...])


_tc_last = pl.pallas_call(
    _tc_last_body,
    grid=(_GRID,),
    in_specs=[
        _row_spec(3 * H),
        pl.BlockSpec((_BN, H), lambda i: (i, 0)),
        pl.BlockSpec((_BN, H), lambda i: (i + _GRID, 0)),
        _full_spec(H, 3 * H),
        _full_spec(1, 3 * H),
        _full_spec(H, H),
        _full_spec(1, H),
    ],
    out_specs=_row_spec(H),
    out_shape=jax.ShapeDtypeStruct((NP, H), jnp.float32),
)




def kernel(x, mask, edge_index, emb_table, W_iou, b_W_iou, W_f, b_W_f,
           U_iou, b_iou, U_f, W_out, b_out):
  f32 = jnp.float32

  xm = x.astype(jnp.int32)
  pad_n = NP - N
  xm_p = jnp.concatenate([xm, (jnp.arange(pad_n, dtype=jnp.int32) % 256)])
  maskf = jnp.broadcast_to(mask.astype(f32)[:, None], (N, H))
  maskf_p = jnp.concatenate([maskf, jnp.zeros((pad_n, H), f32)], axis=0)

  src = edge_index[0].astype(jnp.int32)
  dst = edge_index[1].astype(jnp.int32)
  pad_e = EP - E
  pad_idx = N + (jnp.arange(pad_e, dtype=jnp.int32) % 64)
  src_p = jnp.concatenate([src, pad_idx])
  dst_p = jnp.concatenate([dst, pad_idx])

  bwiou_r = b_W_iou.reshape(1, 3 * H)
  bwf_r = b_W_f.reshape(1, H)
  biou_r = b_iou.reshape(1, 3 * H)
  wout_p = jnp.zeros((H, H), f32).at[:, :NCLS].set(W_out)
  bout_p = jnp.zeros((1, H), f32).at[0, :NCLS].set(b_out)

  embeds = _sc_embed_gather(emb_table, xm_p)
  iou_in, f_in, h, huc = _tc_pre(
      embeds, maskf_p, W_iou, bwiou_r, W_f, bwf_r, biou_r, U_f)

  for step in range(2):
    sums = _sc_edge_sweep(h, huc, f_in, src_p, dst_p)
    if step == 0:
      h, huc = _tc_step(iou_in, sums, sums, U_iou, biou_r, U_f)
    else:
      out_full = _tc_last(iou_in, sums, sums, U_iou, biou_r,
                          wout_p, bout_p)

  return out_full[:N, :NCLS]

# --- scband reference (transcript-rebuilt; emitter-appended) ---
"""Pipeline reference for scband-tree-lstm-85332410237604 (READ-ONLY COPY).

The authoritative reference and input builder live on the scoring server;
editing this copy changes nothing except your own understanding.
"""

import jax, jax.numpy as jnp
import numpy as np

N = 100000
E = N - 1
X_SIZE = 128
H_SIZE = 128
VOCAB = 32768
NUM_CLASSES = 5
N_STEPS = 3  # fixed-depth unroll approximating dgl.prop_nodes_topo


def setup_inputs(seed: int = 0) -> dict:
    key = jax.random.key(seed)
    ks = jax.random.split(key, 13)
    x = jax.random.randint(ks[0], (N,), 0, VOCAB)
    mask = jax.random.randint(ks[1], (N,), 0, 2)
    edge_index = jax.random.randint(ks[2], (2, E), 0, N)
    s = 0.02
    emb_table = jax.random.normal(ks[3], (VOCAB, X_SIZE), dtype=jnp.float32) * s
    W_iou = jax.random.normal(ks[4], (X_SIZE, 3 * H_SIZE), dtype=jnp.float32) * s
    b_W_iou = jax.random.normal(ks[5], (3 * H_SIZE,), dtype=jnp.float32) * s
    W_f = jax.random.normal(ks[6], (X_SIZE, H_SIZE), dtype=jnp.float32) * s
    b_W_f = jax.random.normal(ks[7], (H_SIZE,), dtype=jnp.float32) * s
    U_iou = jax.random.normal(ks[8], (H_SIZE, 3 * H_SIZE), dtype=jnp.float32) * s
    b_iou = jax.random.normal(ks[9], (3 * H_SIZE,), dtype=jnp.float32) * s
    U_f = jax.random.normal(ks[10], (H_SIZE, H_SIZE), dtype=jnp.float32) * s
    W_out = jax.random.normal(ks[11], (H_SIZE, NUM_CLASSES), dtype=jnp.float32) * s
    b_out = jax.random.normal(ks[12], (NUM_CLASSES,), dtype=jnp.float32) * s
    return {
        'x': x, 'mask': mask, 'edge_index': edge_index,
        'emb_table': emb_table,
        'W_iou': W_iou, 'b_W_iou': b_W_iou, 'W_f': W_f, 'b_W_f': b_W_f,
        'U_iou': U_iou, 'b_iou': b_iou, 'U_f': U_f,
        'W_out': W_out, 'b_out': b_out,
    }


def reference(x, mask, edge_index, emb_table, W_iou, b_W_iou, W_f, b_W_f,
              U_iou, b_iou, U_f, W_out, b_out):
    # input_module: embedding lookup on masked word ids (gather)
    embeds = jnp.take(emb_table, x * mask, axis=0)              # [N, x_size]
    maskf = mask.astype(jnp.float32)[:, None]                   # [N, 1]
    iou_input = (embeds @ W_iou + b_W_iou) * maskf              # [N, 3h]
    f_input = (embeds @ W_f + b_W_f) * maskf                    # [N, h]

    src = edge_index[0]
    dst = edge_index[1]
    h = jnp.zeros((N, H_SIZE), dtype=jnp.float32)
    c = jnp.zeros((N, H_SIZE), dtype=jnp.float32)

    # Child-Sum TreeLSTM cell; dgl.prop_nodes_topo approximated by a
    # fixed number of synchronous message-passing sweeps over all edges.
    for _ in range(N_STEPS):
        h_src = jnp.take(h, src, axis=0)                        # gather [E, h]
        c_src = jnp.take(c, src, axis=0)                        # gather [E, h]
        # reduce: h_tild = sum over children
        h_sum = jnp.zeros((N, H_SIZE), dtype=jnp.float32).at[dst].add(h_src)
        # per-edge forget gate
        f = jax.nn.sigmoid(h_src @ U_f + jnp.take(f_input, dst, axis=0))
        c_red = jnp.zeros((N, H_SIZE), dtype=jnp.float32).at[dst].add(f * c_src)
        # apply_node_func
        iou = iou_input + h_sum @ U_iou + b_iou
        i, o, u = jnp.split(iou, 3, axis=1)
        i = jax.nn.sigmoid(i)
        o = jax.nn.sigmoid(o)
        u = jnp.tanh(u)
        c = i * u + c_red
        h = o * jnp.tanh(c)

    # output_module: linear classifier over node states
    out = h @ W_out + b_out                                     # [N, num_classes]
    return out

if __name__ == "__main__":
    import jax
    _d = setup_inputs()
    print(jax.jit(kernel)(*tuple(_d.values())))

</pallas_src>

<mosaic_0001>
#map = affine_map<(d0, d1) -> (0, 0)>
#map1 = affine_map<(d0, d1) -> (0)>
module attributes {stable_mosaic.version = 14 : i64} {
  func.func @_sc_edge_sweep(%arg0: i32, %arg1: i32, %arg2: memref<102400x128xf32, #tpu.memory_space<hbm>>, %arg3: memref<102400x256xf32, #tpu.memory_space<hbm>>, %arg4: memref<102400x128xf32, #tpu.memory_space<hbm>>, %arg5: memref<102400xi32, #tpu.memory_space<hbm>>, %arg6: memref<102400xi32, #tpu.memory_space<hbm>>, %arg7: memref<204800x128xf32, #tpu.memory_space<hbm>>, %arg8: memref<800xi32, #tpu.memory_space<vmem>>, %arg9: memref<800xi32, #tpu.memory_space<vmem>>, %arg10: memref<101x64xi32, #tpu.memory_space<vmem>>, %arg11: memref<101x64xi32, #tpu.memory_space<vmem>>, %arg12: memref<101x64xi32, #tpu.memory_space<vmem>>, %arg13: memref<64x128xf32, #tpu.memory_space<vmem>>, %arg14: memref<64x256xf32, #tpu.memory_space<vmem>>, %arg15: memref<64x128xf32, #tpu.memory_space<vmem>>, %arg16: memref<40x128xf32, #tpu.memory_space<vmem>>, %arg17: memref<6408x128xf32, #tpu.memory_space<vmem_shared>>, %arg18: memref<!tpu.dma_semaphore, #tpu.memory_space<semaphore_mem>>) attributes {dimension_semantics = [#tpu.dimension_semantics<core_parallel>, #tpu.dimension_semantics<subcore_parallel>], iteration_bounds = array<i64: 2, 16>, scalar_prefetch = 0 : i64, scratch_operands = 11 : i64, tpu.core_type = #tpu.core_type<sc_vector_subcore>, window_params = [{transform_indices = #map}, {transform_indices = #map}, {transform_indices = #map}, {transform_indices = #map1}, {transform_indices = #map1}, {transform_indices = #map}]} {
    %broadcast_in_dim3A = arith.constant 0.000000e+00 : f32
    %broadcast_in_dim3A_0 = vector.broadcast %broadcast_in_dim3A : f32 to vector<16xf32>
    %scan3A = arith.constant 0 : i32
    %scan3A_1 = arith.constant 0 : i32
    %scan3A_2 = arith.constant 40 : i32
    %scan3A_3 = arith.addi %scan3A_1, %scan3A_2 : i32
    %scan3A_4 = arith.constant 1 : i32
    %scan3A_5 = scf.for %scan3A_27 = %scan3A_1 to %scan3A_3 step %scan3A_4 iter_args(%scan3A_28 = %scan3A) -> (i32)  : i32 {
      %swap3A = arith.index_cast %scan3A_27 : i32 to index
      %swap3A_29 = arith.constant 0 : index
      %swap3A_30 = tpu.vector_load %arg16[%swap3A, %swap3A_29] {strides = array<i32>} : memref<40x128xf32, #tpu.memory_space<vmem>>, vector<16xf32>,
      tpu.vector_store %arg16[%swap3A, %swap3A_29], %broadcast_in_dim3A_0 {strides = array<i32>} : memref<40x128xf32, #tpu.memory_space<vmem>>, vector<16xf32>,
      %swap3A_31 = arith.index_cast %scan3A_27 : i32 to index
      %swap3A_32 = arith.constant 16 : index
      %swap3A_33 = tpu.vector_load %arg16[%swap3A_31, %swap3A_32] {strides = array<i32>} : memref<40x128xf32, #tpu.memory_space<vmem>>, vector<16xf32>,
      tpu.vector_store %arg16[%swap3A_31, %swap3A_32], %broadcast_in_dim3A_0 {strides = array<i32>} : memref<40x128xf32, #tpu.memory_space<vmem>>, vector<16xf32>,
      %swap3A_34 = arith.index_cast %scan3A_27 : i32 to index
      %swap3A_35 = arith.constant 32 : index
      %swap3A_36 = tpu.vector_load %arg16[%swap3A_34, %swap3A_35] {strides = array<i32>} : memref<40x128xf32, #tpu.memory_space<vmem>>, vector<16xf32>,
      tpu.vector_store %arg16[%swap3A_34, %swap3A_35], %broadcast_in_dim3A_0 {strides = array<i32>} : memref<40x128xf32, #tpu.memory_space<vmem>>, vector<16xf32>,
      %swap3A_37 = arith.index_cast %scan3A_27 : i32 to index
      %swap3A_38 = arith.constant 48 : index
      %swap3A_39 = tpu.vector_load %arg16[%swap3A_37, %swap3A_38] {strides = array<i32>} : memref<40x128xf32, #tpu.memory_space<vmem>>, vector<16xf32>,
      tpu.vector_store %arg16[%swap3A_37, %swap3A_38], %broadcast_in_dim3A_0 {strides = array<i32>} : memref<40x128xf32, #tpu.memory_space<vmem>>, vector<16xf32>,
      %swap3A_40 = arith.index_cast %scan3A_27 : i32 to index
      %swap3A_41 = arith.constant 64 : index
      %swap3A_42 = tpu.vector_load %arg16[%swap3A_40, %swap3A_41] {strides = array<i32>} : memref<40x128xf32, #tpu.memory_space<vmem>>, vector<16xf32>,
      tpu.vector_store %arg16[%swap3A_40, %swap3A_41], %broadcast_in_dim3A_0 {strides = array<i32>} : memref<40x128xf32, #tpu.memory_space<vmem>>, vector<16xf32>,
      %swap3A_43 = arith.index_cast %scan3A_27 : i32 to index
      %swap3A_44 = arith.constant 80 : index
      %swap3A_45 = tpu.vector_load %arg16[%swap3A_43, %swap3A_44] {strides = array<i32>} : memref<40x128xf32, #tpu.memory_space<vmem>>, vector<16xf32>,
      tpu.vector_store %arg16[%swap3A_43, %swap3A_44], %broadcast_in_dim3A_0 {strides = array<i32>} : memref<40x128xf32, #tpu.memory_space<vmem>>, vector<16xf32>,
      %swap3A_46 = arith.index_cast %scan3A_27 : i32 to index
      %swap3A_47 = arith.constant 96 : index
      %swap3A_48 = tpu.vector_load %arg16[%swap3A_46, %swap3A_47] {strides = array<i32>} : memref<40x128xf32, #tpu.memory_space<vmem>>, vector<16xf32>,
      tpu.vector_store %arg16[%swap3A_46, %swap3A_47], %broadcast_in_dim3A_0 {strides = array<i32>} : memref<40x128xf32, #tpu.memory_space<vmem>>, vector<16xf32>,
      %swap3A_49 = arith.index_cast %scan3A_27 : i32 to index
      %swap3A_50 = arith.constant 112 : index
      %swap3A_51 = tpu.vector_load %arg16[%swap3A_49, %swap3A_50] {strides = array<i32>} : memref<40x128xf32, #tpu.memory_space<vmem>>, vector<16xf32>,
      tpu.vector_store %arg16[%swap3A_49, %swap3A_50], %broadcast_in_dim3A_0 {strides = array<i32>} : memref<40x128xf32, #tpu.memory_space<vmem>>, vector<16xf32>,
      %scan3A_52 = arith.constant 0 : i32
      scf.yield %scan3A_52 : i32
    }
    %scan3A_6 = arith.constant 40 : i32
    %scan3A_7 = arith.constant 0 : i32
    %scan3A_8 = arith.constant 0 : i32
    %scan3A_9 = arith.constant 10 : i32
    %scan3A_10 = arith.addi %scan3A_8, %scan3A_9 : i32
    %scan3A_11 = arith.constant 1 : i32
    %scan3A_12 = scf.for %scan3A_27 = %scan3A_8 to %scan3A_10 step %scan3A_11 iter_args(%scan3A_28 = %scan3A_7) -> (i32)  : i32 {
      %mul3A = arith.constant 400 : i32
      %mul3A_29 = arith.muli %arg1, %mul3A : i32
      %mul3A_30 = arith.constant 40 : i32
      %mul3A_31 = arith.muli %scan3A_27, %mul3A_30 : i32
      %add3A = arith.addi %mul3A_29, %mul3A_31 : i32
      "tpu.region"() ({
        %run_scoped3A = tpu.sem_alloc : memref<!tpu.dma_semaphore, #tpu.memory_space<semaphore_mem>>
        %dma_start3A = arith.constant 0 : i32
        %dma_start3A_33 = tpu.memref_slice %arg17[%add3A, %dma_start3A] : memref<6408x128xf32, #tpu.memory_space<vmem_shared>> -> memref<40x128xf32, #tpu.memory_space<vmem_shared>>
        %dma_start3A_34 = arith.constant 0 : i32
        %dma_start3A_35 = tpu.memref_slice %arg17[%add3A, %dma_start3A_34] : memref<6408x128xf32, #tpu.memory_space<vmem_shared>> -> memref<40x128xf32, #tpu.memory_space<vmem_shared>>
        tpu.enqueue_dma source(%arg16 : memref<40x128xf32, #tpu.memory_space<vmem>>) target(%dma_start3A_35 : memref<40x128xf32, #tpu.memory_space<vmem_shared>>) target_semaphore(%run_scoped3A : memref<!tpu.dma_semaphore, #tpu.memory_space<semaphore_mem>>)
        %dma_wait3A = arith.constant 0 : i32
        %dma_wait3A_36 = tpu.memref_slice %arg17[%add3A, %dma_wait3A] : memref<6408x128xf32, #tpu.memory_space<vmem_shared>> -> memref<40x128xf32, #tpu.memory_space<vmem_shared>>
        %dma_wait3A_37 = arith.constant 0 : i32
        %dma_wait3A_38 = tpu.memref_slice %arg17[%add3A, %dma_wait3A_37] : memref<6408x128xf32, #tpu.memory_space<vmem_shared>> -> memref<40x128xf32, #tpu.memory_space<vmem_shared>>
        tpu.wait_dma2 semaphore(%run_scoped3A : memref<!tpu.dma_semaphore, #tpu.memory_space<semaphore_mem>>) src(%arg16 : memref<40x128xf32, #tpu.memory_space<vmem>>) dst(%dma_wait3A_38 : memref<40x128xf32, #tpu.memory_space<vmem_shared>>)
        tpu.yield
      }) : () -> ()
      %scan3A_32 = arith.constant 0 : i32
      scf.yield %scan3A_32 : i32
    }
    %scan3A_13 = arith.constant 10 : i32
    %barrier3A = arith.constant 0 : index
    tpu.barrier barrier_id(%barrier3A)
    %broadcast_in_dim3A_14 = arith.constant 0 : i32
    %broadcast_in_dim3A_15 = vector.broadcast %broadcast_in_dim3A_14 : i32 to vector<16xi32>
    %broadcast_in_dim3A_16 = arith.constant 6400 : i32
    %broadcast_in_dim3A_17 = vector.broadcast %broadcast_in_dim3A_16 : i32 to vector<16xi32>
    %broadcast_in_dim3A_18 = arith.constant 15 : i32
    %broadcast_in_dim3A_19 = vector.broadcast %broadcast_in_dim3A_18 : i32 to vector<16xi32>
    %iota3A = tpu.iota {dimensions = array<i32: 0>} : vector<16xi32>
    %scan3A_20 = arith.constant 0 : i32
    %scan3A_21 = arith.constant 0 : i32
    %scan3A_22 = arith.constant 16 : i32
    %scan3A_23 = arith.addi %scan3A_21, %scan3A_22 : i32
    %scan3A_24 = arith.constant 1 : i32
    %scan3A_25 = scf.for %scan3A_27 = %scan3A_21 to %scan3A_23 step %scan3A_24 iter_args(%scan3A_28 = %scan3A_20) -> (i32)  : i32 {
      %mul3A = arith.constant 6400 : i32
      %mul3A_29 = arith.muli %scan3A_27, %mul3A : i32
      %broadcast_in_dim3A_30 = vector.broadcast %mul3A_29 : i32 to vector<16xi32>
      %add3A = arith.addi %scan3A_27, %arg0 : i32
      %rem3A = arith.constant 2 : i32
      %rem3A_31 = arith.remsi %add3A, %rem3A : i32
      %broadcast_in_dim3A_32 = arith.constant 0 : i32
      %broadcast_in_dim3A_33 = vector.broadcast %broadcast_in_dim3A_32 : i32 to vector<16xi32>
      %scan3A_34 = arith.constant 0 : i32
      %scan3A_35 = arith.constant 8 : i32
      %scan3A_36 = arith.addi %scan3A_34, %scan3A_35 : i32
      %scan3A_37 = arith.constant 1 : i32
      %scan3A_38 = scf.for %scan3A_348 = %scan3A_34 to %scan3A_36 step %scan3A_37 iter_args(%scan3A_349 = %broadcast_in_dim3A_33) -> (vector<16xi32>)  : i32 {
        %mul3A_350 = arith.constant 6400 : i32
        %mul3A_351 = arith.muli %arg1, %mul3A_350 : i32
        %mul3A_352 = arith.constant 800 : i32
        %mul3A_353 = arith.muli %scan3A_348, %mul3A_352 : i32
        %add3A_354 = arith.addi %mul3A_351, %mul3A_353 : i32
        %dma_start3A_355 = tpu.memref_slice %arg5[%add3A_354] : memref<102400xi32, #tpu.memory_space<hbm>> -> memref<800xi32, #tpu.memory_space<hbm>>
        %dma_start3A_356 = tpu.memref_slice %arg5[%add3A_354] : memref<102400xi32, #tpu.memory_space<hbm>> -> memref<800xi32, #tpu.memory_space<hbm>>
        tpu.enqueue_dma source(%dma_start3A_356 : memref<800xi32, #tpu.memory_space<hbm>>) target(%arg8 : memref<800xi32, #tpu.memory_space<vmem>>) target_semaphore(%arg18 : memref<!tpu.dma_semaphore, #tpu.memory_space<semaphore_mem>>)
        %mul3A_357 = arith.constant 6400 : i32
        %mul3A_358 = arith.muli %arg1, %mul3A_357 : i32
        %mul3A_359 = arith.constant 800 : i32
        %mul3A_360 = arith.muli %scan3A_348, %mul3A_359 : i32
        %add3A_361 = arith.addi %mul3A_358, %mul3A_360 : i32
        %dma_start3A_362 = tpu.memref_slice %arg6[%add3A_361] : memref<102400xi32, #tpu.memory_space<hbm>> -> memref<800xi32, #tpu.memory_space<hbm>>
        %dma_start3A_363 = tpu.memref_slice %arg6[%add3A_361] : memref<102400xi32, #tpu.memory_space<hbm>> -> memref<800xi32, #tpu.memory_space<hbm>>
        tpu.enqueue_dma source(%dma_start3A_363 : memref<800xi32, #tpu.memory_space<hbm>>) target(%arg9 : memref<800xi32, #tpu.memory_space<vmem>>) target_semaphore(%arg18 : memref<!tpu.dma_semaphore, #tpu.memory_space<semaphore_mem>>)
        %dma_wait3A_364 = tpu.memref_slice %arg5[%add3A_354] : memref<102400xi32, #tpu.memory_space<hbm>> -> memref<800xi32, #tpu.memory_space<hbm>>
        %dma_wait3A_365 = tpu.memref_slice %arg5[%add3A_354] : memref<102400xi32, #tpu.memory_space<hbm>> -> memref<800xi32, #tpu.memory_space<hbm>>
        tpu.wait_dma2 semaphore(%arg18 : memref<!tpu.dma_semaphore, #tpu.memory_space<semaphore_mem>>) src(%dma_wait3A_365 : memref<800xi32, #tpu.memory_space<hbm>>) dst(%arg8 : memref<800xi32, #tpu.memory_space<vmem>>)
        %dma_wait3A_366 = tpu.memref_slice %arg6[%add3A_361] : memref<102400xi32, #tpu.memory_space<hbm>> -> memref<800xi32, #tpu.memory_space<hbm>>
        %dma_wait3A_367 = tpu.memref_slice %arg6[%add3A_361] : memref<102400xi32, #tpu.memory_space<hbm>> -> memref<800xi32, #tpu.memory_space<hbm>>
        tpu.wait_dma2 semaphore(%arg18 : memref<!tpu.dma_semaphore, #tpu.memory_space<semaphore_mem>>) src(%dma_wait3A_367 : memref<800xi32, #tpu.memory_space<hbm>>) dst(%arg9 : memref<800xi32, #tpu.memory_space<vmem>>)
        %scan3A_368 = arith.constant 0 : i32
        %scan3A_369 = arith.constant 50 : i32
        %scan3A_370 = arith.addi %scan3A_368, %scan3A_369 : i32
        %scan3A_371 = arith.constant 1 : i32
        %scan3A_372 = scf.for %scan3A_374 = %scan3A_368 to %scan3A_370 step %scan3A_371 iter_args(%scan3A_375 = %scan3A_349) -> (vector<16xi32>)  : i32 {
          %mul3A_376 = arith.constant 16 : i32
          %mul3A_377 = arith.muli %scan3A_374, %mul3A_376 : i32
          %get3A = arith.index_cast %mul3A_377 : i32 to index
          %get3A_378 = tpu.vector_load %arg8[%get3A] {strides = array<i32>} : memref<800xi32, #tpu.memory_space<vmem>>, vector<16xi32>,
          %mul3A_379 = arith.constant 16 : i32
          %mul3A_380 = arith.muli %scan3A_374, %mul3A_379 : i32
          %get3A_381 = arith.index_cast %mul3A_380 : i32 to index
          %get3A_382 = tpu.vector_load %arg9[%get3A_381] {strides = array<i32>} : memref<800xi32, #tpu.memory_space<vmem>>, vector<16xi32>,
          %ge3A = arith.cmpi sge, %get3A_382, %broadcast_in_dim3A_30 : vector<16xi32>
          %add3A_383 = arith.constant 6400 : i32
          %add3A_384 = vector.broadcast %add3A_383 : i32 to vector<16xi32>
          %add3A_385 = arith.addi %broadcast_in_dim3A_30, %add3A_384 : vector<16xi32>
          %lt3A = arith.cmpi slt, %get3A_382, %add3A_385 : vector<16xi32>
          %and3A_386 = arith.andi %ge3A, %lt3A : vector<16xi1>
          %convert_element_type3A = arith.extui %and3A_386 : vector<16xi1> to vector<16xi32>
          %broadcast_in_dim3A_387 = arith.constant true
          %broadcast_in_dim3A_388 = vector.broadcast %broadcast_in_dim3A_387 : i1 to vector<16xi1>
          %masked_cumsum3A = tpu.scan <sum>, %convert_element_type3A masked %broadcast_in_dim3A_388 : vector<16xi32>, vector<16xi1> -> vector<16xi32>
          %add3A_389 = arith.addi %scan3A_375, %masked_cumsum3A : vector<16xi32>
          %sub3A = arith.constant 1 : i32
          %sub3A_390 = vector.broadcast %sub3A : i32 to vector<16xi32>
          %sub3A_391 = arith.subi %add3A_389, %sub3A_390 : vector<16xi32>
          %shift_right_logical3A_392 = arith.constant 6 : i32
          %shift_right_logical3A_393 = vector.broadcast %shift_right_logical3A_392 : i32 to vector<16xi32>
          %shift_right_logical3A_394 = arith.shrui %sub3A_391, %shift_right_logical3A_393 : vector<16xi32>
          %and3A_395 = arith.constant 63 : i32
          %and3A_396 = vector.broadcast %and3A_395 : i32 to vector<16xi32>
          %and3A_397 = arith.andi %sub3A_391, %and3A_396 : vector<16xi32>
          tpu.vector_store_idx %arg10[%shift_right_logical3A_394, %and3A_397], %get3A_378 masked %and3A_386 : memref<101x64xi32, #tpu.memory_space<vmem>>[vector<16xi32>, vector<16xi32>], vector<16xi32>, vector<16xi1>
          %sub3A_398 = arith.subi %get3A_382, %broadcast_in_dim3A_30 : vector<16xi32>
          tpu.vector_store_idx %arg11[%shift_right_logical3A_394, %and3A_397], %sub3A_398 masked %and3A_386 : memref<101x64xi32, #tpu.memory_space<vmem>>[vector<16xi32>, vector<16xi32>], vector<16xi32>, vector<16xi1>
          tpu.vector_store_idx %arg12[%shift_right_logical3A_394, %and3A_397], %get3A_382 masked %and3A_386 : memref<101x64xi32, #tpu.memory_space<vmem>>[vector<16xi32>, vector<16xi32>], vector<16xi32>, vector<16xi1>
          %lt3A_399 = arith.constant 0 : i32
          %lt3A_400 = vector.broadcast %lt3A_399 : i32 to vector<16xi32>
          %lt3A_401 = arith.cmpi slt, %broadcast_in_dim3A_19, %lt3A_400 : vector<16xi32>
          %add3A_402 = arith.constant 16 : i32
          %add3A_403 = vector.broadcast %add3A_402 : i32 to vector<16xi32>
          %add3A_404 = arith.addi %broadcast_in_dim3A_19, %add3A_403 : vector<16xi32>
          %select_n3A = arith.select %lt3A_401, %add3A_404, %broadcast_in_dim3A_19 : vector<16xi1>, vector<16xi32>
          %broadcast_in_dim3A_405 = vector.shape_cast %select_n3A : vector<16xi32> to vector<16x1xi32>
          %gather3A = vector.shape_cast %broadcast_in_dim3A_405 : vector<16x1xi32> to vector<16xi32>
          %gather3A_406 = tpu.dynamic_gather %masked_cumsum3A[%gather3A] in [0] : vector<16xi32>, vector<16xi32> -> vector<16xi32>
          %add3A_407 = arith.addi %scan3A_375, %gather3A_406 : vector<16xi32>
          scf.yield %add3A_407 : vector<16xi32>
        }
        %scan3A_373 = arith.constant 50 : i32
        scf.yield %scan3A_372 : vector<16xi32>
      }
      %scan3A_39 = arith.constant 8 : i32
      %add3A_40 = arith.addi %scan3A_38, %iota3A : vector<16xi32>
      %add3A_41 = arith.constant 0 : i32
      %add3A_42 = vector.broadcast %add3A_41 : i32 to vector<16xi32>
      %add3A_43 = arith.addi %add3A_40, %add3A_42 : vector<16xi32>
      %shift_right_logical3A = arith.constant 6 : i32
      %shift_right_logical3A_44 = vector.broadcast %shift_right_logical3A : i32 to vector<16xi32>
      %shift_right_logical3A_45 = arith.shrui %add3A_43, %shift_right_logical3A_44 : vector<16xi32>
      %and3A = arith.constant 63 : i32
      %and3A_46 = vector.broadcast %and3A : i32 to vector<16xi32>
      %and3A_47 = arith.andi %add3A_43, %and3A_46 : vector<16xi32>
      tpu.vector_store_idx %arg10[%shift_right_logical3A_45, %and3A_47], %broadcast_in_dim3A_15 : memref<101x64xi32, #tpu.memory_space<vmem>>[vector<16xi32>, vector<16xi32>], vector<16xi32>,
      tpu.vector_store_idx %arg11[%shift_right_logical3A_45, %and3A_47], %broadcast_in_dim3A_17 : memref<101x64xi32, #tpu.memory_space<vmem>>[vector<16xi32>, vector<16xi32>], vector<16xi32>,
      tpu.vector_store_idx %arg12[%shift_right_logical3A_45, %and3A_47], %broadcast_in_dim3A_15 : memref<101x64xi32, #tpu.memory_space<vmem>>[vector<16xi32>, vector<16xi32>], vector<16xi32>,
      %add3A_48 = arith.addi %scan3A_38, %iota3A : vector<16xi32>
      %add3A_49 = arith.constant 16 : i32
      %add3A_50 = vector.broadcast %add3A_49 : i32 to vector<16xi32>
      %add3A_51 = arith.addi %add3A_48, %add3A_50 : vector<16xi32>
      %shift_right_logical3A_52 = arith.constant 6 : i32
      %shift_right_logical3A_53 = vector.broadcast %shift_right_logical3A_52 : i32 to vector<16xi32>
      %shift_right_logical3A_54 = arith.shrui %add3A_51, %shift_right_logical3A_53 : vector<16xi32>
      %and3A_55 = arith.constant 63 : i32
      %and3A_56 = vector.broadcast %and3A_55 : i32 to vector<16xi32>
      %and3A_57 = arith.andi %add3A_51, %and3A_56 : vector<16xi32>
      tpu.vector_store_idx %arg10[%shift_right_logical3A_54, %and3A_57], %broadcast_in_dim3A_15 : memref<101x64xi32, #tpu.memory_space<vmem>>[vector<16xi32>, vector<16xi32>], vector<16xi32>,
      tpu.vector_store_idx %arg11[%shift_right_logical3A_54, %and3A_57], %broadcast_in_dim3A_17 : memref<101x64xi32, #tpu.memory_space<vmem>>[vector<16xi32>, vector<16xi32>], vector<16xi32>,
      tpu.vector_store_idx %arg12[%shift_right_logical3A_54, %and3A_57], %broadcast_in_dim3A_15 : memref<101x64xi32, #tpu.memory_space<vmem>>[vector<16xi32>, vector<16xi32>], vector<16xi32>,
      %add3A_58 = arith.addi %scan3A_38, %iota3A : vector<16xi32>
      %add3A_59 = arith.constant 32 : i32
      %add3A_60 = vector.broadcast %add3A_59 : i32 to vector<16xi32>
      %add3A_61 = arith.addi %add3A_58, %add3A_60 : vector<16xi32>
      %shift_right_logical3A_62 = arith.constant 6 : i32
      %shift_right_logical3A_63 = vector.broadcast %shift_right_logical3A_62 : i32 to vector<16xi32>
      %shift_right_logical3A_64 = arith.shrui %add3A_61, %shift_right_logical3A_63 : vector<16xi32>
      %and3A_65 = arith.constant 63 : i32
      %and3A_66 = vector.broadcast %and3A_65 : i32 to vector<16xi32>
      %and3A_67 = arith.andi %add3A_61, %and3A_66 : vector<16xi32>
      tpu.vector_store_idx %arg10[%shift_right_logical3A_64, %and3A_67], %broadcast_in_dim3A_15 : memref<101x64xi32, #tpu.memory_space<vmem>>[vector<16xi32>, vector<16xi32>], vector<16xi32>,
      tpu.vector_store_idx %arg11[%shift_right_logical3A_64, %and3A_67], %broadcast_in_dim3A_17 : memref<101x64xi32, #tpu.memory_space<vmem>>[vector<16xi32>, vector<16xi32>], vector<16xi32>,
      tpu.vector_store_idx %arg12[%shift_right_logical3A_64, %and3A_67], %broadcast_in_dim3A_15 : memref<101x64xi32, #tpu.memory_space<vmem>>[vector<16xi32>, vector<16xi32>], vector<16xi32>,
      %add3A_68 = arith.addi %scan3A_38, %iota3A : vector<16xi32>
      %add3A_69 = arith.constant 48 : i32
      %add3A_70 = vector.broadcast %add3A_69 : i32 to vector<16xi32>
      %add3A_71 = arith.addi %add3A_68, %add3A_70 : vector<16xi32>
      %shift_right_logical3A_72 = arith.constant 6 : i32
      %shift_right_logical3A_73 = vector.broadcast %shift_right_logical3A_72 : i32 to vector<16xi32>
      %shift_right_logical3A_74 = arith.shrui %add3A_71, %shift_right_logical3A_73 : vector<16xi32>
      %and3A_75 = arith.constant 63 : i32
      %and3A_76 = vector.broadcast %and3A_75 : i32 to vector<16xi32>
      %and3A_77 = arith.andi %add3A_71, %and3A_76 : vector<16xi32>
      tpu.vector_store_idx %arg10[%shift_right_logical3A_74, %and3A_77], %broadcast_in_dim3A_15 : memref<101x64xi32, #tpu.memory_space<vmem>>[vector<16xi32>, vector<16xi32>], vector<16xi32>,
      tpu.vector_store_idx %arg11[%shift_right_logical3A_74, %and3A_77], %broadcast_in_dim3A_17 : memref<101x64xi32, #tpu.memory_space<vmem>>[vector<16xi32>, vector<16xi32>], vector<16xi32>,
      tpu.vector_store_idx %arg12[%shift_right_logical3A_74, %and3A_77], %broadcast_in_dim3A_15 : memref<101x64xi32, #tpu.memory_space<vmem>>[vector<16xi32>, vector<16xi32>], vector<16xi32>,
      %scan3A_78 = arith.constant 0 : i32
      %scan3A_79 = arith.constant 0 : i32
      %scan3A_80 = arith.constant 100 : i32
      %scan3A_81 = arith.addi %scan3A_79, %scan3A_80 : i32
      %scan3A_82 = arith.constant 1 : i32
      %scan3A_83 = scf.for %scan3A_348 = %scan3A_79 to %scan3A_81 step %scan3A_82 iter_args(%scan3A_349 = %scan3A_78) -> (i32)  : i32 {
        %mul3A_350 = arith.constant 64 : i32
        %mul3A_351 = arith.muli %scan3A_348, %mul3A_350 : i32
        %gt3A = vector.broadcast %mul3A_351 : i32 to vector<16xi32>
        %gt3A_352 = arith.cmpi sgt, %scan3A_38, %gt3A : vector<16xi32>
        %reduce_or3A = arith.constant 1.000000e+00 : f32
        %reduce_or3A_353 = arith.constant 0.000000e+00 : f32
        %reduce_or3A_354 = vector.broadcast %reduce_or3A : f32 to vector<16xf32>
        %reduce_or3A_355 = vector.broadcast %reduce_or3A_353 : f32 to vector<16xf32>
        %reduce_or3A_356 = arith.select %gt3A_352, %reduce_or3A_354, %reduce_or3A_355 : vector<16xi1>, vector<16xf32>
        %reduce_or3A_357 = arith.constant true
        %reduce_or3A_358 = vector.broadcast %reduce_or3A_357 : i1 to vector<16xi1>
        %reduce_or3A_359 = tpu.scan <max>, %reduce_or3A_356 masked %reduce_or3A_358 : vector<16xf32>, vector<16xi1> -> vector<16xf32>
        %reduce_or3A_360 = vector.extract %reduce_or3A_359[15] : f32 from vector<16xf32>
        %reduce_or3A_361 = arith.constant 0.000000e+00 : f32
        %reduce_or3A_362 = arith.cmpf ogt, %reduce_or3A_360, %reduce_or3A_361 : f32
        %convert_element_type3A = arith.extui %reduce_or3A_362 : i1 to i32
        %cond3A = arith.constant 0 : i32
        %cond3A_363 = arith.cmpi ne, %convert_element_type3A, %cond3A : i32
        scf.if %cond3A_363 {
          %eq3A = arith.constant 0 : i32
          %eq3A_365 = arith.cmpi eq, %rem3A_31, %eq3A : i32
          %convert_element_type3A_366 = arith.extui %eq3A_365 : i1 to i32
          %cond3A_367 = arith.constant 0 : i32
          %cond3A_368 = arith.cmpi ne, %convert_element_type3A_366, %cond3A_367 : i32
          scf.if %cond3A_368 {
            %dma_start3A_374 = arith.constant 0 : i32
            %dma_start3A_375 = tpu.memref_slice %arg10[%scan3A_348, %dma_start3A_374] : memref<101x64xi32, #tpu.memory_space<vmem>> -> memref<1x64xi32, #tpu.memory_space<vmem>>
            %dma_start3A_376 = tpu.memref_squeeze %dma_start3A_375 : memref<1x64xi32, #tpu.memory_space<vmem>> -> memref<64xi32, #tpu.memory_space<vmem>>
            %dma_start3A_377 = arith.constant 0 : i32
            %dma_start3A_378 = arith.constant 0 : i32
            %dma_start3A_379 = tpu.memref_slice %arg2[%dma_start3A_377, %dma_start3A_378] : memref<102400x128xf32, #tpu.memory_space<hbm>> -> memref<102400x128xf32, #tpu.memory_space<hbm>>
            tpu.enqueue_indirect_dma source(%dma_start3A_379 : memref<102400x128xf32, #tpu.memory_space<hbm>>) target(%arg13 : memref<64x128xf32, #tpu.memory_space<vmem>>) offsets(%dma_start3A_376 : memref<64xi32, #tpu.memory_space<vmem>>) semaphore(%arg18 : memref<!tpu.dma_semaphore, #tpu.memory_space<semaphore_mem>>)
            %dma_wait3A_380 = arith.constant 0 : i32
            %dma_wait3A_381 = tpu.memref_slice %arg10[%scan3A_348, %dma_wait3A_380] : memref<101x64xi32, #tpu.memory_space<vmem>> -> memref<1x64xi32, #tpu.memory_space<vmem>>
            %dma_wait3A_382 = tpu.memref_squeeze %dma_wait3A_381 : memref<1x64xi32, #tpu.memory_space<vmem>> -> memref<64xi32, #tpu.memory_space<vmem>>
            %dma_wait3A_383 = arith.constant 0 : i32
            %dma_wait3A_384 = arith.constant 0 : i32
            %dma_wait3A_385 = tpu.memref_slice %arg2[%dma_wait3A_383, %dma_wait3A_384] : memref<102400x128xf32, #tpu.memory_space<hbm>> -> memref<102400x128xf32, #tpu.memory_space<hbm>>
            tpu.wait_indirect_dma semaphore(%arg18 : memref<!tpu.dma_semaphore, #tpu.memory_space<semaphore_mem>>) src(%dma_wait3A_385 : memref<102400x128xf32, #tpu.memory_space<hbm>>) dst(%arg13 : memref<64x128xf32, #tpu.memory_space<vmem>>)
            %dma_start3A_386 = arith.constant 0 : i32
            %dma_start3A_387 = tpu.memref_slice %arg11[%scan3A_348, %dma_start3A_386] : memref<101x64xi32, #tpu.memory_space<vmem>> -> memref<1x64xi32, #tpu.memory_space<vmem>>
            %dma_start3A_388 = tpu.memref_squeeze %dma_start3A_387 : memref<1x64xi32, #tpu.memory_space<vmem>> -> memref<64xi32, #tpu.memory_space<vmem>>
            %dma_start3A_389 = arith.constant 0 : i32
            %dma_start3A_390 = arith.constant 0 : i32
            %dma_start3A_391 = tpu.memref_slice %arg17[%dma_start3A_389, %dma_start3A_390] : memref<6408x128xf32, #tpu.memory_space<vmem_shared>> -> memref<6408x128xf32, #tpu.memory_space<vmem_shared>>
            tpu.enqueue_indirect_dma source(%arg13 : memref<64x128xf32, #tpu.memory_space<vmem>>) target(%dma_start3A_391 : memref<6408x128xf32, #tpu.memory_space<vmem_shared>>) offsets(%dma_start3A_388 : memref<64xi32, #tpu.memory_space<vmem>>) semaphore(%arg18 : memref<!tpu.dma_semaphore, #tpu.memory_space<semaphore_mem>>) {add = true}
            %dma_wait3A_392 = arith.constant 0 : i32
            %dma_wait3A_393 = tpu.memref_slice %arg11[%scan3A_348, %dma_wait3A_392] : memref<101x64xi32, #tpu.memory_space<vmem>> -> memref<1x64xi32, #tpu.memory_space<vmem>>
            %dma_wait3A_394 = tpu.memref_squeeze %dma_wait3A_393 : memref<1x64xi32, #tpu.memory_space<vmem>> -> memref<64xi32, #tpu.memory_space<vmem>>
            %dma_wait3A_395 = arith.constant 0 : i32
            %dma_wait3A_396 = arith.constant 0 : i32
            %dma_wait3A_397 = tpu.memref_slice %arg17[%dma_wait3A_395, %dma_wait3A_396] : memref<6408x128xf32, #tpu.memory_space<vmem_shared>> -> memref<6408x128xf32, #tpu.memory_space<vmem_shared>>
            tpu.wait_indirect_dma semaphore(%arg18 : memref<!tpu.dma_semaphore, #tpu.memory_space<semaphore_mem>>) src(%arg13 : memref<64x128xf32, #tpu.memory_space<vmem>>) dst(%dma_wait3A_397 : memref<6408x128xf32, #tpu.memory_space<vmem_shared>>)
          } else {
          }
          %eq3A_369 = arith.constant 1 : i32
          %eq3A_370 = arith.cmpi eq, %rem3A_31, %eq3A_369 : i32
          %convert_element_type3A_371 = arith.extui %eq3A_370 : i1 to i32
          %cond3A_372 = arith.constant 0 : i32
          %cond3A_373 = arith.cmpi ne, %convert_element_type3A_371, %cond3A_372 : i32
          scf.if %cond3A_373 {
            %dma_start3A_374 = arith.constant 0 : i32
            %dma_start3A_375 = tpu.memref_slice %arg10[%scan3A_348, %dma_start3A_374] : memref<101x64xi32, #tpu.memory_space<vmem>> -> memref<1x64xi32, #tpu.memory_space<vmem>>
            %dma_start3A_376 = tpu.memref_squeeze %dma_start3A_375 : memref<1x64xi32, #tpu.memory_space<vmem>> -> memref<64xi32, #tpu.memory_space<vmem>>
            %dma_start3A_377 = arith.constant 0 : i32
            %dma_start3A_378 = arith.constant 0 : i32
            %dma_start3A_379 = tpu.memref_slice %arg3[%dma_start3A_377, %dma_start3A_378] : memref<102400x256xf32, #tpu.memory_space<hbm>> -> memref<102400x256xf32, #tpu.memory_space<hbm>>
            tpu.enqueue_indirect_dma source(%dma_start3A_379 : memref<102400x256xf32, #tpu.memory_space<hbm>>) target(%arg14 : memref<64x256xf32, #tpu.memory_space<vmem>>) offsets(%dma_start3A_376 : memref<64xi32, #tpu.memory_space<vmem>>) semaphore(%arg18 : memref<!tpu.dma_semaphore, #tpu.memory_space<semaphore_mem>>)
            %dma_start3A_380 = arith.constant 0 : i32
            %dma_start3A_381 = tpu.memref_slice %arg12[%scan3A_348, %dma_start3A_380] : memref<101x64xi32, #tpu.memory_space<vmem>> -> memref<1x64xi32, #tpu.memory_space<vmem>>
            %dma_start3A_382 = tpu.memref_squeeze %dma_start3A_381 : memref<1x64xi32, #tpu.memory_space<vmem>> -> memref<64xi32, #tpu.memory_space<vmem>>
            %dma_start3A_383 = arith.constant 0 : i32
            %dma_start3A_384 = arith.constant 0 : i32
            %dma_start3A_385 = tpu.memref_slice %arg4[%dma_start3A_383, %dma_start3A_384] : memref<102400x128xf32, #tpu.memory_space<hbm>> -> memref<102400x128xf32, #tpu.memory_space<hbm>>
            tpu.enqueue_indirect_dma source(%dma_start3A_385 : memref<102400x128xf32, #tpu.memory_space<hbm>>) target(%arg15 : memref<64x128xf32, #tpu.memory_space<vmem>>) offsets(%dma_start3A_382 : memref<64xi32, #tpu.memory_space<vmem>>) semaphore(%arg18 : memref<!tpu.dma_semaphore, #tpu.memory_space<semaphore_mem>>)
            %dma_wait3A_386 = arith.constant 0 : i32
            %dma_wait3A_387 = tpu.memref_slice %arg10[%scan3A_348, %dma_wait3A_386] : memref<101x64xi32, #tpu.memory_space<vmem>> -> memref<1x64xi32, #tpu.memory_space<vmem>>
            %dma_wait3A_388 = tpu.memref_squeeze %dma_wait3A_387 : memref<1x64xi32, #tpu.memory_space<vmem>> -> memref<64xi32, #tpu.memory_space<vmem>>
            %dma_wait3A_389 = arith.constant 0 : i32
            %dma_wait3A_390 = arith.constant 0 : i32
            %dma_wait3A_391 = tpu.memref_slice %arg3[%dma_wait3A_389, %dma_wait3A_390] : memref<102400x256xf32, #tpu.memory_space<hbm>> -> memref<102400x256xf32, #tpu.memory_space<hbm>>
            tpu.wait_indirect_dma semaphore(%arg18 : memref<!tpu.dma_semaphore, #tpu.memory_space<semaphore_mem>>) src(%dma_wait3A_391 : memref<102400x256xf32, #tpu.memory_space<hbm>>) dst(%arg14 : memref<64x256xf32, #tpu.memory_space<vmem>>)
            %dma_wait3A_392 = arith.constant 0 : i32
            %dma_wait3A_393 = tpu.memref_slice %arg12[%scan3A_348, %dma_wait3A_392] : memref<101x64xi32, #tpu.memory_space<vmem>> -> memref<1x64xi32, #tpu.memory_space<vmem>>
            %dma_wait3A_394 = tpu.memref_squeeze %dma_wait3A_393 : memref<1x64xi32, #tpu.memory_space<vmem>> -> memref<64xi32, #tpu.memory_space<vmem>>
            %dma_wait3A_395 = arith.constant 0 : i32
            %dma_wait3A_396 = arith.constant 0 : i32
            %dma_wait3A_397 = tpu.memref_slice %arg4[%dma_wait3A_395, %dma_wait3A_396] : memref<102400x128xf32, #tpu.memory_space<hbm>> -> memref<102400x128xf32, #tpu.memory_space<hbm>>
            tpu.wait_indirect_dma semaphore(%arg18 : memref<!tpu.dma_semaphore, #tpu.memory_space<semaphore_mem>>) src(%dma_wait3A_397 : memref<102400x128xf32, #tpu.memory_space<hbm>>) dst(%arg15 : memref<64x128xf32, #tpu.memory_space<vmem>>)
            %scan3A_398 = arith.constant 0 : i32
            %scan3A_399 = arith.constant 0 : i32
            %scan3A_400 = arith.constant 64 : i32
            %scan3A_401 = arith.addi %scan3A_399, %scan3A_400 : i32
            %scan3A_402 = arith.constant 1 : i32
            %scan3A_403 = scf.for %scan3A_417 = %scan3A_399 to %scan3A_401 step %scan3A_402 iter_args(%scan3A_418 = %scan3A_398) -> (i32)  : i32 {
              %get3A = arith.index_cast %scan3A_417 : i32 to index
              %get3A_419 = arith.constant 0 : index
              %get3A_420 = tpu.vector_load %arg14[%get3A, %get3A_419] {strides = array<i32>} : memref<64x256xf32, #tpu.memory_space<vmem>>, vector<16xf32>,
              %get3A_421 = arith.index_cast %scan3A_417 : i32 to index
              %get3A_422 = arith.constant 0 : index
              %get3A_423 = tpu.vector_load %arg15[%get3A_421, %get3A_422] {strides = array<i32>} : memref<64x128xf32, #tpu.memory_space<vmem>>, vector<16xf32>,
              %add3A_424 = arith.addf %get3A_420, %get3A_423 : vector<16xf32>
              %get3A_425 = arith.index_cast %scan3A_417 : i32 to index
              %get3A_426 = arith.constant 128 : index
              %get3A_427 = tpu.vector_load %arg14[%get3A_425, %get3A_426] {strides = array<i32>} : memref<64x256xf32, #tpu.memory_space<vmem>>, vector<16xf32>,
              %neg3A = arith.constant 0.000000e+00 : f32
              %neg3A_428 = vector.broadcast %neg3A : f32 to vector<16xf32>
              %neg3A_429 = arith.subf %neg3A_428, %add3A_424 : vector<16xf32>
              %exp3A = math.exp %neg3A_429 : vector<16xf32>
              %add3A_430 = arith.constant 1.000000e+00 : f32
              %add3A_431 = vector.broadcast %add3A_430 : f32 to vector<16xf32>
              %add3A_432 = arith.addf %add3A_431, %exp3A : vector<16xf32>
              %div3A = arith.divf %get3A_427, %add3A_432 : vector<16xf32>
              %swap3A = arith.index_cast %scan3A_417 : i32 to index
              %swap3A_433 = arith.constant 0 : index
              %swap3A_434 = tpu.vector_load %arg15[%swap3A, %swap3A_433] {strides = array<i32>} : memref<64x128xf32, #tpu.memory_space<vmem>>, vector<16xf32>,
              tpu.vector_store %arg15[%swap3A, %swap3A_433], %div3A {strides = array<i32>} : memref<64x128xf32, #tpu.memory_space<vmem>>, vector<16xf32>,
              %get3A_435 = arith.index_cast %scan3A_417 : i32 to index
              %get3A_436 = arith.constant 16 : index
              %get3A_437 = tpu.vector_load %arg14[%get3A_435, %get3A_436] {strides = array<i32>} : memref<64x256xf32, #tpu.memory_space<vmem>>, vector<16xf32>,
              %get3A_438 = arith.index_cast %scan3A_417 : i32 to index
              %get3A_439 = arith.constant 16 : index
              %get3A_440 = tpu.vector_load %arg15[%get3A_438, %get3A_439] {strides = array<i32>} : memref<64x128xf32, #tpu.memory_space<vmem>>, vector<16xf32>,
              %add3A_441 = arith.addf %get3A_437, %get3A_440 : vector<16xf32>
              %get3A_442 = arith.index_cast %scan3A_417 : i32 to index
              %get3A_443 = arith.constant 144 : index
              %get3A_444 = tpu.vector_load %arg14[%get3A_442, %get3A_443] {strides = array<i32>} : memref<64x256xf32, #tpu.memory_space<vmem>>, vector<16xf32>,
              %neg3A_445 = arith.constant 0.000000e+00 : f32
              %neg3A_446 = vector.broadcast %neg3A_445 : f32 to vector<16xf32>
              %neg3A_447 = arith.subf %neg3A_446, %add3A_441 : vector<16xf32>
              %exp3A_448 = math.exp %neg3A_447 : vector<16xf32>
              %add3A_449 = arith.constant 1.000000e+00 : f32
              %add3A_450 = vector.broadcast %add3A_449 : f32 to vector<16xf32>
              %add3A_451 = arith.addf %add3A_450, %exp3A_448 : vector<16xf32>
              %div3A_452 = arith.divf %get3A_444, %add3A_451 : vector<16xf32>
              %swap3A_453 = arith.index_cast %scan3A_417 : i32 to index
              %swap3A_454 = arith.constant 16 : index
              %swap3A_455 = tpu.vector_load %arg15[%swap3A_453, %swap3A_454] {strides = array<i32>} : memref<64x128xf32, #tpu.memory_space<vmem>>, vector<16xf32>,
              tpu.vector_store %arg15[%swap3A_453, %swap3A_454], %div3A_452 {strides = array<i32>} : memref<64x128xf32, #tpu.memory_space<vmem>>, vector<16xf32>,
              %get3A_456 = arith.index_cast %scan3A_417 : i32 to index
              %get3A_457 = arith.constant 32 : index
              %get3A_458 = tpu.vector_load %arg14[%get3A_456, %get3A_457] {strides = array<i32>} : memref<64x256xf32, #tpu.memory_space<vmem>>, vector<16xf32>,
              %get3A_459 = arith.index_cast %scan3A_417 : i32 to index
              %get3A_460 = arith.constant 32 : index
              %get3A_461 = tpu.vector_load %arg15[%get3A_459, %get3A_460] {strides = array<i32>} : memref<64x128xf32, #tpu.memory_space<vmem>>, vector<16xf32>,
              %add3A_462 = arith.addf %get3A_458, %get3A_461 : vector<16xf32>
              %get3A_463 = arith.index_cast %scan3A_417 : i32 to index
              %get3A_464 = arith.constant 160 : index
              %get3A_465 = tpu.vector_load %arg14[%get3A_463, %get3A_464] {strides = array<i32>} : memref<64x256xf32, #tpu.memory_space<vmem>>, vector<16xf32>,
              %neg3A_466 = arith.constant 0.000000e+00 : f32
              %neg3A_467 = vector.broadcast %neg3A_466 : f32 to vector<16xf32>
              %neg3A_468 = arith.subf %neg3A_467, %add3A_462 : vector<16xf32>
              %exp3A_469 = math.exp %neg3A_468 : vector<16xf32>
              %add3A_470 = arith.constant 1.000000e+00 : f32
              %add3A_471 = vector.broadcast %add3A_470 : f32 to vector<16xf32>
              %add3A_472 = arith.addf %add3A_471, %exp3A_469 : vector<16xf32>
              %div3A_473 = arith.divf %get3A_465, %add3A_472 : vector<16xf32>
              %swap3A_474 = arith.index_cast %scan3A_417 : i32 to index
              %swap3A_475 = arith.constant 32 : index
              %swap3A_476 = tpu.vector_load %arg15[%swap3A_474, %swap3A_475] {strides = array<i32>} : memref<64x128xf32, #tpu.memory_space<vmem>>, vector<16xf32>,
              tpu.vector_store %arg15[%swap3A_474, %swap3A_475], %div3A_473 {strides = array<i32>} : memref<64x128xf32, #tpu.memory_space<vmem>>, vector<16xf32>,
              %get3A_477 = arith.index_cast %scan3A_417 : i32 to index
              %get3A_478 = arith.constant 48 : index
              %get3A_479 = tpu.vector_load %arg14[%get3A_477, %get3A_478] {strides = array<i32>} : memref<64x256xf32, #tpu.memory_space<vmem>>, vector<16xf32>,
              %get3A_480 = arith.index_cast %scan3A_417 : i32 to index
              %get3A_481 = arith.constant 48 : index
              %get3A_482 = tpu.vector_load %arg15[%get3A_480, %get3A_481] {strides = array<i32>} : memref<64x128xf32, #tpu.memory_space<vmem>>, vector<16xf32>,
              %add3A_483 = arith.addf %get3A_479, %get3A_482 : vector<16xf32>
              %get3A_484 = arith.index_cast %scan3A_417 : i32 to index
              %get3A_485 = arith.constant 176 : index
              %get3A_486 = tpu.vector_load %arg14[%get3A_484, %get3A_485] {strides = array<i32>} : memref<64x256xf32, #tpu.memory_space<vmem>>, vector<16xf32>,
              %neg3A_487 = arith.constant 0.000000e+00 : f32
              %neg3A_488 = vector.broadcast %neg3A_487 : f32 to vector<16xf32>
              %neg3A_489 = arith.subf %neg3A_488, %add3A_483 : vector<16xf32>
              %exp3A_490 = math.exp %neg3A_489 : vector<16xf32>
              %add3A_491 = arith.constant 1.000000e+00 : f32
              %add3A_492 = vector.broadcast %add3A_491 : f32 to vector<16xf32>
              %add3A_493 = arith.addf %add3A_492, %exp3A_490 : vector<16xf32>
              %div3A_494 = arith.divf %get3A_486, %add3A_493 : vector<16xf32>
              %swap3A_495 = arith.index_cast %scan3A_417 : i32 to index
              %swap3A_496 = arith.constant 48 : index
              %swap3A_497 = tpu.vector_load %arg15[%swap3A_495, %swap3A_496] {strides = array<i32>} : memref<64x128xf32, #tpu.memory_space<vmem>>, vector<16xf32>,
              tpu.vector_store %arg15[%swap3A_495, %swap3A_496], %div3A_494 {strides = array<i32>} : memref<64x128xf32, #tpu.memory_space<vmem>>, vector<16xf32>,
              %get3A_498 = arith.index_cast %scan3A_417 : i32 to index
              %get3A_499 = arith.constant 64 : index
              %get3A_500 = tpu.vector_load %arg14[%get3A_498, %get3A_499] {strides = array<i32>} : memref<64x256xf32, #tpu.memory_space<vmem>>, vector<16xf32>,
              %get3A_501 = arith.index_cast %scan3A_417 : i32 to index
              %get3A_502 = arith.constant 64 : index
              %get3A_503 = tpu.vector_load %arg15[%get3A_501, %get3A_502] {strides = array<i32>} : memref<64x128xf32, #tpu.memory_space<vmem>>, vector<16xf32>,
              %add3A_504 = arith.addf %get3A_500, %get3A_503 : vector<16xf32>
              %get3A_505 = arith.index_cast %scan3A_417 : i32 to index
              %get3A_506 = arith.constant 192 : index
              %get3A_507 = tpu.vector_load %arg14[%get3A_505, %get3A_506] {strides = array<i32>} : memref<64x256xf32, #tpu.memory_space<vmem>>, vector<16xf32>,
              %neg3A_508 = arith.constant 0.000000e+00 : f32
              %neg3A_509 = vector.broadcast %neg3A_508 : f32 to vector<16xf32>
              %neg3A_510 = arith.subf %neg3A_509, %add3A_504 : vector<16xf32>
              %exp3A_511 = math.exp %neg3A_510 : vector<16xf32>
              %add3A_512 = arith.constant 1.000000e+00 : f32
              %add3A_513 = vector.broadcast %add3A_512 : f32 to vector<16xf32>
              %add3A_514 = arith.addf %add3A_513, %exp3A_511 : vector<16xf32>
              %div3A_515 = arith.divf %get3A_507, %add3A_514 : vector<16xf32>
              %swap3A_516 = arith.index_cast %scan3A_417 : i32 to index
              %swap3A_517 = arith.constant 64 : index
              %swap3A_518 = tpu.vector_load %arg15[%swap3A_516, %swap3A_517] {strides = array<i32>} : memref<64x128xf32, #tpu.memory_space<vmem>>, vector<16xf32>,
              tpu.vector_store %arg15[%swap3A_516, %swap3A_517], %div3A_515 {strides = array<i32>} : memref<64x128xf32, #tpu.memory_space<vmem>>, vector<16xf32>,
              %get3A_519 = arith.index_cast %scan3A_417 : i32 to index
              %get3A_520 = arith.constant 80 : index
              %get3A_521 = tpu.vector_load %arg14[%get3A_519, %get3A_520] {strides = array<i32>} : memref<64x256xf32, #tpu.memory_space<vmem>>, vector<16xf32>,
              %get3A_522 = arith.index_cast %scan3A_417 : i32 to index
              %get3A_523 = arith.constant 80 : index
              %get3A_524 = tpu.vector_load %arg15[%get3A_522, %get3A_523] {strides = array<i32>} : memref<64x128xf32, #tpu.memory_space<vmem>>, vector<16xf32>,
              %add3A_525 = arith.addf %get3A_521, %get3A_524 : vector<16xf32>
              %get3A_526 = arith.index_cast %scan3A_417 : i32 to index
              %get3A_527 = arith.constant 208 : index
              %get3A_528 = tpu.vector_load %arg14[%get3A_526, %get3A_527] {strides = array<i32>} : memref<64x256xf32, #tpu.memory_space<vmem>>, vector<16xf32>,
              %neg3A_529 = arith.constant 0.000000e+00 : f32
              %neg3A_530 = vector.broadcast %neg3A_529 : f32 to vector<16xf32>
              %neg3A_531 = arith.subf %neg3A_530, %add3A_525 : vector<16xf32>
              %exp3A_532 = math.exp %neg3A_531 : vector<16xf32>
              %add3A_533 = arith.constant 1.000000e+00 : f32
              %add3A_534 = vector.broadcast %add3A_533 : f32 to vector<16xf32>
              %add3A_535 = arith.addf %add3A_534, %exp3A_532 : vector<16xf32>
              %div3A_536 = arith.divf %get3A_528, %add3A_535 : vector<16xf32>
              %swap3A_537 = arith.index_cast %scan3A_417 : i32 to index
              %swap3A_538 = arith.constant 80 : index
              %swap3A_539 = tpu.vector_load %arg15[%swap3A_537, %swap3A_538] {strides = array<i32>} : memref<64x128xf32, #tpu.memory_space<vmem>>, vector<16xf32>,
              tpu.vector_store %arg15[%swap3A_537, %swap3A_538], %div3A_536 {strides = array<i32>} : memref<64x128xf32, #tpu.memory_space<vmem>>, vector<16xf32>,
              %get3A_540 = arith.index_cast %scan3A_417 : i32 to index
              %get3A_541 = arith.constant 96 : index
              %get3A_542 = tpu.vector_load %arg14[%get3A_540, %get3A_541] {strides = array<i32>} : memref<64x256xf32, #tpu.memory_space<vmem>>, vector<16xf32>,
              %get3A_543 = arith.index_cast %scan3A_417 : i32 to index
              %get3A_544 = arith.constant 96 : index
              %get3A_545 = tpu.vector_load %arg15[%get3A_543, %get3A_544] {strides = array<i32>} : memref<64x128xf32, #tpu.memory_space<vmem>>, vector<16xf32>,
              %add3A_546 = arith.addf %get3A_542, %get3A_545 : vector<16xf32>
              %get3A_547 = arith.index_cast %scan3A_417 : i32 to index
              %get3A_548 = arith.constant 224 : index
              %get3A_549 = tpu.vector_load %arg14[%get3A_547, %get3A_548] {strides = array<i32>} : memref<64x256xf32, #tpu.memory_space<vmem>>, vector<16xf32>,
              %neg3A_550 = arith.constant 0.000000e+00 : f32
              %neg3A_551 = vector.broadcast %neg3A_550 : f32 to vector<16xf32>
              %neg3A_552 = arith.subf %neg3A_551, %add3A_546 : vector<16xf32>
              %exp3A_553 = math.exp %neg3A_552 : vector<16xf32>
              %add3A_554 = arith.constant 1.000000e+00 : f32
              %add3A_555 = vector.broadcast %add3A_554 : f32 to vector<16xf32>
              %add3A_556 = arith.addf %add3A_555, %exp3A_553 : vector<16xf32>
              %div3A_557 = arith.divf %get3A_549, %add3A_556 : vector<16xf32>
              %swap3A_558 = arith.index_cast %scan3A_417 : i32 to index
              %swap3A_559 = arith.constant 96 : index
              %swap3A_560 = tpu.vector_load %arg15[%swap3A_558, %swap3A_559] {strides = array<i32>} : memref<64x128xf32, #tpu.memory_space<vmem>>, vector<16xf32>,
              tpu.vector_store %arg15[%swap3A_558, %swap3A_559], %div3A_557 {strides = array<i32>} : memref<64x128xf32, #tpu.memory_space<vmem>>, vector<16xf32>,
              %get3A_561 = arith.index_cast %scan3A_417 : i32 to index
              %get3A_562 = arith.constant 112 : index
              %get3A_563 = tpu.vector_load %arg14[%get3A_561, %get3A_562] {strides = array<i32>} : memref<64x256xf32, #tpu.memory_space<vmem>>, vector<16xf32>,
              %get3A_564 = arith.index_cast %scan3A_417 : i32 to index
              %get3A_565 = arith.constant 112 : index
              %get3A_566 = tpu.vector_load %arg15[%get3A_564, %get3A_565] {strides = array<i32>} : memref<64x128xf32, #tpu.memory_space<vmem>>, vector<16xf32>,
              %add3A_567 = arith.addf %get3A_563, %get3A_566 : vector<16xf32>
              %get3A_568 = arith.index_cast %scan3A_417 : i32 to index
              %get3A_569 = arith.constant 240 : index
              %get3A_570 = tpu.vector_load %arg14[%get3A_568, %get3A_569] {strides = array<i32>} : memref<64x256xf32, #tpu.memory_space<vmem>>, vector<16xf32>,
              %neg3A_571 = arith.constant 0.000000e+00 : f32
              %neg3A_572 = vector.broadcast %neg3A_571 : f32 to vector<16xf32>
              %neg3A_573 = arith.subf %neg3A_572, %add3A_567 : vector<16xf32>
              %exp3A_574 = math.exp %neg3A_573 : vector<16xf32>
              %add3A_575 = arith.constant 1.000000e+00 : f32
              %add3A_576 = vector.broadcast %add3A_575 : f32 to vector<16xf32>
              %add3A_577 = arith.addf %add3A_576, %exp3A_574 : vector<16xf32>
              %div3A_578 = arith.divf %get3A_570, %add3A_577 : vector<16xf32>
              %swap3A_579 = arith.index_cast %scan3A_417 : i32 to index
              %swap3A_580 = arith.constant 112 : index
              %swap3A_581 = tpu.vector_load %arg15[%swap3A_579, %swap3A_580] {strides = array<i32>} : memref<64x128xf32, #tpu.memory_space<vmem>>, vector<16xf32>,
              tpu.vector_store %arg15[%swap3A_579, %swap3A_580], %div3A_578 {strides = array<i32>} : memref<64x128xf32, #tpu.memory_space<vmem>>, vector<16xf32>,
              %scan3A_582 = arith.constant 0 : i32
              scf.yield %scan3A_582 : i32
            }
            %scan3A_404 = arith.constant 64 : i32
            %dma_start3A_405 = arith.constant 0 : i32
            %dma_start3A_406 = tpu.memref_slice %arg11[%scan3A_348, %dma_start3A_405] : memref<101x64xi32, #tpu.memory_space<vmem>> -> memref<1x64xi32, #tpu.memory_space<vmem>>
            %dma_start3A_407 = tpu.memref_squeeze %dma_start3A_406 : memref<1x64xi32, #tpu.memory_space<vmem>> -> memref<64xi32, #tpu.memory_space<vmem>>
            %dma_start3A_408 = arith.constant 0 : i32
            %dma_start3A_409 = arith.constant 0 : i32
            %dma_start3A_410 = tpu.memref_slice %arg17[%dma_start3A_408, %dma_start3A_409] : memref<6408x128xf32, #tpu.memory_space<vmem_shared>> -> memref<6408x128xf32, #tpu.memory_space<vmem_shared>>
            tpu.enqueue_indirect_dma source(%arg15 : memref<64x128xf32, #tpu.memory_space<vmem>>) target(%dma_start3A_410 : memref<6408x128xf32, #tpu.memory_space<vmem_shared>>) offsets(%dma_start3A_407 : memref<64xi32, #tpu.memory_space<vmem>>) semaphore(%arg18 : memref<!tpu.dma_semaphore, #tpu.memory_space<semaphore_mem>>) {add = true}
            %dma_wait3A_411 = arith.constant 0 : i32
            %dma_wait3A_412 = tpu.memref_slice %arg11[%scan3A_348, %dma_wait3A_411] : memref<101x64xi32, #tpu.memory_space<vmem>> -> memref<1x64xi32, #tpu.memory_space<vmem>>
            %dma_wait3A_413 = tpu.memref_squeeze %dma_wait3A_412 : memref<1x64xi32, #tpu.memory_space<vmem>> -> memref<64xi32, #tpu.memory_space<vmem>>
            %dma_wait3A_414 = arith.constant 0 : i32
            %dma_wait3A_415 = arith.constant 0 : i32
            %dma_wait3A_416 = tpu.memref_slice %arg17[%dma_wait3A_414, %dma_wait3A_415] : memref<6408x128xf32, #tpu.memory_space<vmem_shared>> -> memref<6408x128xf32, #tpu.memory_space<vmem_shared>>
            tpu.wait_indirect_dma semaphore(%arg18 : memref<!tpu.dma_semaphore, #tpu.memory_space<semaphore_mem>>) src(%arg15 : memref<64x128xf32, #tpu.memory_space<vmem>>) dst(%dma_wait3A_416 : memref<6408x128xf32, #tpu.memory_space<vmem_shared>>)
          } else {
          }
        } else {
        }
        %scan3A_364 = arith.constant 0 : i32
        scf.yield %scan3A_364 : i32
      }
      %scan3A_84 = arith.constant 100 : i32
      %barrier3A_85 = arith.constant 0 : index
      tpu.barrier barrier_id(%barrier3A_85)
      %mul3A_86 = arith.constant 400 : i32
      %mul3A_87 = arith.muli %arg1, %mul3A_86 : i32
      %add3A_88 = arith.constant 0 : i32
      %add3A_89 = arith.addi %mul3A_87, %add3A_88 : i32
      %mul3A_90 = arith.constant 102400 : i32
      %mul3A_91 = arith.muli %rem3A_31, %mul3A_90 : i32
      %add3A_92 = arith.addi %mul3A_91, %mul3A_29 : i32
      %add3A_93 = arith.addi %add3A_92, %mul3A_87 : i32
      %add3A_94 = arith.constant 0 : i32
      %add3A_95 = arith.addi %add3A_93, %add3A_94 : i32
      %dma_start3A = arith.constant 0 : i32
      %dma_start3A_96 = tpu.memref_slice %arg7[%add3A_95, %dma_start3A] : memref<204800x128xf32, #tpu.memory_space<hbm>> -> memref<40x128xf32, #tpu.memory_space<hbm>>
      %dma_start3A_97 = arith.constant 0 : i32
      %dma_start3A_98 = tpu.memref_slice %arg17[%add3A_89, %dma_start3A_97] : memref<6408x128xf32, #tpu.memory_space<vmem_shared>> -> memref<40x128xf32, #tpu.memory_space<vmem_shared>>
      tpu.enqueue_dma source(%dma_start3A_98 : memref<40x128xf32, #tpu.memory_space<vmem_shared>>) target(%dma_start3A_96 : memref<40x128xf32, #tpu.memory_space<hbm>>) target_semaphore(%arg18 : memref<!tpu.dma_semaphore, #tpu.memory_space<semaphore_mem>>)
      %add3A_99 = arith.constant 40 : i32
      %add3A_100 = arith.addi %mul3A_87, %add3A_99 : i32
      %mul3A_101 = arith.constant 102400 : i32
      %mul3A_102 = arith.muli %rem3A_31, %mul3A_101 : i32
      %add3A_103 = arith.addi %mul3A_102, %mul3A_29 : i32
      %add3A_104 = arith.addi %add3A_103, %mul3A_87 : i32
      %add3A_105 = arith.constant 40 : i32
      %add3A_106 = arith.addi %add3A_104, %add3A_105 : i32
      %dma_start3A_107 = arith.constant 0 : i32
      %dma_start3A_108 = tpu.memref_slice %arg7[%add3A_106, %dma_start3A_107] : memref<204800x128xf32, #tpu.memory_space<hbm>> -> memref<40x128xf32, #tpu.memory_space<hbm>>
      %dma_start3A_109 = arith.constant 0 : i32
      %dma_start3A_110 = tpu.memref_slice %arg17[%add3A_100, %dma_start3A_109] : memref<6408x128xf32, #tpu.memory_space<vmem_shared>> -> memref<40x128xf32, #tpu.memory_space<vmem_shared>>
      tpu.enqueue_dma source(%dma_start3A_110 : memref<40x128xf32, #tpu.memory_space<vmem_shared>>) target(%dma_start3A_108 : memref<40x128xf32, #tpu.memory_space<hbm>>) target_semaphore(%arg18 : memref<!tpu.dma_semaphore, #tpu.memory_space<semaphore_mem>>)
      %add3A_111 = arith.constant 80 : i32
      %add3A_112 = arith.addi %mul3A_87, %add3A_111 : i32
      %mul3A_113 = arith.constant 102400 : i32
      %mul3A_114 = arith.muli %rem3A_31, %mul3A_113 : i32
      %add3A_115 = arith.addi %mul3A_114, %mul3A_29 : i32
      %add3A_116 = arith.addi %add3A_115, %mul3A_87 : i32
      %add3A_117 = arith.constant 80 : i32
      %add3A_118 = arith.addi %add3A_116, %add3A_117 : i32
      %dma_start3A_119 = arith.constant 0 : i32
      %dma_start3A_120 = tpu.memref_slice %arg7[%add3A_118, %dma_start3A_119] : memref<204800x128xf32, #tpu.memory_space<hbm>> -> memref<40x128xf32, #tpu.memory_space<hbm>>
      %dma_start3A_121 = arith.constant 0 : i32
      %dma_start3A_122 = tpu.memref_slice %arg17[%add3A_112, %dma_start3A_121] : memref<6408x128xf32, #tpu.memory_space<vmem_shared>> -> memref<40x128xf32, #tpu.memory_space<vmem_shared>>
      tpu.enqueue_dma source(%dma_start3A_122 : memref<40x128xf32, #tpu.memory_space<vmem_shared>>) target(%dma_start3A_120 : memref<40x128xf32, #tpu.memory_space<hbm>>) target_semaphore(%arg18 : memref<!tpu.dma_semaphore, #tpu.memory_space<semaphore_mem>>)
      %add3A_123 = arith.constant 120 : i32
      %add3A_124 = arith.addi %mul3A_87, %add3A_123 : i32
      %mul3A_125 = arith.constant 102400 : i32
      %mul3A_126 = arith.muli %rem3A_31, %mul3A_125 : i32
      %add3A_127 = arith.addi %mul3A_126, %mul3A_29 : i32
      %add3A_128 = arith.addi %add3A_127, %mul3A_87 : i32
      %add3A_129 = arith.constant 120 : i32
      %add3A_130 = arith.addi %add3A_128, %add3A_129 : i32
      %dma_start3A_131 = arith.constant 0 : i32
      %dma_start3A_132 = tpu.memref_slice %arg7[%add3A_130, %dma_start3A_131] : memref<204800x128xf32, #tpu.memory_space<hbm>> -> memref<40x128xf32, #tpu.memory_space<hbm>>
      %dma_start3A_133 = arith.constant 0 : i32
      %dma_start3A_134 = tpu.memref_slice %arg17[%add3A_124, %dma_start3A_133] : memref<6408x128xf32, #tpu.memory_space<vmem_shared>> -> memref<40x128xf32, #tpu.memory_space<vmem_shared>>
      tpu.enqueue_dma source(%dma_start3A_134 : memref<40x128xf32, #tpu.memory_space<vmem_shared>>) target(%dma_start3A_132 : memref<40x128xf32, #tpu.memory_space<hbm>>) target_semaphore(%arg18 : memref<!tpu.dma_semaphore, #tpu.memory_space<semaphore_mem>>)
      %add3A_135 = arith.constant 160 : i32
      %add3A_136 = arith.addi %mul3A_87, %add3A_135 : i32
      %mul3A_137 = arith.constant 102400 : i32
      %mul3A_138 = arith.muli %rem3A_31, %mul3A_137 : i32
      %add3A_139 = arith.addi %mul3A_138, %mul3A_29 : i32
      %add3A_140 = arith.addi %add3A_139, %mul3A_87 : i32
      %add3A_141 = arith.constant 160 : i32
      %add3A_142 = arith.addi %add3A_140, %add3A_141 : i32
      %dma_start3A_143 = arith.constant 0 : i32
      %dma_start3A_144 = tpu.memref_slice %arg7[%add3A_142, %dma_start3A_143] : memref<204800x128xf32, #tpu.memory_space<hbm>> -> memref<40x128xf32, #tpu.memory_space<hbm>>
      %dma_start3A_145 = arith.constant 0 : i32
      %dma_start3A_146 = tpu.memref_slice %arg17[%add3A_136, %dma_start3A_145] : memref<6408x128xf32, #tpu.memory_space<vmem_shared>> -> memref<40x128xf32, #tpu.memory_space<vmem_shared>>
      tpu.enqueue_dma source(%dma_start3A_146 : memref<40x128xf32, #tpu.memory_space<vmem_shared>>) target(%dma_start3A_144 : memref<40x128xf32, #tpu.memory_space<hbm>>) target_semaphore(%arg18 : memref<!tpu.dma_semaphore, #tpu.memory_space<semaphore_mem>>)
      %add3A_147 = arith.constant 200 : i32
      %add3A_148 = arith.addi %mul3A_87, %add3A_147 : i32
      %mul3A_149 = arith.constant 102400 : i32
      %mul3A_150 = arith.muli %rem3A_31, %mul3A_149 : i32
      %add3A_151 = arith.addi %mul3A_150, %mul3A_29 : i32
      %add3A_152 = arith.addi %add3A_151, %mul3A_87 : i32
      %add3A_153 = arith.constant 200 : i32
      %add3A_154 = arith.addi %add3A_152, %add3A_153 : i32
      %dma_start3A_155 = arith.constant 0 : i32
      %dma_start3A_156 = tpu.memref_slice %arg7[%add3A_154, %dma_start3A_155] : memref<204800x128xf32, #tpu.memory_space<hbm>> -> memref<40x128xf32, #tpu.memory_space<hbm>>
      %dma_start3A_157 = arith.constant 0 : i32
      %dma_start3A_158 = tpu.memref_slice %arg17[%add3A_148, %dma_start3A_157] : memref<6408x128xf32, #tpu.memory_space<vmem_shared>> -> memref<40x128xf32, #tpu.memory_space<vmem_shared>>
      tpu.enqueue_dma source(%dma_start3A_158 : memref<40x128xf32, #tpu.memory_space<vmem_shared>>) target(%dma_start3A_156 : memref<40x128xf32, #tpu.memory_space<hbm>>) target_semaphore(%arg18 : memref<!tpu.dma_semaphore, #tpu.memory_space<semaphore_mem>>)
      %add3A_159 = arith.constant 240 : i32
      %add3A_160 = arith.addi %mul3A_87, %add3A_159 : i32
      %mul3A_161 = arith.constant 102400 : i32
      %mul3A_162 = arith.muli %rem3A_31, %mul3A_161 : i32
      %add3A_163 = arith.addi %mul3A_162, %mul3A_29 : i32
      %add3A_164 = arith.addi %add3A_163, %mul3A_87 : i32
      %add3A_165 = arith.constant 240 : i32
      %add3A_166 = arith.addi %add3A_164, %add3A_165 : i32
      %dma_start3A_167 = arith.constant 0 : i32
      %dma_start3A_168 = tpu.memref_slice %arg7[%add3A_166, %dma_start3A_167] : memref<204800x128xf32, #tpu.memory_space<hbm>> -> memref<40x128xf32, #tpu.memory_space<hbm>>
      %dma_start3A_169 = arith.constant 0 : i32
      %dma_start3A_170 = tpu.memref_slice %arg17[%add3A_160, %dma_start3A_169] : memref<6408x128xf32, #tpu.memory_space<vmem_shared>> -> memref<40x128xf32, #tpu.memory_space<vmem_shared>>
      tpu.enqueue_dma source(%dma_start3A_170 : memref<40x128xf32, #tpu.memory_space<vmem_shared>>) target(%dma_start3A_168 : memref<40x128xf32, #tpu.memory_space<hbm>>) target_semaphore(%arg18 : memref<!tpu.dma_semaphore, #tpu.memory_space<semaphore_mem>>)
      %add3A_171 = arith.constant 280 : i32
      %add3A_172 = arith.addi %mul3A_87, %add3A_171 : i32
      %mul3A_173 = arith.constant 102400 : i32
      %mul3A_174 = arith.muli %rem3A_31, %mul3A_173 : i32
      %add3A_175 = arith.addi %mul3A_174, %mul3A_29 : i32
      %add3A_176 = arith.addi %add3A_175, %mul3A_87 : i32
      %add3A_177 = arith.constant 280 : i32
      %add3A_178 = arith.addi %add3A_176, %add3A_177 : i32
      %dma_start3A_179 = arith.constant 0 : i32
      %dma_start3A_180 = tpu.memref_slice %arg7[%add3A_178, %dma_start3A_179] : memref<204800x128xf32, #tpu.memory_space<hbm>> -> memref<40x128xf32, #tpu.memory_space<hbm>>
      %dma_start3A_181 = arith.constant 0 : i32
      %dma_start3A_182 = tpu.memref_slice %arg17[%add3A_172, %dma_start3A_181] : memref<6408x128xf32, #tpu.memory_space<vmem_shared>> -> memref<40x128xf32, #tpu.memory_space<vmem_shared>>
      tpu.enqueue_dma source(%dma_start3A_182 : memref<40x128xf32, #tpu.memory_space<vmem_shared>>) target(%dma_start3A_180 : memref<40x128xf32, #tpu.memory_space<hbm>>) target_semaphore(%arg18 : memref<!tpu.dma_semaphore, #tpu.memory_space<semaphore_mem>>)
      %add3A_183 = arith.constant 320 : i32
      %add3A_184 = arith.addi %mul3A_87, %add3A_183 : i32
      %mul3A_185 = arith.constant 102400 : i32
      %mul3A_186 = arith.muli %rem3A_31, %mul3A_185 : i32
      %add3A_187 = arith.addi %mul3A_186, %mul3A_29 : i32
      %add3A_188 = arith.addi %add3A_187, %mul3A_87 : i32
      %add3A_189 = arith.constant 320 : i32
      %add3A_190 = arith.addi %add3A_188, %add3A_189 : i32
      %dma_start3A_191 = arith.constant 0 : i32
      %dma_start3A_192 = tpu.memref_slice %arg7[%add3A_190, %dma_start3A_191] : memref<204800x128xf32, #tpu.memory_space<hbm>> -> memref<40x128xf32, #tpu.memory_space<hbm>>
      %dma_start3A_193 = arith.constant 0 : i32
      %dma_start3A_194 = tpu.memref_slice %arg17[%add3A_184, %dma_start3A_193] : memref<6408x128xf32, #tpu.memory_space<vmem_shared>> -> memref<40x128xf32, #tpu.memory_space<vmem_shared>>
      tpu.enqueue_dma source(%dma_start3A_194 : memref<40x128xf32, #tpu.memory_space<vmem_shared>>) target(%dma_start3A_192 : memref<40x128xf32, #tpu.memory_space<hbm>>) target_semaphore(%arg18 : memref<!tpu.dma_semaphore, #tpu.memory_space<semaphore_mem>>)
      %add3A_195 = arith.constant 360 : i32
      %add3A_196 = arith.addi %mul3A_87, %add3A_195 : i32
      %mul3A_197 = arith.constant 102400 : i32
      %mul3A_198 = arith.muli %rem3A_31, %mul3A_197 : i32
      %add3A_199 = arith.addi %mul3A_198, %mul3A_29 : i32
      %add3A_200 = arith.addi %add3A_199, %mul3A_87 : i32
      %add3A_201 = arith.constant 360 : i32
      %add3A_202 = arith.addi %add3A_200, %add3A_201 : i32
      %dma_start3A_203 = arith.constant 0 : i32
      %dma_start3A_204 = tpu.memref_slice %arg7[%add3A_202, %dma_start3A_203] : memref<204800x128xf32, #tpu.memory_space<hbm>> -> memref<40x128xf32, #tpu.memory_space<hbm>>
      %dma_start3A_205 = arith.constant 0 : i32
      %dma_start3A_206 = tpu.memref_slice %arg17[%add3A_196, %dma_start3A_205] : memref<6408x128xf32, #tpu.memory_space<vmem_shared>> -> memref<40x128xf32, #tpu.memory_space<vmem_shared>>
      tpu.enqueue_dma source(%dma_start3A_206 : memref<40x128xf32, #tpu.memory_space<vmem_shared>>) target(%dma_start3A_204 : memref<40x128xf32, #tpu.memory_space<hbm>>) target_semaphore(%arg18 : memref<!tpu.dma_semaphore, #tpu.memory_space<semaphore_mem>>)
      %dma_wait3A = arith.constant 0 : i32
      %dma_wait3A_207 = tpu.memref_slice %arg7[%add3A_95, %dma_wait3A] : memref<204800x128xf32, #tpu.memory_space<hbm>> -> memref<40x128xf32, #tpu.memory_space<hbm>>
      %dma_wait3A_208 = arith.constant 0 : i32
      %dma_wait3A_209 = tpu.memref_slice %arg17[%add3A_89, %dma_wait3A_208] : memref<6408x128xf32, #tpu.memory_space<vmem_shared>> -> memref<40x128xf32, #tpu.memory_space<vmem_shared>>
      tpu.wait_dma2 semaphore(%arg18 : memref<!tpu.dma_semaphore, #tpu.memory_space<semaphore_mem>>) src(%dma_wait3A_209 : memref<40x128xf32, #tpu.memory_space<vmem_shared>>) dst(%dma_wait3A_207 : memref<40x128xf32, #tpu.memory_space<hbm>>)
      %dma_wait3A_210 = arith.constant 0 : i32
      %dma_wait3A_211 = tpu.memref_slice %arg7[%add3A_106, %dma_wait3A_210] : memref<204800x128xf32, #tpu.memory_space<hbm>> -> memref<40x128xf32, #tpu.memory_space<hbm>>
      %dma_wait3A_212 = arith.constant 0 : i32
      %dma_wait3A_213 = tpu.memref_slice %arg17[%add3A_100, %dma_wait3A_212] : memref<6408x128xf32, #tpu.memory_space<vmem_shared>> -> memref<40x128xf32, #tpu.memory_space<vmem_shared>>
      tpu.wait_dma2 semaphore(%arg18 : memref<!tpu.dma_semaphore, #tpu.memory_space<semaphore_mem>>) src(%dma_wait3A_213 : memref<40x128xf32, #tpu.memory_space<vmem_shared>>) dst(%dma_wait3A_211 : memref<40x128xf32, #tpu.memory_space<hbm>>)
      %dma_wait3A_214 = arith.constant 0 : i32
      %dma_wait3A_215 = tpu.memref_slice %arg7[%add3A_118, %dma_wait3A_214] : memref<204800x128xf32, #tpu.memory_space<hbm>> -> memref<40x128xf32, #tpu.memory_space<hbm>>
      %dma_wait3A_216 = arith.constant 0 : i32
      %dma_wait3A_217 = tpu.memref_slice %arg17[%add3A_112, %dma_wait3A_216] : memref<6408x128xf32, #tpu.memory_space<vmem_shared>> -> memref<40x128xf32, #tpu.memory_space<vmem_shared>>
      tpu.wait_dma2 semaphore(%arg18 : memref<!tpu.dma_semaphore, #tpu.memory_space<semaphore_mem>>) src(%dma_wait3A_217 : memref<40x128xf32, #tpu.memory_space<vmem_shared>>) dst(%dma_wait3A_215 : memref<40x128xf32, #tpu.memory_space<hbm>>)
      %dma_wait3A_218 = arith.constant 0 : i32
      %dma_wait3A_219 = tpu.memref_slice %arg7[%add3A_130, %dma_wait3A_218] : memref<204800x128xf32, #tpu.memory_space<hbm>> -> memref<40x128xf32, #tpu.memory_space<hbm>>
      %dma_wait3A_220 = arith.constant 0 : i32
      %dma_wait3A_221 = tpu.memref_slice %arg17[%add3A_124, %dma_wait3A_220] : memref<6408x128xf32, #tpu.memory_space<vmem_shared>> -> memref<40x128xf32, #tpu.memory_space<vmem_shared>>
      tpu.wait_dma2 semaphore(%arg18 : memref<!tpu.dma_semaphore, #tpu.memory_space<semaphore_mem>>) src(%dma_wait3A_221 : memref<40x128xf32, #tpu.memory_space<vmem_shared>>) dst(%dma_wait3A_219 : memref<40x128xf32, #tpu.memory_space<hbm>>)
      %dma_wait3A_222 = arith.constant 0 : i32
      %dma_wait3A_223 = tpu.memref_slice %arg7[%add3A_142, %dma_wait3A_222] : memref<204800x128xf32, #tpu.memory_space<hbm>> -> memref<40x128xf32, #tpu.memory_space<hbm>>
      %dma_wait3A_224 = arith.constant 0 : i32
      %dma_wait3A_225 = tpu.memref_slice %arg17[%add3A_136, %dma_wait3A_224] : memref<6408x128xf32, #tpu.memory_space<vmem_shared>> -> memref<40x128xf32, #tpu.memory_space<vmem_shared>>
      tpu.wait_dma2 semaphore(%arg18 : memref<!tpu.dma_semaphore, #tpu.memory_space<semaphore_mem>>) src(%dma_wait3A_225 : memref<40x128xf32, #tpu.memory_space<vmem_shared>>) dst(%dma_wait3A_223 : memref<40x128xf32, #tpu.memory_space<hbm>>)
      %dma_wait3A_226 = arith.constant 0 : i32
      %dma_wait3A_227 = tpu.memref_slice %arg7[%add3A_154, %dma_wait3A_226] : memref<204800x128xf32, #tpu.memory_space<hbm>> -> memref<40x128xf32, #tpu.memory_space<hbm>>
      %dma_wait3A_228 = arith.constant 0 : i32
      %dma_wait3A_229 = tpu.memref_slice %arg17[%add3A_148, %dma_wait3A_228] : memref<6408x128xf32, #tpu.memory_space<vmem_shared>> -> memref<40x128xf32, #tpu.memory_space<vmem_shared>>
      tpu.wait_dma2 semaphore(%arg18 : memref<!tpu.dma_semaphore, #tpu.memory_space<semaphore_mem>>) src(%dma_wait3A_229 : memref<40x128xf32, #tpu.memory_space<vmem_shared>>) dst(%dma_wait3A_227 : memref<40x128xf32, #tpu.memory_space<hbm>>)
      %dma_wait3A_230 = arith.constant 0 : i32
      %dma_wait3A_231 = tpu.memref_slice %arg7[%add3A_166, %dma_wait3A_230] : memref<204800x128xf32, #tpu.memory_space<hbm>> -> memref<40x128xf32, #tpu.memory_space<hbm>>
      %dma_wait3A_232 = arith.constant 0 : i32
      %dma_wait3A_233 = tpu.memref_slice %arg17[%add3A_160, %dma_wait3A_232] : memref<6408x128xf32, #tpu.memory_space<vmem_shared>> -> memref<40x128xf32, #tpu.memory_space<vmem_shared>>
      tpu.wait_dma2 semaphore(%arg18 : memref<!tpu.dma_semaphore, #tpu.memory_space<semaphore_mem>>) src(%dma_wait3A_233 : memref<40x128xf32, #tpu.memory_space<vmem_shared>>) dst(%dma_wait3A_231 : memref<40x128xf32, #tpu.memory_space<hbm>>)
      %dma_wait3A_234 = arith.constant 0 : i32
      %dma_wait3A_235 = tpu.memref_slice %arg7[%add3A_178, %dma_wait3A_234] : memref<204800x128xf32, #tpu.memory_space<hbm>> -> memref<40x128xf32, #tpu.memory_space<hbm>>
      %dma_wait3A_236 = arith.constant 0 : i32
      %dma_wait3A_237 = tpu.memref_slice %arg17[%add3A_172, %dma_wait3A_236] : memref<6408x128xf32, #tpu.memory_space<vmem_shared>> -> memref<40x128xf32, #tpu.memory_space<vmem_shared>>
      tpu.wait_dma2 semaphore(%arg18 : memref<!tpu.dma_semaphore, #tpu.memory_space<semaphore_mem>>) src(%dma_wait3A_237 : memref<40x128xf32, #tpu.memory_space<vmem_shared>>) dst(%dma_wait3A_235 : memref<40x128xf32, #tpu.memory_space<hbm>>)
      %dma_wait3A_238 = arith.constant 0 : i32
      %dma_wait3A_239 = tpu.memref_slice %arg7[%add3A_190, %dma_wait3A_238] : memref<204800x128xf32, #tpu.memory_space<hbm>> -> memref<40x128xf32, #tpu.memory_space<hbm>>
      %dma_wait3A_240 = arith.constant 0 : i32
      %dma_wait3A_241 = tpu.memref_slice %arg17[%add3A_184, %dma_wait3A_240] : memref<6408x128xf32, #tpu.memory_space<vmem_shared>> -> memref<40x128xf32, #tpu.memory_space<vmem_shared>>
      tpu.wait_dma2 semaphore(%arg18 : memref<!tpu.dma_semaphore, #tpu.memory_space<semaphore_mem>>) src(%dma_wait3A_241 : memref<40x128xf32, #tpu.memory_space<vmem_shared>>) dst(%dma_wait3A_239 : memref<40x128xf32, #tpu.memory_space<hbm>>)
      %dma_wait3A_242 = arith.constant 0 : i32
      %dma_wait3A_243 = tpu.memref_slice %arg7[%add3A_202, %dma_wait3A_242] : memref<204800x128xf32, #tpu.memory_space<hbm>> -> memref<40x128xf32, #tpu.memory_space<hbm>>
      %dma_wait3A_244 = arith.constant 0 : i32
      %dma_wait3A_245 = tpu.memref_slice %arg17[%add3A_196, %dma_wait3A_244] : memref<6408x128xf32, #tpu.memory_space<vmem_shared>> -> memref<40x128xf32, #tpu.memory_space<vmem_shared>>
      tpu.wait_dma2 semaphore(%arg18 : memref<!tpu.dma_semaphore, #tpu.memory_space<semaphore_mem>>) src(%dma_wait3A_245 : memref<40x128xf32, #tpu.memory_space<vmem_shared>>) dst(%dma_wait3A_243 : memref<40x128xf32, #tpu.memory_space<hbm>>)
      %add3A_246 = arith.constant 0 : i32
      %add3A_247 = arith.addi %mul3A_87, %add3A_246 : i32
      %dma_start3A_248 = arith.constant 0 : i32
      %dma_start3A_249 = tpu.memref_slice %arg17[%add3A_247, %dma_start3A_248] : memref<6408x128xf32, #tpu.memory_space<vmem_shared>> -> memref<40x128xf32, #tpu.memory_space<vmem_shared>>
      %dma_start3A_250 = arith.constant 0 : i32
      %dma_start3A_251 = tpu.memref_slice %arg17[%add3A_247, %dma_start3A_250] : memref<6408x128xf32, #tpu.memory_space<vmem_shared>> -> memref<40x128xf32, #tpu.memory_space<vmem_shared>>
      tpu.enqueue_dma source(%arg16 : memref<40x128xf32, #tpu.memory_space<vmem>>) target(%dma_start3A_251 : memref<40x128xf32, #tpu.memory_space<vmem_shared>>) target_semaphore(%arg18 : memref<!tpu.dma_semaphore, #tpu.memory_space<semaphore_mem>>)
      %add3A_252 = arith.constant 40 : i32
      %add3A_253 = arith.addi %mul3A_87, %add3A_252 : i32
      %dma_start3A_254 = arith.constant 0 : i32
      %dma_start3A_255 = tpu.memref_slice %arg17[%add3A_253, %dma_start3A_254] : memref<6408x128xf32, #tpu.memory_space<vmem_shared>> -> memref<40x128xf32, #tpu.memory_space<vmem_shared>>
      %dma_start3A_256 = arith.constant 0 : i32
      %dma_start3A_257 = tpu.memref_slice %arg17[%add3A_253, %dma_start3A_256] : memref<6408x128xf32, #tpu.memory_space<vmem_shared>> -> memref<40x128xf32, #tpu.memory_space<vmem_shared>>
      tpu.enqueue_dma source(%arg16 : memref<40x128xf32, #tpu.memory_space<vmem>>) target(%dma_start3A_257 : memref<40x128xf32, #tpu.memory_space<vmem_shared>>) target_semaphore(%arg18 : memref<!tpu.dma_semaphore, #tpu.memory_space<semaphore_mem>>)
      %add3A_258 = arith.constant 80 : i32
      %add3A_259 = arith.addi %mul3A_87, %add3A_258 : i32
      %dma_start3A_260 = arith.constant 0 : i32
      %dma_start3A_261 = tpu.memref_slice %arg17[%add3A_259, %dma_start3A_260] : memref<6408x128xf32, #tpu.memory_space<vmem_shared>> -> memref<40x128xf32, #tpu.memory_space<vmem_shared>>
      %dma_start3A_262 = arith.constant 0 : i32
      %dma_start3A_263 = tpu.memref_slice %arg17[%add3A_259, %dma_start3A_262] : memref<6408x128xf32, #tpu.memory_space<vmem_shared>> -> memref<40x128xf32, #tpu.memory_space<vmem_shared>>
      tpu.enqueue_dma source(%arg16 : memref<40x128xf32, #tpu.memory_space<vmem>>) target(%dma_start3A_263 : memref<40x128xf32, #tpu.memory_space<vmem_shared>>) target_semaphore(%arg18 : memref<!tpu.dma_semaphore, #tpu.memory_space<semaphore_mem>>)
      %add3A_264 = arith.constant 120 : i32
      %add3A_265 = arith.addi %mul3A_87, %add3A_264 : i32
      %dma_start3A_266 = arith.constant 0 : i32
      %dma_start3A_267 = tpu.memref_slice %arg17[%add3A_265, %dma_start3A_266] : memref<6408x128xf32, #tpu.memory_space<vmem_shared>> -> memref<40x128xf32, #tpu.memory_space<vmem_shared>>
      %dma_start3A_268 = arith.constant 0 : i32
      %dma_start3A_269 = tpu.memref_slice %arg17[%add3A_265, %dma_start3A_268] : memref<6408x128xf32, #tpu.memory_space<vmem_shared>> -> memref<40x128xf32, #tpu.memory_space<vmem_shared>>
      tpu.enqueue_dma source(%arg16 : memref<40x128xf32, #tpu.memory_space<vmem>>) target(%dma_start3A_269 : memref<40x128xf32, #tpu.memory_space<vmem_shared>>) target_semaphore(%arg18 : memref<!tpu.dma_semaphore, #tpu.memory_space<semaphore_mem>>)
      %add3A_270 = arith.constant 160 : i32
      %add3A_271 = arith.addi %mul3A_87, %add3A_270 : i32
      %dma_start3A_272 = arith.constant 0 : i32
      %dma_start3A_273 = tpu.memref_slice %arg17[%add3A_271, %dma_start3A_272] : memref<6408x128xf32, #tpu.memory_space<vmem_shared>> -> memref<40x128xf32, #tpu.memory_space<vmem_shared>>
      %dma_start3A_274 = arith.constant 0 : i32
      %dma_start3A_275 = tpu.memref_slice %arg17[%add3A_271, %dma_start3A_274] : memref<6408x128xf32, #tpu.memory_space<vmem_shared>> -> memref<40x128xf32, #tpu.memory_space<vmem_shared>>
      tpu.enqueue_dma source(%arg16 : memref<40x128xf32, #tpu.memory_space<vmem>>) target(%dma_start3A_275 : memref<40x128xf32, #tpu.memory_space<vmem_shared>>) target_semaphore(%arg18 : memref<!tpu.dma_semaphore, #tpu.memory_space<semaphore_mem>>)
      %add3A_276 = arith.constant 200 : i32
      %add3A_277 = arith.addi %mul3A_87, %add3A_276 : i32
      %dma_start3A_278 = arith.constant 0 : i32
      %dma_start3A_279 = tpu.memref_slice %arg17[%add3A_277, %dma_start3A_278] : memref<6408x128xf32, #tpu.memory_space<vmem_shared>> -> memref<40x128xf32, #tpu.memory_space<vmem_shared>>
      %dma_start3A_280 = arith.constant 0 : i32
      %dma_start3A_281 = tpu.memref_slice %arg17[%add3A_277, %dma_start3A_280] : memref<6408x128xf32, #tpu.memory_space<vmem_shared>> -> memref<40x128xf32, #tpu.memory_space<vmem_shared>>
      tpu.enqueue_dma source(%arg16 : memref<40x128xf32, #tpu.memory_space<vmem>>) target(%dma_start3A_281 : memref<40x128xf32, #tpu.memory_space<vmem_shared>>) target_semaphore(%arg18 : memref<!tpu.dma_semaphore, #tpu.memory_space<semaphore_mem>>)
      %add3A_282 = arith.constant 240 : i32
      %add3A_283 = arith.addi %mul3A_87, %add3A_282 : i32
      %dma_start3A_284 = arith.constant 0 : i32
      %dma_start3A_285 = tpu.memref_slice %arg17[%add3A_283, %dma_start3A_284] : memref<6408x128xf32, #tpu.memory_space<vmem_shared>> -> memref<40x128xf32, #tpu.memory_space<vmem_shared>>
      %dma_start3A_286 = arith.constant 0 : i32
      %dma_start3A_287 = tpu.memref_slice %arg17[%add3A_283, %dma_start3A_286] : memref<6408x128xf32, #tpu.memory_space<vmem_shared>> -> memref<40x128xf32, #tpu.memory_space<vmem_shared>>
      tpu.enqueue_dma source(%arg16 : memref<40x128xf32, #tpu.memory_space<vmem>>) target(%dma_start3A_287 : memref<40x128xf32, #tpu.memory_space<vmem_shared>>) target_semaphore(%arg18 : memref<!tpu.dma_semaphore, #tpu.memory_space<semaphore_mem>>)
      %add3A_288 = arith.constant 280 : i32
      %add3A_289 = arith.addi %mul3A_87, %add3A_288 : i32
      %dma_start3A_290 = arith.constant 0 : i32
      %dma_start3A_291 = tpu.memref_slice %arg17[%add3A_289, %dma_start3A_290] : memref<6408x128xf32, #tpu.memory_space<vmem_shared>> -> memref<40x128xf32, #tpu.memory_space<vmem_shared>>
      %dma_start3A_292 = arith.constant 0 : i32
      %dma_start3A_293 = tpu.memref_slice %arg17[%add3A_289, %dma_start3A_292] : memref<6408x128xf32, #tpu.memory_space<vmem_shared>> -> memref<40x128xf32, #tpu.memory_space<vmem_shared>>
      tpu.enqueue_dma source(%arg16 : memref<40x128xf32, #tpu.memory_space<vmem>>) target(%dma_start3A_293 : memref<40x128xf32, #tpu.memory_space<vmem_shared>>) target_semaphore(%arg18 : memref<!tpu.dma_semaphore, #tpu.memory_space<semaphore_mem>>)
      %add3A_294 = arith.constant 320 : i32
      %add3A_295 = arith.addi %mul3A_87, %add3A_294 : i32
      %dma_start3A_296 = arith.constant 0 : i32
      %dma_start3A_297 = tpu.memref_slice %arg17[%add3A_295, %dma_start3A_296] : memref<6408x128xf32, #tpu.memory_space<vmem_shared>> -> memref<40x128xf32, #tpu.memory_space<vmem_shared>>
      %dma_start3A_298 = arith.constant 0 : i32
      %dma_start3A_299 = tpu.memref_slice %arg17[%add3A_295, %dma_start3A_298] : memref<6408x128xf32, #tpu.memory_space<vmem_shared>> -> memref<40x128xf32, #tpu.memory_space<vmem_shared>>
      tpu.enqueue_dma source(%arg16 : memref<40x128xf32, #tpu.memory_space<vmem>>) target(%dma_start3A_299 : memref<40x128xf32, #tpu.memory_space<vmem_shared>>) target_semaphore(%arg18 : memref<!tpu.dma_semaphore, #tpu.memory_space<semaphore_mem>>)
      %add3A_300 = arith.constant 360 : i32
      %add3A_301 = arith.addi %mul3A_87, %add3A_300 : i32
      %dma_start3A_302 = arith.constant 0 : i32
      %dma_start3A_303 = tpu.memref_slice %arg17[%add3A_301, %dma_start3A_302] : memref<6408x128xf32, #tpu.memory_space<vmem_shared>> -> memref<40x128xf32, #tpu.memory_space<vmem_shared>>
      %dma_start3A_304 = arith.constant 0 : i32
      %dma_start3A_305 = tpu.memref_slice %arg17[%add3A_301, %dma_start3A_304] : memref<6408x128xf32, #tpu.memory_space<vmem_shared>> -> memref<40x128xf32, #tpu.memory_space<vmem_shared>>
      tpu.enqueue_dma source(%arg16 : memref<40x128xf32, #tpu.memory_space<vmem>>) target(%dma_start3A_305 : memref<40x128xf32, #tpu.memory_space<vmem_shared>>) target_semaphore(%arg18 : memref<!tpu.dma_semaphore, #tpu.memory_space<semaphore_mem>>)
      %dma_wait3A_306 = arith.constant 0 : i32
      %dma_wait3A_307 = tpu.memref_slice %arg17[%add3A_247, %dma_wait3A_306] : memref<6408x128xf32, #tpu.memory_space<vmem_shared>> -> memref<40x128xf32, #tpu.memory_space<vmem_shared>>
      %dma_wait3A_308 = arith.constant 0 : i32
      %dma_wait3A_309 = tpu.memref_slice %arg17[%add3A_247, %dma_wait3A_308] : memref<6408x128xf32, #tpu.memory_space<vmem_shared>> -> memref<40x128xf32, #tpu.memory_space<vmem_shared>>
      tpu.wait_dma2 semaphore(%arg18 : memref<!tpu.dma_semaphore, #tpu.memory_space<semaphore_mem>>) src(%arg16 : memref<40x128xf32, #tpu.memory_space<vmem>>) dst(%dma_wait3A_309 : memref<40x128xf32, #tpu.memory_space<vmem_shared>>)
      %dma_wait3A_310 = arith.constant 0 : i32
      %dma_wait3A_311 = tpu.memref_slice %arg17[%add3A_253, %dma_wait3A_310] : memref<6408x128xf32, #tpu.memory_space<vmem_shared>> -> memref<40x128xf32, #tpu.memory_space<vmem_shared>>
      %dma_wait3A_312 = arith.constant 0 : i32
      %dma_wait3A_313 = tpu.memref_slice %arg17[%add3A_253, %dma_wait3A_312] : memref<6408x128xf32, #tpu.memory_space<vmem_shared>> -> memref<40x128xf32, #tpu.memory_space<vmem_shared>>
      tpu.wait_dma2 semaphore(%arg18 : memref<!tpu.dma_semaphore, #tpu.memory_space<semaphore_mem>>) src(%arg16 : memref<40x128xf32, #tpu.memory_space<vmem>>) dst(%dma_wait3A_313 : memref<40x128xf32, #tpu.memory_space<vmem_shared>>)
      %dma_wait3A_314 = arith.constant 0 : i32
      %dma_wait3A_315 = tpu.memref_slice %arg17[%add3A_259, %dma_wait3A_314] : memref<6408x128xf32, #tpu.memory_space<vmem_shared>> -> memref<40x128xf32, #tpu.memory_space<vmem_shared>>
      %dma_wait3A_316 = arith.constant 0 : i32
      %dma_wait3A_317 = tpu.memref_slice %arg17[%add3A_259, %dma_wait3A_316] : memref<6408x128xf32, #tpu.memory_space<vmem_shared>> -> memref<40x128xf32, #tpu.memory_space<vmem_shared>>
      tpu.wait_dma2 semaphore(%arg18 : memref<!tpu.dma_semaphore, #tpu.memory_space<semaphore_mem>>) src(%arg16 : memref<40x128xf32, #tpu.memory_space<vmem>>) dst(%dma_wait3A_317 : memref<40x128xf32, #tpu.memory_space<vmem_shared>>)
      %dma_wait3A_318 = arith.constant 0 : i32
      %dma_wait3A_319 = tpu.memref_slice %arg17[%add3A_265, %dma_wait3A_318] : memref<6408x128xf32, #tpu.memory_space<vmem_shared>> -> memref<40x128xf32, #tpu.memory_space<vmem_shared>>
      %dma_wait3A_320 = arith.constant 0 : i32
      %dma_wait3A_321 = tpu.memref_slice %arg17[%add3A_265, %dma_wait3A_320] : memref<6408x128xf32, #tpu.memory_space<vmem_shared>> -> memref<40x128xf32, #tpu.memory_space<vmem_shared>>
      tpu.wait_dma2 semaphore(%arg18 : memref<!tpu.dma_semaphore, #tpu.memory_space<semaphore_mem>>) src(%arg16 : memref<40x128xf32, #tpu.memory_space<vmem>>) dst(%dma_wait3A_321 : memref<40x128xf32, #tpu.memory_space<vmem_shared>>)
      %dma_wait3A_322 = arith.constant 0 : i32
      %dma_wait3A_323 = tpu.memref_slice %arg17[%add3A_271, %dma_wait3A_322] : memref<6408x128xf32, #tpu.memory_space<vmem_shared>> -> memref<40x128xf32, #tpu.memory_space<vmem_shared>>
      %dma_wait3A_324 = arith.constant 0 : i32
      %dma_wait3A_325 = tpu.memref_slice %arg17[%add3A_271, %dma_wait3A_324] : memref<6408x128xf32, #tpu.memory_space<vmem_shared>> -> memref<40x128xf32, #tpu.memory_space<vmem_shared>>
      tpu.wait_dma2 semaphore(%arg18 : memref<!tpu.dma_semaphore, #tpu.memory_space<semaphore_mem>>) src(%arg16 : memref<40x128xf32, #tpu.memory_space<vmem>>) dst(%dma_wait3A_325 : memref<40x128xf32, #tpu.memory_space<vmem_shared>>)
      %dma_wait3A_326 = arith.constant 0 : i32
      %dma_wait3A_327 = tpu.memref_slice %arg17[%add3A_277, %dma_wait3A_326] : memref<6408x128xf32, #tpu.memory_space<vmem_shared>> -> memref<40x128xf32, #tpu.memory_space<vmem_shared>>
      %dma_wait3A_328 = arith.constant 0 : i32
      %dma_wait3A_329 = tpu.memref_slice %arg17[%add3A_277, %dma_wait3A_328] : memref<6408x128xf32, #tpu.memory_space<vmem_shared>> -> memref<40x128xf32, #tpu.memory_space<vmem_shared>>
      tpu.wait_dma2 semaphore(%arg18 : memref<!tpu.dma_semaphore, #tpu.memory_space<semaphore_mem>>) src(%arg16 : memref<40x128xf32, #tpu.memory_space<vmem>>) dst(%dma_wait3A_329 : memref<40x128xf32, #tpu.memory_space<vmem_shared>>)
      %dma_wait3A_330 = arith.constant 0 : i32
      %dma_wait3A_331 = tpu.memref_slice %arg17[%add3A_283, %dma_wait3A_330] : memref<6408x128xf32, #tpu.memory_space<vmem_shared>> -> memref<40x128xf32, #tpu.memory_space<vmem_shared>>
      %dma_wait3A_332 = arith.constant 0 : i32
      %dma_wait3A_333 = tpu.memref_slice %arg17[%add3A_283, %dma_wait3A_332] : memref<6408x128xf32, #tpu.memory_space<vmem_shared>> -> memref<40x128xf32, #tpu.memory_space<vmem_shared>>
      tpu.wait_dma2 semaphore(%arg18 : memref<!tpu.dma_semaphore, #tpu.memory_space<semaphore_mem>>) src(%arg16 : memref<40x128xf32, #tpu.memory_space<vmem>>) dst(%dma_wait3A_333 : memref<40x128xf32, #tpu.memory_space<vmem_shared>>)
      %dma_wait3A_334 = arith.constant 0 : i32
      %dma_wait3A_335 = tpu.memref_slice %arg17[%add3A_289, %dma_wait3A_334] : memref<6408x128xf32, #tpu.memory_space<vmem_shared>> -> memref<40x128xf32, #tpu.memory_space<vmem_shared>>
      %dma_wait3A_336 = arith.constant 0 : i32
      %dma_wait3A_337 = tpu.memref_slice %arg17[%add3A_289, %dma_wait3A_336] : memref<6408x128xf32, #tpu.memory_space<vmem_shared>> -> memref<40x128xf32, #tpu.memory_space<vmem_shared>>
      tpu.wait_dma2 semaphore(%arg18 : memref<!tpu.dma_semaphore, #tpu.memory_space<semaphore_mem>>) src(%arg16 : memref<40x128xf32, #tpu.memory_space<vmem>>) dst(%dma_wait3A_337 : memref<40x128xf32, #tpu.memory_space<vmem_shared>>)
      %dma_wait3A_338 = arith.constant 0 : i32
      %dma_wait3A_339 = tpu.memref_slice %arg17[%add3A_295, %dma_wait3A_338] : memref<6408x128xf32, #tpu.memory_space<vmem_shared>> -> memref<40x128xf32, #tpu.memory_space<vmem_shared>>
      %dma_wait3A_340 = arith.constant 0 : i32
      %dma_wait3A_341 = tpu.memref_slice %arg17[%add3A_295, %dma_wait3A_340] : memref<6408x128xf32, #tpu.memory_space<vmem_shared>> -> memref<40x128xf32, #tpu.memory_space<vmem_shared>>
      tpu.wait_dma2 semaphore(%arg18 : memref<!tpu.dma_semaphore, #tpu.memory_space<semaphore_mem>>) src(%arg16 : memref<40x128xf32, #tpu.memory_space<vmem>>) dst(%dma_wait3A_341 : memref<40x128xf32, #tpu.memory_space<vmem_shared>>)
      %dma_wait3A_342 = arith.constant 0 : i32
      %dma_wait3A_343 = tpu.memref_slice %arg17[%add3A_301, %dma_wait3A_342] : memref<6408x128xf32, #tpu.memory_space<vmem_shared>> -> memref<40x128xf32, #tpu.memory_space<vmem_shared>>
      %dma_wait3A_344 = arith.constant 0 : i32
      %dma_wait3A_345 = tpu.memref_slice %arg17[%add3A_301, %dma_wait3A_344] : memref<6408x128xf32, #tpu.memory_space<vmem_shared>> -> memref<40x128xf32, #tpu.memory_space<vmem_shared>>
      tpu.wait_dma2 semaphore(%arg18 : memref<!tpu.dma_semaphore, #tpu.memory_space<semaphore_mem>>) src(%arg16 : memref<40x128xf32, #tpu.memory_space<vmem>>) dst(%dma_wait3A_345 : memref<40x128xf32, #tpu.memory_space<vmem_shared>>)
      %barrier3A_346 = arith.constant 0 : index
      tpu.barrier barrier_id(%barrier3A_346)
      %scan3A_347 = arith.constant 0 : i32
      scf.yield %scan3A_347 : i32
    }
    %scan3A_26 = arith.constant 16 : i32
    return
  }
}

#map = affine_map<(d0, d1) -> (0, 0)>
#map1 = affine_map<(d0, d1) -> (0)>
module attributes {stable_mosaic.version = 14 : i64} {
  func.func @_sc_edge_sweep(%arg0: i32, %arg1: i32, %arg2: memref<102400x128xf32, #tpu.memory_space<hbm>>, %arg3: memref<102400x256xf32, #tpu.memory_space<hbm>>, %arg4: memref<102400x128xf32, #tpu.memory_space<hbm>>, %arg5: memref<102400xi32, #tpu.memory_space<hbm>>, %arg6: memref<102400xi32, #tpu.memory_space<hbm>>, %arg7: memref<204800x128xf32, #tpu.memory_space<hbm>>, %arg8: memref<800xi32, #tpu.memory_space<vmem>>, %arg9: memref<800xi32, #tpu.memory_space<vmem>>, %arg10: memref<101x64xi32, #tpu.memory_space<vmem>>, %arg11: memref<101x64xi32, #tpu.memory_space<vmem>>, %arg12: memref<101x64xi32, #tpu.memory_space<vmem>>, %arg13: memref<64x128xf32, #tpu.memory_space<vmem>>, %arg14: memref<64x256xf32, #tpu.memory_space<vmem>>, %arg15: memref<64x128xf32, #tpu.memory_space<vmem>>, %arg16: memref<40x128xf32, #tpu.memory_space<vmem>>, %arg17: memref<6408x128xf32, #tpu.memory_space<vmem_shared>>, %arg18: memref<!tpu.dma_semaphore, #tpu.memory_space<semaphore_mem>>) attributes {dimension_semantics = [#tpu.dimension_semantics<core_parallel>, #tpu.dimension_semantics<subcore_parallel>], iteration_bounds = array<i64: 2, 16>, scalar_prefetch = 0 : i64, scratch_operands = 11 : i64, tpu.core_type = #tpu.core_type<sc_vector_subcore>, window_params = [{transform_indices = #map}, {transform_indices = #map}, {transform_indices = #map}, {transform_indices = #map1}, {transform_indices = #map1}, {transform_indices = #map}]} {
    %broadcast_in_dim3A = arith.constant 0.000000e+00 : f32
    %broadcast_in_dim3A_0 = vector.broadcast %broadcast_in_dim3A : f32 to vector<16xf32>
    %scan3A = arith.constant 0 : i32
    %scan3A_1 = arith.constant 0 : i32
    %scan3A_2 = arith.constant 40 : i32
    %scan3A_3 = arith.addi %scan3A_1, %scan3A_2 : i32
    %scan3A_4 = arith.constant 1 : i32
    %scan3A_5 = scf.for %scan3A_27 = %scan3A_1 to %scan3A_3 step %scan3A_4 iter_args(%scan3A_28 = %scan3A) -> (i32)  : i32 {
      %swap3A = arith.index_cast %scan3A_27 : i32 to index
      %swap3A_29 = arith.constant 0 : index
      %swap3A_30 = tpu.vector_load %arg16[%swap3A, %swap3A_29] {strides = array<i32>} : memref<40x128xf32, #tpu.memory_space<vmem>>, vector<16xf32>,
      tpu.vector_store %arg16[%swap3A, %swap3A_29], %broadcast_in_dim3A_0 {strides = array<i32>} : memref<40x128xf32, #tpu.memory_space<vmem>>, vector<16xf32>,
      %swap3A_31 = arith.index_cast %scan3A_27 : i32 to index
      %swap3A_32 = arith.constant 16 : index
      %swap3A_33 = tpu.vector_load %arg16[%swap3A_31, %swap3A_32] {strides = array<i32>} : memref<40x128xf32, #tpu.memory_space<vmem>>, vector<16xf32>,
      tpu.vector_store %arg16[%swap3A_31, %swap3A_32], %broadcast_in_dim3A_0 {strides = array<i32>} : memref<40x128xf32, #tpu.memory_space<vmem>>, vector<16xf32>,
      %swap3A_34 = arith.index_cast %scan3A_27 : i32 to index
      %swap3A_35 = arith.constant 32 : index
      %swap3A_36 = tpu.vector_load %arg16[%swap3A_34, %swap3A_35] {strides = array<i32>} : memref<40x128xf32, #tpu.memory_space<vmem>>, vector<16xf32>,
      tpu.vector_store %arg16[%swap3A_34, %swap3A_35], %broadcast_in_dim3A_0 {strides = array<i32>} : memref<40x128xf32, #tpu.memory_space<vmem>>, vector<16xf32>,
      %swap3A_37 = arith.index_cast %scan3A_27 : i32 to index
      %swap3A_38 = arith.constant 48 : index
      %swap3A_39 = tpu.vector_load %arg16[%swap3A_37, %swap3A_38] {strides = array<i32>} : memref<40x128xf32, #tpu.memory_space<vmem>>, vector<16xf32>,
      tpu.vector_store %arg16[%swap3A_37, %swap3A_38], %broadcast_in_dim3A_0 {strides = array<i32>} : memref<40x128xf32, #tpu.memory_space<vmem>>, vector<16xf32>,
      %swap3A_40 = arith.index_cast %scan3A_27 : i32 to index
      %swap3A_41 = arith.constant 64 : index
      %swap3A_42 = tpu.vector_load %arg16[%swap3A_40, %swap3A_41] {strides = array<i32>} : memref<40x128xf32, #tpu.memory_space<vmem>>, vector<16xf32>,
      tpu.vector_store %arg16[%swap3A_40, %swap3A_41], %broadcast_in_dim3A_0 {strides = array<i32>} : memref<40x128xf32, #tpu.memory_space<vmem>>, vector<16xf32>,
      %swap3A_43 = arith.index_cast %scan3A_27 : i32 to index
      %swap3A_44 = arith.constant 80 : index
      %swap3A_45 = tpu.vector_load %arg16[%swap3A_43, %swap3A_44] {strides = array<i32>} : memref<40x128xf32, #tpu.memory_space<vmem>>, vector<16xf32>,
      tpu.vector_store %arg16[%swap3A_43, %swap3A_44], %broadcast_in_dim3A_0 {strides = array<i32>} : memref<40x128xf32, #tpu.memory_space<vmem>>, vector<16xf32>,
      %swap3A_46 = arith.index_cast %scan3A_27 : i32 to index
      %swap3A_47 = arith.constant 96 : index
      %swap3A_48 = tpu.vector_load %arg16[%swap3A_46, %swap3A_47] {strides = array<i32>} : memref<40x128xf32, #tpu.memory_space<vmem>>, vector<16xf32>,
      tpu.vector_store %arg16[%swap3A_46, %swap3A_47], %broadcast_in_dim3A_0 {strides = array<i32>} : memref<40x128xf32, #tpu.memory_space<vmem>>, vector<16xf32>,
      %swap3A_49 = arith.index_cast %scan3A_27 : i32 to index
      %swap3A_50 = arith.constant 112 : index
      %swap3A_51 = tpu.vector_load %arg16[%swap3A_49, %swap3A_50] {strides = array<i32>} : memref<40x128xf32, #tpu.memory_space<vmem>>, vector<16xf32>,
      tpu.vector_store %arg16[%swap3A_49, %swap3A_50], %broadcast_in_dim3A_0 {strides = array<i32>} : memref<40x128xf32, #tpu.memory_space<vmem>>, vector<16xf32>,
      %scan3A_52 = arith.constant 0 : i32
      scf.yield %scan3A_52 : i32
    }
    %scan3A_6 = arith.constant 40 : i32
    %scan3A_7 = arith.constant 0 : i32
    %scan3A_8 = arith.constant 0 : i32
    %scan3A_9 = arith.constant 10 : i32
    %scan3A_10 = arith.addi %scan3A_8, %scan3A_9 : i32
    %scan3A_11 = arith.constant 1 : i32
    %scan3A_12 = scf.for %scan3A_27 = %scan3A_8 to %scan3A_10 step %scan3A_11 iter_args(%scan3A_28 = %scan3A_7) -> (i32)  : i32 {
      %mul3A = arith.constant 400 : i32
      %mul3A_29 = arith.muli %arg1, %mul3A : i32
      %mul3A_30 = arith.constant 40 : i32
      %mul3A_31 = arith.muli %scan3A_27, %mul3A_30 : i32
      %add3A = arith.addi %mul3A_29, %mul3A_31 : i32
      "tpu.region"() ({
        %run_scoped3A = tpu.sem_alloc : memref<!tpu.dma_semaphore, #tpu.memory_space<semaphore_mem>>
        %dma_start3A = arith.constant 0 : i32
        %dma_start3A_33 = tpu.memref_slice %arg17[%add3A, %dma_start3A] : memref<6408x128xf32, #tpu.memory_space<vmem_shared>> -> memref<40x128xf32, #tpu.memory_space<vmem_shared>>
        %dma_start3A_34 = arith.constant 0 : i32
        %dma_start3A_35 = tpu.memref_slice %arg17[%add3A, %dma_start3A_34] : memref<6408x128xf32, #tpu.memory_space<vmem_shared>> -> memref<40x128xf32, #tpu.memory_space<vmem_shared>>
        tpu.enqueue_dma source(%arg16 : memref<40x128xf32, #tpu.memory_space<vmem>>) target(%dma_start3A_35 : memref<40x128xf32, #tpu.memory_space<vmem_shared>>) target_semaphore(%run_scoped3A : memref<!tpu.dma_semaphore, #tpu.memory_space<semaphore_mem>>)
        %dma_wait3A = arith.constant 0 : i32
        %dma_wait3A_36 = tpu.memref_slice %arg17[%add3A, %dma_wait3A] : memref<6408x128xf32, #tpu.memory_space<vmem_shared>> -> memref<40x128xf32, #tpu.memory_space<vmem_shared>>
        %dma_wait3A_37 = arith.constant 0 : i32
        %dma_wait3A_38 = tpu.memref_slice %arg17[%add3A, %dma_wait3A_37] : memref<6408x128xf32, #tpu.memory_space<vmem_shared>> -> memref<40x128xf32, #tpu.memory_space<vmem_shared>>
        tpu.wait_dma2 semaphore(%run_scoped3A : memref<!tpu.dma_semaphore, #tpu.memory_space<semaphore_mem>>) src(%arg16 : memref<40x128xf32, #tpu.memory_space<vmem>>) dst(%dma_wait3A_38 : memref<40x128xf32, #tpu.memory_space<vmem_shared>>)
        tpu.yield
      }) : () -> ()
      %scan3A_32 = arith.constant 0 : i32
      scf.yield %scan3A_32 : i32
    }
    %scan3A_13 = arith.constant 10 : i32
    %barrier3A = arith.constant 0 : index
    tpu.barrier barrier_id(%barrier3A)
    %broadcast_in_dim3A_14 = arith.constant 0 : i32
    %broadcast_in_dim3A_15 = vector.broadcast %broadcast_in_dim3A_14 : i32 to vector<16xi32>
    %broadcast_in_dim3A_16 = arith.constant 6400 : i32
    %broadcast_in_dim3A_17 = vector.broadcast %broadcast_in_dim3A_16 : i32 to vector<16xi32>
    %broadcast_in_dim3A_18 = arith.constant 15 : i32
    %broadcast_in_dim3A_19 = vector.broadcast %broadcast_in_dim3A_18 : i32 to vector<16xi32>
    %iota3A = tpu.iota {dimensions = array<i32: 0>} : vector<16xi32>
    %scan3A_20 = arith.constant 0 : i32
    %scan3A_21 = arith.constant 0 : i32
    %scan3A_22 = arith.constant 16 : i32
    %scan3A_23 = arith.addi %scan3A_21, %scan3A_22 : i32
    %scan3A_24 = arith.constant 1 : i32
    %scan3A_25 = scf.for %scan3A_27 = %scan3A_21 to %scan3A_23 step %scan3A_24 iter_args(%scan3A_28 = %scan3A_20) -> (i32)  : i32 {
      %mul3A = arith.constant 6400 : i32
      %mul3A_29 = arith.muli %scan3A_27, %mul3A : i32
      %broadcast_in_dim3A_30 = vector.broadcast %mul3A_29 : i32 to vector<16xi32>
      %add3A = arith.addi %scan3A_27, %arg0 : i32
      %rem3A = arith.constant 2 : i32
      %rem3A_31 = arith.remsi %add3A, %rem3A : i32
      %broadcast_in_dim3A_32 = arith.constant 0 : i32
      %broadcast_in_dim3A_33 = vector.broadcast %broadcast_in_dim3A_32 : i32 to vector<16xi32>
      %scan3A_34 = arith.constant 0 : i32
      %scan3A_35 = arith.constant 8 : i32
      %scan3A_36 = arith.addi %scan3A_34, %scan3A_35 : i32
      %scan3A_37 = arith.constant 1 : i32
      %scan3A_38 = scf.for %scan3A_348 = %scan3A_34 to %scan3A_36 step %scan3A_37 iter_args(%scan3A_349 = %broadcast_in_dim3A_33) -> (vector<16xi32>)  : i32 {
        %mul3A_350 = arith.constant 6400 : i32
        %mul3A_351 = arith.muli %arg1, %mul3A_350 : i32
        %mul3A_352 = arith.constant 800 : i32
        %mul3A_353 = arith.muli %scan3A_348, %mul3A_352 : i32
        %add3A_354 = arith.addi %mul3A_351, %mul3A_353 : i32
        %dma_start3A_355 = tpu.memref_slice %arg5[%add3A_354] : memref<102400xi32, #tpu.memory_space<hbm>> -> memref<800xi32, #tpu.memory_space<hbm>>
        %dma_start3A_356 = tpu.memref_slice %arg5[%add3A_354] : memref<102400xi32, #tpu.memory_space<hbm>> -> memref<800xi32, #tpu.memory_space<hbm>>
        tpu.enqueue_dma source(%dma_start3A_356 : memref<800xi32, #tpu.memory_space<hbm>>) target(%arg8 : memref<800xi32, #tpu.memory_space<vmem>>) target_semaphore(%arg18 : memref<!tpu.dma_semaphore, #tpu.memory_space<semaphore_mem>>)
        %mul3A_357 = arith.constant 6400 : i32
        %mul3A_358 = arith.muli %arg1, %mul3A_357 : i32
        %mul3A_359 = arith.constant 800 : i32
        %mul3A_360 = arith.muli %scan3A_348, %mul3A_359 : i32
        %add3A_361 = arith.addi %mul3A_358, %mul3A_360 : i32
        %dma_start3A_362 = tpu.memref_slice %arg6[%add3A_361] : memref<102400xi32, #tpu.memory_space<hbm>> -> memref<800xi32, #tpu.memory_space<hbm>>
        %dma_start3A_363 = tpu.memref_slice %arg6[%add3A_361] : memref<102400xi32, #tpu.memory_space<hbm>> -> memref<800xi32, #tpu.memory_space<hbm>>
        tpu.enqueue_dma source(%dma_start3A_363 : memref<800xi32, #tpu.memory_space<hbm>>) target(%arg9 : memref<800xi32, #tpu.memory_space<vmem>>) target_semaphore(%arg18 : memref<!tpu.dma_semaphore, #tpu.memory_space<semaphore_mem>>)
        %dma_wait3A_364 = tpu.memref_slice %arg5[%add3A_354] : memref<102400xi32, #tpu.memory_space<hbm>> -> memref<800xi32, #tpu.memory_space<hbm>>
        %dma_wait3A_365 = tpu.memref_slice %arg5[%add3A_354] : memref<102400xi32, #tpu.memory_space<hbm>> -> memref<800xi32, #tpu.memory_space<hbm>>
        tpu.wait_dma2 semaphore(%arg18 : memref<!tpu.dma_semaphore, #tpu.memory_space<semaphore_mem>>) src(%dma_wait3A_365 : memref<800xi32, #tpu.memory_space<hbm>>) dst(%arg8 : memref<800xi32, #tpu.memory_space<vmem>>)
        %dma_wait3A_366 = tpu.memref_slice %arg6[%add3A_361] : memref<102400xi32, #tpu.memory_space<hbm>> -> memref<800xi32, #tpu.memory_space<hbm>>
        %dma_wait3A_367 = tpu.memref_slice %arg6[%add3A_361] : memref<102400xi32, #tpu.memory_space<hbm>> -> memref<800xi32, #tpu.memory_space<hbm>>
        tpu.wait_dma2 semaphore(%arg18 : memref<!tpu.dma_semaphore, #tpu.memory_space<semaphore_mem>>) src(%dma_wait3A_367 : memref<800xi32, #tpu.memory_space<hbm>>) dst(%arg9 : memref<800xi32, #tpu.memory_space<vmem>>)
        %scan3A_368 = arith.constant 0 : i32
        %scan3A_369 = arith.constant 50 : i32
        %scan3A_370 = arith.addi %scan3A_368, %scan3A_369 : i32
        %scan3A_371 = arith.constant 1 : i32
        %scan3A_372 = scf.for %scan3A_374 = %scan3A_368 to %scan3A_370 step %scan3A_371 iter_args(%scan3A_375 = %scan3A_349) -> (vector<16xi32>)  : i32 {
          %mul3A_376 = arith.constant 16 : i32
          %mul3A_377 = arith.muli %scan3A_374, %mul3A_376 : i32
          %get3A = arith.index_cast %mul3A_377 : i32 to index
          %get3A_378 = tpu.vector_load %arg8[%get3A] {strides = array<i32>} : memref<800xi32, #tpu.memory_space<vmem>>, vector<16xi32>,
          %mul3A_379 = arith.constant 16 : i32
          %mul3A_380 = arith.muli %scan3A_374, %mul3A_379 : i32
          %get3A_381 = arith.index_cast %mul3A_380 : i32 to index
          %get3A_382 = tpu.vector_load %arg9[%get3A_381] {strides = array<i32>} : memref<800xi32, #tpu.memory_space<vmem>>, vector<16xi32>,
          %ge3A = arith.cmpi sge, %get3A_382, %broadcast_in_dim3A_30 : vector<16xi32>
          %add3A_383 = arith.constant 6400 : i32
          %add3A_384 = vector.broadcast %add3A_383 : i32 to vector<16xi32>
          %add3A_385 = arith.addi %broadcast_in_dim3A_30, %add3A_384 : vector<16xi32>
          %lt3A = arith.cmpi slt, %get3A_382, %add3A_385 : vector<16xi32>
          %and3A_386 = arith.andi %ge3A, %lt3A : vector<16xi1>
          %convert_element_type3A = arith.extui %and3A_386 : vector<16xi1> to vector<16xi32>
          %broadcast_in_dim3A_387 = arith.constant true
          %broadcast_in_dim3A_388 = vector.broadcast %broadcast_in_dim3A_387 : i1 to vector<16xi1>
          %masked_cumsum3A = tpu.scan <sum>, %convert_element_type3A masked %broadcast_in_dim3A_388 : vector<16xi32>, vector<16xi1> -> vector<16xi32>
          %add3A_389 = arith.addi %scan3A_375, %masked_cumsum3A : vector<16xi32>
          %sub3A = arith.constant 1 : i32
          %sub3A_390 = vector.broadcast %sub3A : i32 to vector<16xi32>
          %sub3A_391 = arith.subi %add3A_389, %sub3A_390 : vector<16xi32>
          %shift_right_logical3A_392 = arith.constant 6 : i32
          %shift_right_logical3A_393 = vector.broadcast %shift_right_logical3A_392 : i32 to vector<16xi32>
          %shift_right_logical3A_394 = arith.shrui %sub3A_391, %shift_right_logical3A_393 : vector<16xi32>
          %and3A_395 = arith.constant 63 : i32
          %and3A_396 = vector.broadcast %and3A_395 : i32 to vector<16xi32>
          %and3A_397 = arith.andi %sub3A_391, %and3A_396 : vector<16xi32>
          tpu.vector_store_idx %arg10[%shift_right_logical3A_394, %and3A_397], %get3A_378 masked %and3A_386 : memref<101x64xi32, #tpu.memory_space<vmem>>[vector<16xi32>, vector<16xi32>], vector<16xi32>, vector<16xi1>
          %sub3A_398 = arith.subi %get3A_382, %broadcast_in_dim3A_30 : vector<16xi32>
          tpu.vector_store_idx %arg11[%shift_right_logical3A_394, %and3A_397], %sub3A_398 masked %and3A_386 : memref<101x64xi32, #tpu.memory_space<vmem>>[vector<16xi32>, vector<16xi32>], vector<16xi32>, vector<16xi1>
          tpu.vector_store_idx %arg12[%shift_right_logical3A_394, %and3A_397], %get3A_382 masked %and3A_386 : memref<101x64xi32, #tpu.memory_space<vmem>>[vector<16xi32>, vector<16xi32>], vector<16xi32>, vector<16xi1>
          %lt3A_399 = arith.constant 0 : i32
          %lt3A_400 = vector.broadcast %lt3A_399 : i32 to vector<16xi32>
          %lt3A_401 = arith.cmpi slt, %broadcast_in_dim3A_19, %lt3A_400 : vector<16xi32>
          %add3A_402 = arith.constant 16 : i32
          %add3A_403 = vector.broadcast %add3A_402 : i32 to vector<16xi32>
          %add3A_404 = arith.addi %broadcast_in_dim3A_19, %add3A_403 : vector<16xi32>
          %select_n3A = arith.select %lt3A_401, %add3A_404, %broadcast_in_dim3A_19 : vector<16xi1>, vector<16xi32>
          %broadcast_in_dim3A_405 = vector.shape_cast %select_n3A : vector<16xi32> to vector<16x1xi32>
          %gather3A = vector.shape_cast %broadcast_in_dim3A_405 : vector<16x1xi32> to vector<16xi32>
          %gather3A_406 = tpu.dynamic_gather %masked_cumsum3A[%gather3A] in [0] : vector<16xi32>, vector<16xi32> -> vector<16xi32>
          %add3A_407 = arith.addi %scan3A_375, %gather3A_406 : vector<16xi32>
          scf.yield %add3A_407 : vector<16xi32>
        }
        %scan3A_373 = arith.constant 50 : i32
        scf.yield %scan3A_372 : vector<16xi32>
      }
      %scan3A_39 = arith.constant 8 : i32
      %add3A_40 = arith.addi %scan3A_38, %iota3A : vector<16xi32>
      %add3A_41 = arith.constant 0 : i32
      %add3A_42 = vector.broadcast %add3A_41 : i32 to vector<16xi32>
      %add3A_43 = arith.addi %add3A_40, %add3A_42 : vector<16xi32>
      %shift_right_logical3A = arith.constant 6 : i32
      %shift_right_logical3A_44 = vector.broadcast %shift_right_logical3A : i32 to vector<16xi32>
      %shift_right_logical3A_45 = arith.shrui %add3A_43, %shift_right_logical3A_44 : vector<16xi32>
      %and3A = arith.constant 63 : i32
      %and3A_46 = vector.broadcast %and3A : i32 to vector<16xi32>
      %and3A_47 = arith.andi %add3A_43, %and3A_46 : vector<16xi32>
      tpu.vector_store_idx %arg10[%shift_right_logical3A_45, %and3A_47], %broadcast_in_dim3A_15 : memref<101x64xi32, #tpu.memory_space<vmem>>[vector<16xi32>, vector<16xi32>], vector<16xi32>,
      tpu.vector_store_idx %arg11[%shift_right_logical3A_45, %and3A_47], %broadcast_in_dim3A_17 : memref<101x64xi32, #tpu.memory_space<vmem>>[vector<16xi32>, vector<16xi32>], vector<16xi32>,
      tpu.vector_store_idx %arg12[%shift_right_logical3A_45, %and3A_47], %broadcast_in_dim3A_15 : memref<101x64xi32, #tpu.memory_space<vmem>>[vector<16xi32>, vector<16xi32>], vector<16xi32>,
      %add3A_48 = arith.addi %scan3A_38, %iota3A : vector<16xi32>
      %add3A_49 = arith.constant 16 : i32
      %add3A_50 = vector.broadcast %add3A_49 : i32 to vector<16xi32>
      %add3A_51 = arith.addi %add3A_48, %add3A_50 : vector<16xi32>
      %shift_right_logical3A_52 = arith.constant 6 : i32
      %shift_right_logical3A_53 = vector.broadcast %shift_right_logical3A_52 : i32 to vector<16xi32>
      %shift_right_logical3A_54 = arith.shrui %add3A_51, %shift_right_logical3A_53 : vector<16xi32>
      %and3A_55 = arith.constant 63 : i32
      %and3A_56 = vector.broadcast %and3A_55 : i32 to vector<16xi32>
      %and3A_57 = arith.andi %add3A_51, %and3A_56 : vector<16xi32>
      tpu.vector_store_idx %arg10[%shift_right_logical3A_54, %and3A_57], %broadcast_in_dim3A_15 : memref<101x64xi32, #tpu.memory_space<vmem>>[vector<16xi32>, vector<16xi32>], vector<16xi32>,
      tpu.vector_store_idx %arg11[%shift_right_logical3A_54, %and3A_57], %broadcast_in_dim3A_17 : memref<101x64xi32, #tpu.memory_space<vmem>>[vector<16xi32>, vector<16xi32>], vector<16xi32>,
      tpu.vector_store_idx %arg12[%shift_right_logical3A_54, %and3A_57], %broadcast_in_dim3A_15 : memref<101x64xi32, #tpu.memory_space<vmem>>[vector<16xi32>, vector<16xi32>], vector<16xi32>,
      %add3A_58 = arith.addi %scan3A_38, %iota3A : vector<16xi32>
      %add3A_59 = arith.constant 32 : i32
      %add3A_60 = vector.broadcast %add3A_59 : i32 to vector<16xi32>
      %add3A_61 = arith.addi %add3A_58, %add3A_60 : vector<16xi32>
      %shift_right_logical3A_62 = arith.constant 6 : i32
      %shift_right_logical3A_63 = vector.broadcast %shift_right_logical3A_62 : i32 to vector<16xi32>
      %shift_right_logical3A_64 = arith.shrui %add3A_61, %shift_right_logical3A_63 : vector<16xi32>
      %and3A_65 = arith.constant 63 : i32
      %and3A_66 = vector.broadcast %and3A_65 : i32 to vector<16xi32>
      %and3A_67 = arith.andi %add3A_61, %and3A_66 : vector<16xi32>
      tpu.vector_store_idx %arg10[%shift_right_logical3A_64, %and3A_67], %broadcast_in_dim3A_15 : memref<101x64xi32, #tpu.memory_space<vmem>>[vector<16xi32>, vector<16xi32>], vector<16xi32>,
      tpu.vector_store_idx %arg11[%shift_right_logical3A_64, %and3A_67], %broadcast_in_dim3A_17 : memref<101x64xi32, #tpu.memory_space<vmem>>[vector<16xi32>, vector<16xi32>], vector<16xi32>,
      tpu.vector_store_idx %arg12[%shift_right_logical3A_64, %and3A_67], %broadcast_in_dim3A_15 : memref<101x64xi32, #tpu.memory_space<vmem>>[vector<16xi32>, vector<16xi32>], vector<16xi32>,
      %add3A_68 = arith.addi %scan3A_38, %iota3A : vector<16xi32>
      %add3A_69 = arith.constant 48 : i32
      %add3A_70 = vector.broadcast %add3A_69 : i32 to vector<16xi32>
      %add3A_71 = arith.addi %add3A_68, %add3A_70 : vector<16xi32>
      %shift_right_logical3A_72 = arith.constant 6 : i32
      %shift_right_logical3A_73 = vector.broadcast %shift_right_logical3A_72 : i32 to vector<16xi32>
      %shift_right_logical3A_74 = arith.shrui %add3A_71, %shift_right_logical3A_73 : vector<16xi32>
      %and3A_75 = arith.constant 63 : i32
      %and3A_76 = vector.broadcast %and3A_75 : i32 to vector<16xi32>
      %and3A_77 = arith.andi %add3A_71, %and3A_76 : vector<16xi32>
      tpu.vector_store_idx %arg10[%shift_right_logical3A_74, %and3A_77], %broadcast_in_dim3A_15 : memref<101x64xi32, #tpu.memory_space<vmem>>[vector<16xi32>, vector<16xi32>], vector<16xi32>,
      tpu.vector_store_idx %arg11[%shift_right_logical3A_74, %and3A_77], %broadcast_in_dim3A_17 : memref<101x64xi32, #tpu.memory_space<vmem>>[vector<16xi32>, vector<16xi32>], vector<16xi32>,
      tpu.vector_store_idx %arg12[%shift_right_logical3A_74, %and3A_77], %broadcast_in_dim3A_15 : memref<101x64xi32, #tpu.memory_space<vmem>>[vector<16xi32>, vector<16xi32>], vector<16xi32>,
      %scan3A_78 = arith.constant 0 : i32
      %scan3A_79 = arith.constant 0 : i32
      %scan3A_80 = arith.constant 100 : i32
      %scan3A_81 = arith.addi %scan3A_79, %scan3A_80 : i32
      %scan3A_82 = arith.constant 1 : i32
      %scan3A_83 = scf.for %scan3A_348 = %scan3A_79 to %scan3A_81 step %scan3A_82 iter_args(%scan3A_349 = %scan3A_78) -> (i32)  : i32 {
        %mul3A_350 = arith.constant 64 : i32
        %mul3A_351 = arith.muli %scan3A_348, %mul3A_350 : i32
        %gt3A = vector.broadcast %mul3A_351 : i32 to vector<16xi32>
        %gt3A_352 = arith.cmpi sgt, %scan3A_38, %gt3A : vector<16xi32>
        %reduce_or3A = arith.constant 1.000000e+00 : f32
        %reduce_or3A_353 = arith.constant 0.000000e+00 : f32
        %reduce_or3A_354 = vector.broadcast %reduce_or3A : f32 to vector<16xf32>
        %reduce_or3A_355 = vector.broadcast %reduce_or3A_353 : f32 to vector<16xf32>
        %reduce_or3A_356 = arith.select %gt3A_352, %reduce_or3A_354, %reduce_or3A_355 : vector<16xi1>, vector<16xf32>
        %reduce_or3A_357 = arith.constant true
        %reduce_or3A_358 = vector.broadcast %reduce_or3A_357 : i1 to vector<16xi1>
        %reduce_or3A_359 = tpu.scan <max>, %reduce_or3A_356 masked %reduce_or3A_358 : vector<16xf32>, vector<16xi1> -> vector<16xf32>
        %reduce_or3A_360 = vector.extract %reduce_or3A_359[15] : f32 from vector<16xf32>
        %reduce_or3A_361 = arith.constant 0.000000e+00 : f32
        %reduce_or3A_362 = arith.cmpf ogt, %reduce_or3A_360, %reduce_or3A_361 : f32
        %convert_element_type3A = arith.extui %reduce_or3A_362 : i1 to i32
        %cond3A = arith.constant 0 : i32
        %cond3A_363 = arith.cmpi ne, %convert_element_type3A, %cond3A : i32
        scf.if %cond3A_363 {
          %eq3A = arith.constant 0 : i32
          %eq3A_365 = arith.cmpi eq, %rem3A_31, %eq3A : i32
          %convert_element_type3A_366 = arith.extui %eq3A_365 : i1 to i32
          %cond3A_367 = arith.constant 0 : i32
          %cond3A_368 = arith.cmpi ne, %convert_element_type3A_366, %cond3A_367 : i32
          scf.if %cond3A_368 {
            %dma_start3A_374 = arith.constant 0 : i32
            %dma_start3A_375 = tpu.memref_slice %arg10[%scan3A_348, %dma_start3A_374] : memref<101x64xi32, #tpu.memory_space<vmem>> -> memref<1x64xi32, #tpu.memory_space<vmem>>
            %dma_start3A_376 = tpu.memref_squeeze %dma_start3A_375 : memref<1x64xi32, #tpu.memory_space<vmem>> -> memref<64xi32, #tpu.memory_space<vmem>>
            %dma_start3A_377 = arith.constant 0 : i32
            %dma_start3A_378 = arith.constant 0 : i32
            %dma_start3A_379 = tpu.memref_slice %arg2[%dma_start3A_377, %dma_start3A_378] : memref<102400x128xf32, #tpu.memory_space<hbm>> -> memref<102400x128xf32, #tpu.memory_space<hbm>>
            tpu.enqueue_indirect_dma source(%dma_start3A_379 : memref<102400x128xf32, #tpu.memory_space<hbm>>) target(%arg13 : memref<64x128xf32, #tpu.memory_space<vmem>>) offsets(%dma_start3A_376 : memref<64xi32, #tpu.memory_space<vmem>>) semaphore(%arg18 : memref<!tpu.dma_semaphore, #tpu.memory_space<semaphore_mem>>)
            %dma_wait3A_380 = arith.constant 0 : i32
            %dma_wait3A_381 = tpu.memref_slice %arg10[%scan3A_348, %dma_wait3A_380] : memref<101x64xi32, #tpu.memory_space<vmem>> -> memref<1x64xi32, #tpu.memory_space<vmem>>
            %dma_wait3A_382 = tpu.memref_squeeze %dma_wait3A_381 : memref<1x64xi32, #tpu.memory_space<vmem>> -> memref<64xi32, #tpu.memory_space<vmem>>
            %dma_wait3A_383 = arith.constant 0 : i32
            %dma_wait3A_384 = arith.constant 0 : i32
            %dma_wait3A_385 = tpu.memref_slice %arg2[%dma_wait3A_383, %dma_wait3A_384] : memref<102400x128xf32, #tpu.memory_space<hbm>> -> memref<102400x128xf32, #tpu.memory_space<hbm>>
            tpu.wait_indirect_dma semaphore(%arg18 : memref<!tpu.dma_semaphore, #tpu.memory_space<semaphore_mem>>) src(%dma_wait3A_385 : memref<102400x128xf32, #tpu.memory_space<hbm>>) dst(%arg13 : memref<64x128xf32, #tpu.memory_space<vmem>>)
            %dma_start3A_386 = arith.constant 0 : i32
            %dma_start3A_387 = tpu.memref_slice %arg11[%scan3A_348, %dma_start3A_386] : memref<101x64xi32, #tpu.memory_space<vmem>> -> memref<1x64xi32, #tpu.memory_space<vmem>>
            %dma_start3A_388 = tpu.memref_squeeze %dma_start3A_387 : memref<1x64xi32, #tpu.memory_space<vmem>> -> memref<64xi32, #tpu.memory_space<vmem>>
            %dma_start3A_389 = arith.constant 0 : i32
            %dma_start3A_390 = arith.constant 0 : i32
            %dma_start3A_391 = tpu.memref_slice %arg17[%dma_start3A_389, %dma_start3A_390] : memref<6408x128xf32, #tpu.memory_space<vmem_shared>> -> memref<6408x128xf32, #tpu.memory_space<vmem_shared>>
            tpu.enqueue_indirect_dma source(%arg13 : memref<64x128xf32, #tpu.memory_space<vmem>>) target(%dma_start3A_391 : memref<6408x128xf32, #tpu.memory_space<vmem_shared>>) offsets(%dma_start3A_388 : memref<64xi32, #tpu.memory_space<vmem>>) semaphore(%arg18 : memref<!tpu.dma_semaphore, #tpu.memory_space<semaphore_mem>>) {add = true}
            %dma_wait3A_392 = arith.constant 0 : i32
            %dma_wait3A_393 = tpu.memref_slice %arg11[%scan3A_348, %dma_wait3A_392] : memref<101x64xi32, #tpu.memory_space<vmem>> -> memref<1x64xi32, #tpu.memory_space<vmem>>
            %dma_wait3A_394 = tpu.memref_squeeze %dma_wait3A_393 : memref<1x64xi32, #tpu.memory_space<vmem>> -> memref<64xi32, #tpu.memory_space<vmem>>
            %dma_wait3A_395 = arith.constant 0 : i32
            %dma_wait3A_396 = arith.constant 0 : i32
            %dma_wait3A_397 = tpu.memref_slice %arg17[%dma_wait3A_395, %dma_wait3A_396] : memref<6408x128xf32, #tpu.memory_space<vmem_shared>> -> memref<6408x128xf32, #tpu.memory_space<vmem_shared>>
            tpu.wait_indirect_dma semaphore(%arg18 : memref<!tpu.dma_semaphore, #tpu.memory_space<semaphore_mem>>) src(%arg13 : memref<64x128xf32, #tpu.memory_space<vmem>>) dst(%dma_wait3A_397 : memref<6408x128xf32, #tpu.memory_space<vmem_shared>>)
          } else {
          }
          %eq3A_369 = arith.constant 1 : i32
          %eq3A_370 = arith.cmpi eq, %rem3A_31, %eq3A_369 : i32
          %convert_element_type3A_371 = arith.extui %eq3A_370 : i1 to i32
          %cond3A_372 = arith.constant 0 : i32
          %cond3A_373 = arith.cmpi ne, %convert_element_type3A_371, %cond3A_372 : i32
          scf.if %cond3A_373 {
            %dma_start3A_374 = arith.constant 0 : i32
            %dma_start3A_375 = tpu.memref_slice %arg10[%scan3A_348, %dma_start3A_374] : memref<101x64xi32, #tpu.memory_space<vmem>> -> memref<1x64xi32, #tpu.memory_space<vmem>>
            %dma_start3A_376 = tpu.memref_squeeze %dma_start3A_375 : memref<1x64xi32, #tpu.memory_space<vmem>> -> memref<64xi32, #tpu.memory_space<vmem>>
            %dma_start3A_377 = arith.constant 0 : i32
            %dma_start3A_378 = arith.constant 0 : i32
            %dma_start3A_379 = tpu.memref_slice %arg3[%dma_start3A_377, %dma_start3A_378] : memref<102400x256xf32, #tpu.memory_space<hbm>> -> memref<102400x256xf32, #tpu.memory_space<hbm>>
            tpu.enqueue_indirect_dma source(%dma_start3A_379 : memref<102400x256xf32, #tpu.memory_space<hbm>>) target(%arg14 : memref<64x256xf32, #tpu.memory_space<vmem>>) offsets(%dma_start3A_376 : memref<64xi32, #tpu.memory_space<vmem>>) semaphore(%arg18 : memref<!tpu.dma_semaphore, #tpu.memory_space<semaphore_mem>>)
            %dma_start3A_380 = arith.constant 0 : i32
            %dma_start3A_381 = tpu.memref_slice %arg12[%scan3A_348, %dma_start3A_380] : memref<101x64xi32, #tpu.memory_space<vmem>> -> memref<1x64xi32, #tpu.memory_space<vmem>>
            %dma_start3A_382 = tpu.memref_squeeze %dma_start3A_381 : memref<1x64xi32, #tpu.memory_space<vmem>> -> memref<64xi32, #tpu.memory_space<vmem>>
            %dma_start3A_383 = arith.constant 0 : i32
            %dma_start3A_384 = arith.constant 0 : i32
            %dma_start3A_385 = tpu.memref_slice %arg4[%dma_start3A_383, %dma_start3A_384] : memref<102400x128xf32, #tpu.memory_space<hbm>> -> memref<102400x128xf32, #tpu.memory_space<hbm>>
            tpu.enqueue_indirect_dma source(%dma_start3A_385 : memref<102400x128xf32, #tpu.memory_space<hbm>>) target(%arg15 : memref<64x128xf32, #tpu.memory_space<vmem>>) offsets(%dma_start3A_382 : memref<64xi32, #tpu.memory_space<vmem>>) semaphore(%arg18 : memref<!tpu.dma_semaphore, #tpu.memory_space<semaphore_mem>>)
            %dma_wait3A_386 = arith.constant 0 : i32
            %dma_wait3A_387 = tpu.memref_slice %arg10[%scan3A_348, %dma_wait3A_386] : memref<101x64xi32, #tpu.memory_space<vmem>> -> memref<1x64xi32, #tpu.memory_space<vmem>>
            %dma_wait3A_388 = tpu.memref_squeeze %dma_wait3A_387 : memref<1x64xi32, #tpu.memory_space<vmem>> -> memref<64xi32, #tpu.memory_space<vmem>>
            %dma_wait3A_389 = arith.constant 0 : i32
            %dma_wait3A_390 = arith.constant 0 : i32
            %dma_wait3A_391 = tpu.memref_slice %arg3[%dma_wait3A_389, %dma_wait3A_390] : memref<102400x256xf32, #tpu.memory_space<hbm>> -> memref<102400x256xf32, #tpu.memory_space<hbm>>
            tpu.wait_indirect_dma semaphore(%arg18 : memref<!tpu.dma_semaphore, #tpu.memory_space<semaphore_mem>>) src(%dma_wait3A_391 : memref<102400x256xf32, #tpu.memory_space<hbm>>) dst(%arg14 : memref<64x256xf32, #tpu.memory_space<vmem>>)
            %dma_wait3A_392 = arith.constant 0 : i32
            %dma_wait3A_393 = tpu.memref_slice %arg12[%scan3A_348, %dma_wait3A_392] : memref<101x64xi32, #tpu.memory_space<vmem>> -> memref<1x64xi32, #tpu.memory_space<vmem>>
            %dma_wait3A_394 = tpu.memref_squeeze %dma_wait3A_393 : memref<1x64xi32, #tpu.memory_space<vmem>> -> memref<64xi32, #tpu.memory_space<vmem>>
            %dma_wait3A_395 = arith.constant 0 : i32
            %dma_wait3A_396 = arith.constant 0 : i32
            %dma_wait3A_397 = tpu.memref_slice %arg4[%dma_wait3A_395, %dma_wait3A_396] : memref<102400x128xf32, #tpu.memory_space<hbm>> -> memref<102400x128xf32, #tpu.memory_space<hbm>>
            tpu.wait_indirect_dma semaphore(%arg18 : memref<!tpu.dma_semaphore, #tpu.memory_space<semaphore_mem>>) src(%dma_wait3A_397 : memref<102400x128xf32, #tpu.memory_space<hbm>>) dst(%arg15 : memref<64x128xf32, #tpu.memory_space<vmem>>)
            %scan3A_398 = arith.constant 0 : i32
            %scan3A_399 = arith.constant 0 : i32
            %scan3A_400 = arith.constant 64 : i32
            %scan3A_401 = arith.addi %scan3A_399, %scan3A_400 : i32
            %scan3A_402 = arith.constant 1 : i32
            %scan3A_403 = scf.for %scan3A_417 = %scan3A_399 to %scan3A_401 step %scan3A_402 iter_args(%scan3A_418 = %scan3A_398) -> (i32)  : i32 {
              %get3A = arith.index_cast %scan3A_417 : i32 to index
              %get3A_419 = arith.constant 0 : index
              %get3A_420 = tpu.vector_load %arg14[%get3A, %get3A_419] {strides = array<i32>} : memref<64x256xf32, #tpu.memory_space<vmem>>, vector<16xf32>,
              %get3A_421 = arith.index_cast %scan3A_417 : i32 to index
              %get3A_422 = arith.constant 0 : index
              %get3A_423 = tpu.vector_load %arg15[%get3A_421, %get3A_422] {strides = array<i32>} : memref<64x128xf32, #tpu.memory_space<vmem>>, vector<16xf32>,
              %add3A_424 = arith.addf %get3A_420, %get3A_423 : vector<16xf32>
              %get3A_425 = arith.index_cast %scan3A_417 : i32 to index
              %get3A_426 = arith.constant 128 : index
              %get3A_427 = tpu.vector_load %arg14[%get3A_425, %get3A_426] {strides = array<i32>} : memref<64x256xf32, #tpu.memory_space<vmem>>, vector<16xf32>,
              %neg3A = arith.constant 0.000000e+00 : f32
              %neg3A_428 = vector.broadcast %neg3A : f32 to vector<16xf32>
              %neg3A_429 = arith.subf %neg3A_428, %add3A_424 : vector<16xf32>
              %exp3A = math.exp %neg3A_429 : vector<16xf32>
              %add3A_430 = arith.constant 1.000000e+00 : f32
              %add3A_431 = vector.broadcast %add3A_430 : f32 to vector<16xf32>
              %add3A_432 = arith.addf %add3A_431, %exp3A : vector<16xf32>
              %div3A = arith.divf %get3A_427, %add3A_432 : vector<16xf32>
              %swap3A = arith.index_cast %scan3A_417 : i32 to index
              %swap3A_433 = arith.constant 0 : index
              %swap3A_434 = tpu.vector_load %arg15[%swap3A, %swap3A_433] {strides = array<i32>} : memref<64x128xf32, #tpu.memory_space<vmem>>, vector<16xf32>,
              tpu.vector_store %arg15[%swap3A, %swap3A_433], %div3A {strides = array<i32>} : memref<64x128xf32, #tpu.memory_space<vmem>>, vector<16xf32>,
              %get3A_435 = arith.index_cast %scan3A_417 : i32 to index
              %get3A_436 = arith.constant 16 : index
              %get3A_437 = tpu.vector_load %arg14[%get3A_435, %get3A_436] {strides = array<i32>} : memref<64x256xf32, #tpu.memory_space<vmem>>, vector<16xf32>,
              %get3A_438 = arith.index_cast %scan3A_417 : i32 to index
              %get3A_439 = arith.constant 16 : index
              %get3A_440 = tpu.vector_load %arg15[%get3A_438, %get3A_439] {strides = array<i32>} : memref<64x128xf32, #tpu.memory_space<vmem>>, vector<16xf32>,
              %add3A_441 = arith.addf %get3A_437, %get3A_440 : vector<16xf32>
              %get3A_442 = arith.index_cast %scan3A_417 : i32 to index
              %get3A_443 = arith.constant 144 : index
              %get3A_444 = tpu.vector_load %arg14[%get3A_442, %get3A_443] {strides = array<i32>} : memref<64x256xf32, #tpu.memory_space<vmem>>, vector<16xf32>,
              %neg3A_445 = arith.constant 0.000000e+00 : f32
              %neg3A_446 = vector.broadcast %neg3A_445 : f32 to vector<16xf32>
              %neg3A_447 = arith.subf %neg3A_446, %add3A_441 : vector<16xf32>
              %exp3A_448 = math.exp %neg3A_447 : vector<16xf32>
              %add3A_449 = arith.constant 1.000000e+00 : f32
              %add3A_450 = vector.broadcast %add3A_449 : f32 to vector<16xf32>
              %add3A_451 = arith.addf %add3A_450, %exp3A_448 : vector<16xf32>
              %div3A_452 = arith.divf %get3A_444, %add3A_451 : vector<16xf32>
              %swap3A_453 = arith.index_cast %scan3A_417 : i32 to index
              %swap3A_454 = arith.constant 16 : index
              %swap3A_455 = tpu.vector_load %arg15[%swap3A_453, %swap3A_454] {strides = array<i32>} : memref<64x128xf32, #tpu.memory_space<vmem>>, vector<16xf32>,
              tpu.vector_store %arg15[%swap3A_453, %swap3A_454], %div3A_452 {strides = array<i32>} : memref<64x128xf32, #tpu.memory_space<vmem>>, vector<16xf32>,
              %get3A_456 = arith.index_cast %scan3A_417 : i32 to index
              %get3A_457 = arith.constant 32 : index
              %get3A_458 = tpu.vector_load %arg14[%get3A_456, %get3A_457] {strides = array<i32>} : memref<64x256xf32, #tpu.memory_space<vmem>>, vector<16xf32>,
              %get3A_459 = arith.index_cast %scan3A_417 : i32 to index
              %get3A_460 = arith.constant 32 : index
              %get3A_461 = tpu.vector_load %arg15[%get3A_459, %get3A_460] {strides = array<i32>} : memref<64x128xf32, #tpu.memory_space<vmem>>, vector<16xf32>,
              %add3A_462 = arith.addf %get3A_458, %get3A_461 : vector<16xf32>
              %get3A_463 = arith.index_cast %scan3A_417 : i32 to index
              %get3A_464 = arith.constant 160 : index
              %get3A_465 = tpu.vector_load %arg14[%get3A_463, %get3A_464] {strides = array<i32>} : memref<64x256xf32, #tpu.memory_space<vmem>>, vector<16xf32>,
              %neg3A_466 = arith.constant 0.000000e+00 : f32
              %neg3A_467 = vector.broadcast %neg3A_466 : f32 to vector<16xf32>
              %neg3A_468 = arith.subf %neg3A_467, %add3A_462 : vector<16xf32>
              %exp3A_469 = math.exp %neg3A_468 : vector<16xf32>
              %add3A_470 = arith.constant 1.000000e+00 : f32
              %add3A_471 = vector.broadcast %add3A_470 : f32 to vector<16xf32>
              %add3A_472 = arith.addf %add3A_471, %exp3A_469 : vector<16xf32>
              %div3A_473 = arith.divf %get3A_465, %add3A_472 : vector<16xf32>
              %swap3A_474 = arith.index_cast %scan3A_417 : i32 to index
              %swap3A_475 = arith.constant 32 : index
              %swap3A_476 = tpu.vector_load %arg15[%swap3A_474, %swap3A_475] {strides = array<i32>} : memref<64x128xf32, #tpu.memory_space<vmem>>, vector<16xf32>,
              tpu.vector_store %arg15[%swap3A_474, %swap3A_475], %div3A_473 {strides = array<i32>} : memref<64x128xf32, #tpu.memory_space<vmem>>, vector<16xf32>,
              %get3A_477 = arith.index_cast %scan3A_417 : i32 to index
              %get3A_478 = arith.constant 48 : index
              %get3A_479 = tpu.vector_load %arg14[%get3A_477, %get3A_478] {strides = array<i32>} : memref<64x256xf32, #tpu.memory_space<vmem>>, vector<16xf32>,
              %get3A_480 = arith.index_cast %scan3A_417 : i32 to index
              %get3A_481 = arith.constant 48 : index
              %get3A_482 = tpu.vector_load %arg15[%get3A_480, %get3A_481] {strides = array<i32>} : memref<64x128xf32, #tpu.memory_space<vmem>>, vector<16xf32>,
              %add3A_483 = arith.addf %get3A_479, %get3A_482 : vector<16xf32>
              %get3A_484 = arith.index_cast %scan3A_417 : i32 to index
              %get3A_485 = arith.constant 176 : index
              %get3A_486 = tpu.vector_load %arg14[%get3A_484, %get3A_485] {strides = array<i32>} : memref<64x256xf32, #tpu.memory_space<vmem>>, vector<16xf32>,
              %neg3A_487 = arith.constant 0.000000e+00 : f32
              %neg3A_488 = vector.broadcast %neg3A_487 : f32 to vector<16xf32>
              %neg3A_489 = arith.subf %neg3A_488, %add3A_483 : vector<16xf32>
              %exp3A_490 = math.exp %neg3A_489 : vector<16xf32>
              %add3A_491 = arith.constant 1.000000e+00 : f32
              %add3A_492 = vector.broadcast %add3A_491 : f32 to vector<16xf32>
              %add3A_493 = arith.addf %add3A_492, %exp3A_490 : vector<16xf32>
              %div3A_494 = arith.divf %get3A_486, %add3A_493 : vector<16xf32>
              %swap3A_495 = arith.index_cast %scan3A_417 : i32 to index
              %swap3A_496 = arith.constant 48 : index
              %swap3A_497 = tpu.vector_load %arg15[%swap3A_495, %swap3A_496] {strides = array<i32>} : memref<64x128xf32, #tpu.memory_space<vmem>>, vector<16xf32>,
              tpu.vector_store %arg15[%swap3A_495, %swap3A_496], %div3A_494 {strides = array<i32>} : memref<64x128xf32, #tpu.memory_space<vmem>>, vector<16xf32>,
              %get3A_498 = arith.index_cast %scan3A_417 : i32 to index
              %get3A_499 = arith.constant 64 : index
              %get3A_500 = tpu.vector_load %arg14[%get3A_498, %get3A_499] {strides = array<i32>} : memref<64x256xf32, #tpu.memory_space<vmem>>, vector<16xf32>,
              %get3A_501 = arith.index_cast %scan3A_417 : i32 to index
              %get3A_502 = arith.constant 64 : index
              %get3A_503 = tpu.vector_load %arg15[%get3A_501, %get3A_502] {strides = array<i32>} : memref<64x128xf32, #tpu.memory_space<vmem>>, vector<16xf32>,
              %add3A_504 = arith.addf %get3A_500, %get3A_503 : vector<16xf32>
              %get3A_505 = arith.index_cast %scan3A_417 : i32 to index
              %get3A_506 = arith.constant 192 : index
              %get3A_507 = tpu.vector_load %arg14[%get3A_505, %get3A_506] {strides = array<i32>} : memref<64x256xf32, #tpu.memory_space<vmem>>, vector<16xf32>,
              %neg3A_508 = arith.constant 0.000000e+00 : f32
              %neg3A_509 = vector.broadcast %neg3A_508 : f32 to vector<16xf32>
              %neg3A_510 = arith.subf %neg3A_509, %add3A_504 : vector<16xf32>
              %exp3A_511 = math.exp %neg3A_510 : vector<16xf32>
              %add3A_512 = arith.constant 1.000000e+00 : f32
              %add3A_513 = vector.broadcast %add3A_512 : f32 to vector<16xf32>
              %add3A_514 = arith.addf %add3A_513, %exp3A_511 : vector<16xf32>
              %div3A_515 = arith.divf %get3A_507, %add3A_514 : vector<16xf32>
              %swap3A_516 = arith.index_cast %scan3A_417 : i32 to index
              %swap3A_517 = arith.constant 64 : index
              %swap3A_518 = tpu.vector_load %arg15[%swap3A_516, %swap3A_517] {strides = array<i32>} : memref<64x128xf32, #tpu.memory_space<vmem>>, vector<16xf32>,
              tpu.vector_store %arg15[%swap3A_516, %swap3A_517], %div3A_515 {strides = array<i32>} : memref<64x128xf32, #tpu.memory_space<vmem>>, vector<16xf32>,
              %get3A_519 = arith.index_cast %scan3A_417 : i32 to index
              %get3A_520 = arith.constant 80 : index
              %get3A_521 = tpu.vector_load %arg14[%get3A_519, %get3A_520] {strides = array<i32>} : memref<64x256xf32, #tpu.memory_space<vmem>>, vector<16xf32>,
              %get3A_522 = arith.index_cast %scan3A_417 : i32 to index
              %get3A_523 = arith.constant 80 : index
              %get3A_524 = tpu.vector_load %arg15[%get3A_522, %get3A_523] {strides = array<i32>} : memref<64x128xf32, #tpu.memory_space<vmem>>, vector<16xf32>,
              %add3A_525 = arith.addf %get3A_521, %get3A_524 : vector<16xf32>
              %get3A_526 = arith.index_cast %scan3A_417 : i32 to index
              %get3A_527 = arith.constant 208 : index
              %get3A_528 = tpu.vector_load %arg14[%get3A_526, %get3A_527] {strides = array<i32>} : memref<64x256xf32, #tpu.memory_space<vmem>>, vector<16xf32>,
              %neg3A_529 = arith.constant 0.000000e+00 : f32
              %neg3A_530 = vector.broadcast %neg3A_529 : f32 to vector<16xf32>
              %neg3A_531 = arith.subf %neg3A_530, %add3A_525 : vector<16xf32>
              %exp3A_532 = math.exp %neg3A_531 : vector<16xf32>
              %add3A_533 = arith.constant 1.000000e+00 : f32
              %add3A_534 = vector.broadcast %add3A_533 : f32 to vector<16xf32>
              %add3A_535 = arith.addf %add3A_534, %exp3A_532 : vector<16xf32>
              %div3A_536 = arith.divf %get3A_528, %add3A_535 : vector<16xf32>
              %swap3A_537 = arith.index_cast %scan3A_417 : i32 to index
              %swap3A_538 = arith.constant 80 : index
              %swap3A_539 = tpu.vector_load %arg15[%swap3A_537, %swap3A_538] {strides = array<i32>} : memref<64x128xf32, #tpu.memory_space<vmem>>, vector<16xf32>,
              tpu.vector_store %arg15[%swap3A_537, %swap3A_538], %div3A_536 {strides = array<i32>} : memref<64x128xf32, #tpu.memory_space<vmem>>, vector<16xf32>,
              %get3A_540 = arith.index_cast %scan3A_417 : i32 to index
              %get3A_541 = arith.constant 96 : index
              %get3A_542 = tpu.vector_load %arg14[%get3A_540, %get3A_541] {strides = array<i32>} : memref<64x256xf32, #tpu.memory_space<vmem>>, vector<16xf32>,
              %get3A_543 = arith.index_cast %scan3A_417 : i32 to index
              %get3A_544 = arith.constant 96 : index
              %get3A_545 = tpu.vector_load %arg15[%get3A_543, %get3A_544] {strides = array<i32>} : memref<64x128xf32, #tpu.memory_space<vmem>>, vector<16xf32>,
              %add3A_546 = arith.addf %get3A_542, %get3A_545 : vector<16xf32>
              %get3A_547 = arith.index_cast %scan3A_417 : i32 to index
              %get3A_548 = arith.constant 224 : index
              %get3A_549 = tpu.vector_load %arg14[%get3A_547, %get3A_548] {strides = array<i32>} : memref<64x256xf32, #tpu.memory_space<vmem>>, vector<16xf32>,
              %neg3A_550 = arith.constant 0.000000e+00 : f32
              %neg3A_551 = vector.broadcast %neg3A_550 : f32 to vector<16xf32>
              %neg3A_552 = arith.subf %neg3A_551, %add3A_546 : vector<16xf32>
              %exp3A_553 = math.exp %neg3A_552 : vector<16xf32>
              %add3A_554 = arith.constant 1.000000e+00 : f32
              %add3A_555 = vector.broadcast %add3A_554 : f32 to vector<16xf32>
              %add3A_556 = arith.addf %add3A_555, %exp3A_553 : vector<16xf32>
              %div3A_557 = arith.divf %get3A_549, %add3A_556 : vector<16xf32>
              %swap3A_558 = arith.index_cast %scan3A_417 : i32 to index
              %swap3A_559 = arith.constant 96 : index
              %swap3A_560 = tpu.vector_load %arg15[%swap3A_558, %swap3A_559] {strides = array<i32>} : memref<64x128xf32, #tpu.memory_space<vmem>>, vector<16xf32>,
              tpu.vector_store %arg15[%swap3A_558, %swap3A_559], %div3A_557 {strides = array<i32>} : memref<64x128xf32, #tpu.memory_space<vmem>>, vector<16xf32>,
              %get3A_561 = arith.index_cast %scan3A_417 : i32 to index
              %get3A_562 = arith.constant 112 : index
              %get3A_563 = tpu.vector_load %arg14[%get3A_561, %get3A_562] {strides = array<i32>} : memref<64x256xf32, #tpu.memory_space<vmem>>, vector<16xf32>,
              %get3A_564 = arith.index_cast %scan3A_417 : i32 to index
              %get3A_565 = arith.constant 112 : index
              %get3A_566 = tpu.vector_load %arg15[%get3A_564, %get3A_565] {strides = array<i32>} : memref<64x128xf32, #tpu.memory_space<vmem>>, vector<16xf32>,
              %add3A_567 = arith.addf %get3A_563, %get3A_566 : vector<16xf32>
              %get3A_568 = arith.index_cast %scan3A_417 : i32 to index
              %get3A_569 = arith.constant 240 : index
              %get3A_570 = tpu.vector_load %arg14[%get3A_568, %get3A_569] {strides = array<i32>} : memref<64x256xf32, #tpu.memory_space<vmem>>, vector<16xf32>,
              %neg3A_571 = arith.constant 0.000000e+00 : f32
              %neg3A_572 = vector.broadcast %neg3A_571 : f32 to vector<16xf32>
              %neg3A_573 = arith.subf %neg3A_572, %add3A_567 : vector<16xf32>
              %exp3A_574 = math.exp %neg3A_573 : vector<16xf32>
              %add3A_575 = arith.constant 1.000000e+00 : f32
              %add3A_576 = vector.broadcast %add3A_575 : f32 to vector<16xf32>
              %add3A_577 = arith.addf %add3A_576, %exp3A_574 : vector<16xf32>
              %div3A_578 = arith.divf %get3A_570, %add3A_577 : vector<16xf32>
              %swap3A_579 = arith.index_cast %scan3A_417 : i32 to index
              %swap3A_580 = arith.constant 112 : index
              %swap3A_581 = tpu.vector_load %arg15[%swap3A_579, %swap3A_580] {strides = array<i32>} : memref<64x128xf32, #tpu.memory_space<vmem>>, vector<16xf32>,
              tpu.vector_store %arg15[%swap3A_579, %swap3A_580], %div3A_578 {strides = array<i32>} : memref<64x128xf32, #tpu.memory_space<vmem>>, vector<16xf32>,
              %scan3A_582 = arith.constant 0 : i32
              scf.yield %scan3A_582 : i32
            }
            %scan3A_404 = arith.constant 64 : i32
            %dma_start3A_405 = arith.constant 0 : i32
            %dma_start3A_406 = tpu.memref_slice %arg11[%scan3A_348, %dma_start3A_405] : memref<101x64xi32, #tpu.memory_space<vmem>> -> memref<1x64xi32, #tpu.memory_space<vmem>>
            %dma_start3A_407 = tpu.memref_squeeze %dma_start3A_406 : memref<1x64xi32, #tpu.memory_space<vmem>> -> memref<64xi32, #tpu.memory_space<vmem>>
            %dma_start3A_408 = arith.constant 0 : i32
            %dma_start3A_409 = arith.constant 0 : i32
            %dma_start3A_410 = tpu.memref_slice %arg17[%dma_start3A_408, %dma_start3A_409] : memref<6408x128xf32, #tpu.memory_space<vmem_shared>> -> memref<6408x128xf32, #tpu.memory_space<vmem_shared>>
            tpu.enqueue_indirect_dma source(%arg15 : memref<64x128xf32, #tpu.memory_space<vmem>>) target(%dma_start3A_410 : memref<6408x128xf32, #tpu.memory_space<vmem_shared>>) offsets(%dma_start3A_407 : memref<64xi32, #tpu.memory_space<vmem>>) semaphore(%arg18 : memref<!tpu.dma_semaphore, #tpu.memory_space<semaphore_mem>>) {add = true}
            %dma_wait3A_411 = arith.constant 0 : i32
            %dma_wait3A_412 = tpu.memref_slice %arg11[%scan3A_348, %dma_wait3A_411] : memref<101x64xi32, #tpu.memory_space<vmem>> -> memref<1x64xi32, #tpu.memory_space<vmem>>
            %dma_wait3A_413 = tpu.memref_squeeze %dma_wait3A_412 : memref<1x64xi32, #tpu.memory_space<vmem>> -> memref<64xi32, #tpu.memory_space<vmem>>
            %dma_wait3A_414 = arith.constant 0 : i32
            %dma_wait3A_415 = arith.constant 0 : i32
            %dma_wait3A_416 = tpu.memref_slice %arg17[%dma_wait3A_414, %dma_wait3A_415] : memref<6408x128xf32, #tpu.memory_space<vmem_shared>> -> memref<6408x128xf32, #tpu.memory_space<vmem_shared>>
            tpu.wait_indirect_dma semaphore(%arg18 : memref<!tpu.dma_semaphore, #tpu.memory_space<semaphore_mem>>) src(%arg15 : memref<64x128xf32, #tpu.memory_space<vmem>>) dst(%dma_wait3A_416 : memref<6408x128xf32, #tpu.memory_space<vmem_shared>>)
          } else {
          }
        } else {
        }
        %scan3A_364 = arith.constant 0 : i32
        scf.yield %scan3A_364 : i32
      }
      %scan3A_84 = arith.constant 100 : i32
      %barrier3A_85 = arith.constant 0 : index
      tpu.barrier barrier_id(%barrier3A_85)
      %mul3A_86 = arith.constant 400 : i32
      %mul3A_87 = arith.muli %arg1, %mul3A_86 : i32
      %add3A_88 = arith.constant 0 : i32
      %add3A_89 = arith.addi %mul3A_87, %add3A_88 : i32
      %mul3A_90 = arith.constant 102400 : i32
      %mul3A_91 = arith.muli %rem3A_31, %mul3A_90 : i32
      %add3A_92 = arith.addi %mul3A_91, %mul3A_29 : i32
      %add3A_93 = arith.addi %add3A_92, %mul3A_87 : i32
      %add3A_94 = arith.constant 0 : i32
      %add3A_95 = arith.addi %add3A_93, %add3A_94 : i32
      %dma_start3A = arith.constant 0 : i32
      %dma_start3A_96 = tpu.memref_slice %arg7[%add3A_95, %dma_start3A] : memref<204800x128xf32, #tpu.memory_space<hbm>> -> memref<40x128xf32, #tpu.memory_space<hbm>>
      %dma_start3A_97 = arith.constant 0 : i32
      %dma_start3A_98 = tpu.memref_slice %arg17[%add3A_89, %dma_start3A_97] : memref<6408x128xf32, #tpu.memory_space<vmem_shared>> -> memref<40x128xf32, #tpu.memory_space<vmem_shared>>
      tpu.enqueue_dma source(%dma_start3A_98 : memref<40x128xf32, #tpu.memory_space<vmem_shared>>) target(%dma_start3A_96 : memref<40x128xf32, #tpu.memory_space<hbm>>) target_semaphore(%arg18 : memref<!tpu.dma_semaphore, #tpu.memory_space<semaphore_mem>>)
      %add3A_99 = arith.constant 40 : i32
      %add3A_100 = arith.addi %mul3A_87, %add3A_99 : i32
      %mul3A_101 = arith.constant 102400 : i32
      %mul3A_102 = arith.muli %rem3A_31, %mul3A_101 : i32
      %add3A_103 = arith.addi %mul3A_102, %mul3A_29 : i32
      %add3A_104 = arith.addi %add3A_103, %mul3A_87 : i32
      %add3A_105 = arith.constant 40 : i32
      %add3A_106 = arith.addi %add3A_104, %add3A_105 : i32
      %dma_start3A_107 = arith.constant 0 : i32
      %dma_start3A_108 = tpu.memref_slice %arg7[%add3A_106, %dma_start3A_107] : memref<204800x128xf32, #tpu.memory_space<hbm>> -> memref<40x128xf32, #tpu.memory_space<hbm>>
      %dma_start3A_109 = arith.constant 0 : i32
      %dma_start3A_110 = tpu.memref_slice %arg17[%add3A_100, %dma_start3A_109] : memref<6408x128xf32, #tpu.memory_space<vmem_shared>> -> memref<40x128xf32, #tpu.memory_space<vmem_shared>>
      tpu.enqueue_dma source(%dma_start3A_110 : memref<40x128xf32, #tpu.memory_space<vmem_shared>>) target(%dma_start3A_108 : memref<40x128xf32, #tpu.memory_space<hbm>>) target_semaphore(%arg18 : memref<!tpu.dma_semaphore, #tpu.memory_space<semaphore_mem>>)
      %add3A_111 = arith.constant 80 : i32
      %add3A_112 = arith.addi %mul3A_87, %add3A_111 : i32
      %mul3A_113 = arith.constant 102400 : i32
      %mul3A_114 = arith.muli %rem3A_31, %mul3A_113 : i32
      %add3A_115 = arith.addi %mul3A_114, %mul3A_29 : i32
      %add3A_116 = arith.addi %add3A_115, %mul3A_87 : i32
      %add3A_117 = arith.constant 80 : i32
      %add3A_118 = arith.addi %add3A_116, %add3A_117 : i32
      %dma_start3A_119 = arith.constant 0 : i32
      %dma_start3A_120 = tpu.memref_slice %arg7[%add3A_118, %dma_start3A_119] : memref<204800x128xf32, #tpu.memory_space<hbm>> -> memref<40x128xf32, #tpu.memory_space<hbm>>
      %dma_start3A_121 = arith.constant 0 : i32
      %dma_start3A_122 = tpu.memref_slice %arg17[%add3A_112, %dma_start3A_121] : memref<6408x128xf32, #tpu.memory_space<vmem_shared>> -> memref<40x128xf32, #tpu.memory_space<vmem_shared>>
      tpu.enqueue_dma source(%dma_start3A_122 : memref<40x128xf32, #tpu.memory_space<vmem_shared>>) target(%dma_start3A_120 : memref<40x128xf32, #tpu.memory_space<hbm>>) target_semaphore(%arg18 : memref<!tpu.dma_semaphore, #tpu.memory_space<semaphore_mem>>)
      %add3A_123 = arith.constant 120 : i32
      %add3A_124 = arith.addi %mul3A_87, %add3A_123 : i32
      %mul3A_125 = arith.constant 102400 : i32
      %mul3A_126 = arith.muli %rem3A_31, %mul3A_125 : i32
      %add3A_127 = arith.addi %mul3A_126, %mul3A_29 : i32
      %add3A_128 = arith.addi %add3A_127, %mul3A_87 : i32
      %add3A_129 = arith.constant 120 : i32
      %add3A_130 = arith.addi %add3A_128, %add3A_129 : i32
      %dma_start3A_131 = arith.constant 0 : i32
      %dma_start3A_132 = tpu.memref_slice %arg7[%add3A_130, %dma_start3A_131] : memref<204800x128xf32, #tpu.memory_space<hbm>> -> memref<40x128xf32, #tpu.memory_space<hbm>>
      %dma_start3A_133 = arith.constant 0 : i32
      %dma_start3A_134 = tpu.memref_slice %arg17[%add3A_124, %dma_start3A_133] : memref<6408x128xf32, #tpu.memory_space<vmem_shared>> -> memref<40x128xf32, #tpu.memory_space<vmem_shared>>
      tpu.enqueue_dma source(%dma_start3A_134 : memref<40x128xf32, #tpu.memory_space<vmem_shared>>) target(%dma_start3A_132 : memref<40x128xf32, #tpu.memory_space<hbm>>) target_semaphore(%arg18 : memref<!tpu.dma_semaphore, #tpu.memory_space<semaphore_mem>>)
      %add3A_135 = arith.constant 160 : i32
      %add3A_136 = arith.addi %mul3A_87, %add3A_135 : i32
      %mul3A_137 = arith.constant 102400 : i32
      %mul3A_138 = arith.muli %rem3A_31, %mul3A_137 : i32
      %add3A_139 = arith.addi %mul3A_138, %mul3A_29 : i32
      %add3A_140 = arith.addi %add3A_139, %mul3A_87 : i32
      %add3A_141 = arith.constant 160 : i32
      %add3A_142 = arith.addi %add3A_140, %add3A_141 : i32
      %dma_start3A_143 = arith.constant 0 : i32
      %dma_start3A_144 = tpu.memref_slice %arg7[%add3A_142, %dma_start3A_143] : memref<204800x128xf32, #tpu.memory_space<hbm>> -> memref<40x128xf32, #tpu.memory_space<hbm>>
      %dma_start3A_145 = arith.constant 0 : i32
      %dma_start3A_146 = tpu.memref_slice %arg17[%add3A_136, %dma_start3A_145] : memref<6408x128xf32, #tpu.memory_space<vmem_shared>> -> memref<40x128xf32, #tpu.memory_space<vmem_shared>>
      tpu.enqueue_dma source(%dma_start3A_146 : memref<40x128xf32, #tpu.memory_space<vmem_shared>>) target(%dma_start3A_144 : memref<40x128xf32, #tpu.memory_space<hbm>>) target_semaphore(%arg18 : memref<!tpu.dma_semaphore, #tpu.memory_space<semaphore_mem>>)
      %add3A_147 = arith.constant 200 : i32
      %add3A_148 = arith.addi %mul3A_87, %add3A_147 : i32
      %mul3A_149 = arith.constant 102400 : i32
      %mul3A_150 = arith.muli %rem3A_31, %mul3A_149 : i32
      %add3A_151 = arith.addi %mul3A_150, %mul3A_29 : i32
      %add3A_152 = arith.addi %add3A_151, %mul3A_87 : i32
      %add3A_153 = arith.constant 200 : i32
      %add3A_154 = arith.addi %add3A_152, %add3A_153 : i32
      %dma_start3A_155 = arith.constant 0 : i32
      %dma_start3A_156 = tpu.memref_slice %arg7[%add3A_154, %dma_start3A_155] : memref<204800x128xf32, #tpu.memory_space<hbm>> -> memref<40x128xf32, #tpu.memory_space<hbm>>
      %dma_start3A_157 = arith.constant 0 : i32
      %dma_start3A_158 = tpu.memref_slice %arg17[%add3A_148, %dma_start3A_157] : memref<6408x128xf32, #tpu.memory_space<vmem_shared>> -> memref<40x128xf32, #tpu.memory_space<vmem_shared>>
      tpu.enqueue_dma source(%dma_start3A_158 : memref<40x128xf32, #tpu.memory_space<vmem_shared>>) target(%dma_start3A_156 : memref<40x128xf32, #tpu.memory_space<hbm>>) target_semaphore(%arg18 : memref<!tpu.dma_semaphore, #tpu.memory_space<semaphore_mem>>)
      %add3A_159 = arith.constant 240 : i32
      %add3A_160 = arith.addi %mul3A_87, %add3A_159 : i32
      %mul3A_161 = arith.constant 102400 : i32
      %mul3A_162 = arith.muli %rem3A_31, %mul3A_161 : i32
      %add3A_163 = arith.addi %mul3A_162, %mul3A_29 : i32
      %add3A_164 = arith.addi %add3A_163, %mul3A_87 : i32
      %add3A_165 = arith.constant 240 : i32
      %add3A_166 = arith.addi %add3A_164, %add3A_165 : i32
      %dma_start3A_167 = arith.constant 0 : i32
      %dma_start3A_168 = tpu.memref_slice %arg7[%add3A_166, %dma_start3A_167] : memref<204800x128xf32, #tpu.memory_space<hbm>> -> memref<40x128xf32, #tpu.memory_space<hbm>>
      %dma_start3A_169 = arith.constant 0 : i32
      %dma_start3A_170 = tpu.memref_slice %arg17[%add3A_160, %dma_start3A_169] : memref<6408x128xf32, #tpu.memory_space<vmem_shared>> -> memref<40x128xf32, #tpu.memory_space<vmem_shared>>
      tpu.enqueue_dma source(%dma_start3A_170 : memref<40x128xf32, #tpu.memory_space<vmem_shared>>) target(%dma_start3A_168 : memref<40x128xf32, #tpu.memory_space<hbm>>) target_semaphore(%arg18 : memref<!tpu.dma_semaphore, #tpu.memory_space<semaphore_mem>>)
      %add3A_171 = arith.constant 280 : i32
      %add3A_172 = arith.addi %mul3A_87, %add3A_171 : i32
      %mul3A_173 = arith.constant 102400 : i32
      %mul3A_174 = arith.muli %rem3A_31, %mul3A_173 : i32
      %add3A_175 = arith.addi %mul3A_174, %mul3A_29 : i32
      %add3A_176 = arith.addi %add3A_175, %mul3A_87 : i32
      %add3A_177 = arith.constant 280 : i32
      %add3A_178 = arith.addi %add3A_176, %add3A_177 : i32
      %dma_start3A_179 = arith.constant 0 : i32
      %dma_start3A_180 = tpu.memref_slice %arg7[%add3A_178, %dma_start3A_179] : memref<204800x128xf32, #tpu.memory_space<hbm>> -> memref<40x128xf32, #tpu.memory_space<hbm>>
      %dma_start3A_181 = arith.constant 0 : i32
      %dma_start3A_182 = tpu.memref_slice %arg17[%add3A_172, %dma_start3A_181] : memref<6408x128xf32, #tpu.memory_space<vmem_shared>> -> memref<40x128xf32, #tpu.memory_space<vmem_shared>>
      tpu.enqueue_dma source(%dma_start3A_182 : memref<40x128xf32, #tpu.memory_space<vmem_shared>>) target(%dma_start3A_180 : memref<40x128xf32, #tpu.memory_space<hbm>>) target_semaphore(%arg18 : memref<!tpu.dma_semaphore, #tpu.memory_space<semaphore_mem>>)
      %add3A_183 = arith.constant 320 : i32
      %add3A_184 = arith.addi %mul3A_87, %add3A_183 : i32
      %mul3A_185 = arith.constant 102400 : i32
      %mul3A_186 = arith.muli %rem3A_31, %mul3A_185 : i32
      %add3A_187 = arith.addi %mul3A_186, %mul3A_29 : i32
      %add3A_188 = arith.addi %add3A_187, %mul3A_87 : i32
      %add3A_189 = arith.constant 320 : i32
      %add3A_190 = arith.addi %add3A_188, %add3A_189 : i32
      %dma_start3A_191 = arith.constant 0 : i32
      %dma_start3A_192 = tpu.memref_slice %arg7[%add3A_190, %dma_start3A_191] : memref<204800x128xf32, #tpu.memory_space<hbm>> -> memref<40x128xf32, #tpu.memory_space<hbm>>
      %dma_start3A_193 = arith.constant 0 : i32
      %dma_start3A_194 = tpu.memref_slice %arg17[%add3A_184, %dma_start3A_193] : memref<6408x128xf32, #tpu.memory_space<vmem_shared>> -> memref<40x128xf32, #tpu.memory_space<vmem_shared>>
      tpu.enqueue_dma source(%dma_start3A_194 : memref<40x128xf32, #tpu.memory_space<vmem_shared>>) target(%dma_start3A_192 : memref<40x128xf32, #tpu.memory_space<hbm>>) target_semaphore(%arg18 : memref<!tpu.dma_semaphore, #tpu.memory_space<semaphore_mem>>)
      %add3A_195 = arith.constant 360 : i32
      %add3A_196 = arith.addi %mul3A_87, %add3A_195 : i32
      %mul3A_197 = arith.constant 102400 : i32
      %mul3A_198 = arith.muli %rem3A_31, %mul3A_197 : i32
      %add3A_199 = arith.addi %mul3A_198, %mul3A_29 : i32
      %add3A_200 = arith.addi %add3A_199, %mul3A_87 : i32
      %add3A_201 = arith.constant 360 : i32
      %add3A_202 = arith.addi %add3A_200, %add3A_201 : i32
      %dma_start3A_203 = arith.constant 0 : i32
      %dma_start3A_204 = tpu.memref_slice %arg7[%add3A_202, %dma_start3A_203] : memref<204800x128xf32, #tpu.memory_space<hbm>> -> memref<40x128xf32, #tpu.memory_space<hbm>>
      %dma_start3A_205 = arith.constant 0 : i32
      %dma_start3A_206 = tpu.memref_slice %arg17[%add3A_196, %dma_start3A_205] : memref<6408x128xf32, #tpu.memory_space<vmem_shared>> -> memref<40x128xf32, #tpu.memory_space<vmem_shared>>
      tpu.enqueue_dma source(%dma_start3A_206 : memref<40x128xf32, #tpu.memory_space<vmem_shared>>) target(%dma_start3A_204 : memref<40x128xf32, #tpu.memory_space<hbm>>) target_semaphore(%arg18 : memref<!tpu.dma_semaphore, #tpu.memory_space<semaphore_mem>>)
      %dma_wait3A = arith.constant 0 : i32
      %dma_wait3A_207 = tpu.memref_slice %arg7[%add3A_95, %dma_wait3A] : memref<204800x128xf32, #tpu.memory_space<hbm>> -> memref<40x128xf32, #tpu.memory_space<hbm>>
      %dma_wait3A_208 = arith.constant 0 : i32
      %dma_wait3A_209 = tpu.memref_slice %arg17[%add3A_89, %dma_wait3A_208] : memref<6408x128xf32, #tpu.memory_space<vmem_shared>> -> memref<40x128xf32, #tpu.memory_space<vmem_shared>>
      tpu.wait_dma2 semaphore(%arg18 : memref<!tpu.dma_semaphore, #tpu.memory_space<semaphore_mem>>) src(%dma_wait3A_209 : memref<40x128xf32, #tpu.memory_space<vmem_shared>>) dst(%dma_wait3A_207 : memref<40x128xf32, #tpu.memory_space<hbm>>)
      %dma_wait3A_210 = arith.constant 0 : i32
      %dma_wait3A_211 = tpu.memref_slice %arg7[%add3A_106, %dma_wait3A_210] : memref<204800x128xf32, #tpu.memory_space<hbm>> -> memref<40x128xf32, #tpu.memory_space<hbm>>
      %dma_wait3A_212 = arith.constant 0 : i32
      %dma_wait3A_213 = tpu.memref_slice %arg17[%add3A_100, %dma_wait3A_212] : memref<6408x128xf32, #tpu.memory_space<vmem_shared>> -> memref<40x128xf32, #tpu.memory_space<vmem_shared>>
      tpu.wait_dma2 semaphore(%arg18 : memref<!tpu.dma_semaphore, #tpu.memory_space<semaphore_mem>>) src(%dma_wait3A_213 : memref<40x128xf32, #tpu.memory_space<vmem_shared>>) dst(%dma_wait3A_211 : memref<40x128xf32, #tpu.memory_space<hbm>>)
      %dma_wait3A_214 = arith.constant 0 : i32
      %dma_wait3A_215 = tpu.memref_slice %arg7[%add3A_118, %dma_wait3A_214] : memref<204800x128xf32, #tpu.memory_space<hbm>> -> memref<40x128xf32, #tpu.memory_space<hbm>>
      %dma_wait3A_216 = arith.constant 0 : i32
      %dma_wait3A_217 = tpu.memref_slice %arg17[%add3A_112, %dma_wait3A_216] : memref<6408x128xf32, #tpu.memory_space<vmem_shared>> -> memref<40x128xf32, #tpu.memory_space<vmem_shared>>
      tpu.wait_dma2 semaphore(%arg18 : memref<!tpu.dma_semaphore, #tpu.memory_space<semaphore_mem>>) src(%dma_wait3A_217 : memref<40x128xf32, #tpu.memory_space<vmem_shared>>) dst(%dma_wait3A_215 : memref<40x128xf32, #tpu.memory_space<hbm>>)
      %dma_wait3A_218 = arith.constant 0 : i32
      %dma_wait3A_219 = tpu.memref_slice %arg7[%add3A_130, %dma_wait3A_218] : memref<204800x128xf32, #tpu.memory_space<hbm>> -> memref<40x128xf32, #tpu.memory_space<hbm>>
      %dma_wait3A_220 = arith.constant 0 : i32
      %dma_wait3A_221 = tpu.memref_slice %arg17[%add3A_124, %dma_wait3A_220] : memref<6408x128xf32, #tpu.memory_space<vmem_shared>> -> memref<40x128xf32, #tpu.memory_space<vmem_shared>>
      tpu.wait_dma2 semaphore(%arg18 : memref<!tpu.dma_semaphore, #tpu.memory_space<semaphore_mem>>) src(%dma_wait3A_221 : memref<40x128xf32, #tpu.memory_space<vmem_shared>>) dst(%dma_wait3A_219 : memref<40x128xf32, #tpu.memory_space<hbm>>)
      %dma_wait3A_222 = arith.constant 0 : i32
      %dma_wait3A_223 = tpu.memref_slice %arg7[%add3A_142, %dma_wait3A_222] : memref<204800x128xf32, #tpu.memory_space<hbm>> -> memref<40x128xf32, #tpu.memory_space<hbm>>
      %dma_wait3A_224 = arith.constant 0 : i32
      %dma_wait3A_225 = tpu.memref_slice %arg17[%add3A_136, %dma_wait3A_224] : memref<6408x128xf32, #tpu.memory_space<vmem_shared>> -> memref<40x128xf32, #tpu.memory_space<vmem_shared>>
      tpu.wait_dma2 semaphore(%arg18 : memref<!tpu.dma_semaphore, #tpu.memory_space<semaphore_mem>>) src(%dma_wait3A_225 : memref<40x128xf32, #tpu.memory_space<vmem_shared>>) dst(%dma_wait3A_223 : memref<40x128xf32, #tpu.memory_space<hbm>>)
      %dma_wait3A_226 = arith.constant 0 : i32
      %dma_wait3A_227 = tpu.memref_slice %arg7[%add3A_154, %dma_wait3A_226] : memref<204800x128xf32, #tpu.memory_space<hbm>> -> memref<40x128xf32, #tpu.memory_space<hbm>>
      %dma_wait3A_228 = arith.constant 0 : i32
      %dma_wait3A_229 = tpu.memref_slice %arg17[%add3A_148, %dma_wait3A_228] : memref<6408x128xf32, #tpu.memory_space<vmem_shared>> -> memref<40x128xf32, #tpu.memory_space<vmem_shared>>
      tpu.wait_dma2 semaphore(%arg18 : memref<!tpu.dma_semaphore, #tpu.memory_space<semaphore_mem>>) src(%dma_wait3A_229 : memref<40x128xf32, #tpu.memory_space<vmem_shared>>) dst(%dma_wait3A_227 : memref<40x128xf32, #tpu.memory_space<hbm>>)
      %dma_wait3A_230 = arith.constant 0 : i32
      %dma_wait3A_231 = tpu.memref_slice %arg7[%add3A_166, %dma_wait3A_230] : memref<204800x128xf32, #tpu.memory_space<hbm>> -> memref<40x128xf32, #tpu.memory_space<hbm>>
      %dma_wait3A_232 = arith.constant 0 : i32
      %dma_wait3A_233 = tpu.memref_slice %arg17[%add3A_160, %dma_wait3A_232] : memref<6408x128xf32, #tpu.memory_space<vmem_shared>> -> memref<40x128xf32, #tpu.memory_space<vmem_shared>>
      tpu.wait_dma2 semaphore(%arg18 : memref<!tpu.dma_semaphore, #tpu.memory_space<semaphore_mem>>) src(%dma_wait3A_233 : memref<40x128xf32, #tpu.memory_space<vmem_shared>>) dst(%dma_wait3A_231 : memref<40x128xf32, #tpu.memory_space<hbm>>)
      %dma_wait3A_234 = arith.constant 0 : i32
      %dma_wait3A_235 = tpu.memref_slice %arg7[%add3A_178, %dma_wait3A_234] : memref<204800x128xf32, #tpu.memory_space<hbm>> -> memref<40x128xf32, #tpu.memory_space<hbm>>
      %dma_wait3A_236 = arith.constant 0 : i32
      %dma_wait3A_237 = tpu.memref_slice %arg17[%add3A_172, %dma_wait3A_236] : memref<6408x128xf32, #tpu.memory_space<vmem_shared>> -> memref<40x128xf32, #tpu.memory_space<vmem_shared>>
      tpu.wait_dma2 semaphore(%arg18 : memref<!tpu.dma_semaphore, #tpu.memory_space<semaphore_mem>>) src(%dma_wait3A_237 : memref<40x128xf32, #tpu.memory_space<vmem_shared>>) dst(%dma_wait3A_235 : memref<40x128xf32, #tpu.memory_space<hbm>>)
      %dma_wait3A_238 = arith.constant 0 : i32
      %dma_wait3A_239 = tpu.memref_slice %arg7[%add3A_190, %dma_wait3A_238] : memref<204800x128xf32, #tpu.memory_space<hbm>> -> memref<40x128xf32, #tpu.memory_space<hbm>>
      %dma_wait3A_240 = arith.constant 0 : i32
      %dma_wait3A_241 = tpu.memref_slice %arg17[%add3A_184, %dma_wait3A_240] : memref<6408x128xf32, #tpu.memory_space<vmem_shared>> -> memref<40x128xf32, #tpu.memory_space<vmem_shared>>
      tpu.wait_dma2 semaphore(%arg18 : memref<!tpu.dma_semaphore, #tpu.memory_space<semaphore_mem>>) src(%dma_wait3A_241 : memref<40x128xf32, #tpu.memory_space<vmem_shared>>) dst(%dma_wait3A_239 : memref<40x128xf32, #tpu.memory_space<hbm>>)
      %dma_wait3A_242 = arith.constant 0 : i32
      %dma_wait3A_243 = tpu.memref_slice %arg7[%add3A_202, %dma_wait3A_242] : memref<204800x128xf32, #tpu.memory_space<hbm>> -> memref<40x128xf32, #tpu.memory_space<hbm>>
      %dma_wait3A_244 = arith.constant 0 : i32
      %dma_wait3A_245 = tpu.memref_slice %arg17[%add3A_196, %dma_wait3A_244] : memref<6408x128xf32, #tpu.memory_space<vmem_shared>> -> memref<40x128xf32, #tpu.memory_space<vmem_shared>>
      tpu.wait_dma2 semaphore(%arg18 : memref<!tpu.dma_semaphore, #tpu.memory_space<semaphore_mem>>) src(%dma_wait3A_245 : memref<40x128xf32, #tpu.memory_space<vmem_shared>>) dst(%dma_wait3A_243 : memref<40x128xf32, #tpu.memory_space<hbm>>)
      %add3A_246 = arith.constant 0 : i32
      %add3A_247 = arith.addi %mul3A_87, %add3A_246 : i32
      %dma_start3A_248 = arith.constant 0 : i32
      %dma_start3A_249 = tpu.memref_slice %arg17[%add3A_247, %dma_start3A_248] : memref<6408x128xf32, #tpu.memory_space<vmem_shared>> -> memref<40x128xf32, #tpu.memory_space<vmem_shared>>
      %dma_start3A_250 = arith.constant 0 : i32
      %dma_start3A_251 = tpu.memref_slice %arg17[%add3A_247, %dma_start3A_250] : memref<6408x128xf32, #tpu.memory_space<vmem_shared>> -> memref<40x128xf32, #tpu.memory_space<vmem_shared>>
      tpu.enqueue_dma source(%arg16 : memref<40x128xf32, #tpu.memory_space<vmem>>) target(%dma_start3A_251 : memref<40x128xf32, #tpu.memory_space<vmem_shared>>) target_semaphore(%arg18 : memref<!tpu.dma_semaphore, #tpu.memory_space<semaphore_mem>>)
      %add3A_252 = arith.constant 40 : i32
      %add3A_253 = arith.addi %mul3A_87, %add3A_252 : i32
      %dma_start3A_254 = arith.constant 0 : i32
      %dma_start3A_255 = tpu.memref_slice %arg17[%add3A_253, %dma_start3A_254] : memref<6408x128xf32, #tpu.memory_space<vmem_shared>> -> memref<40x128xf32, #tpu.memory_space<vmem_shared>>
      %dma_start3A_256 = arith.constant 0 : i32
      %dma_start3A_257 = tpu.memref_slice %arg17[%add3A_253, %dma_start3A_256] : memref<6408x128xf32, #tpu.memory_space<vmem_shared>> -> memref<40x128xf32, #tpu.memory_space<vmem_shared>>
      tpu.enqueue_dma source(%arg16 : memref<40x128xf32, #tpu.memory_space<vmem>>) target(%dma_start3A_257 : memref<40x128xf32, #tpu.memory_space<vmem_shared>>) target_semaphore(%arg18 : memref<!tpu.dma_semaphore, #tpu.memory_space<semaphore_mem>>)
      %add3A_258 = arith.constant 80 : i32
      %add3A_259 = arith.addi %mul3A_87, %add3A_258 : i32
      %dma_start3A_260 = arith.constant 0 : i32
      %dma_start3A_261 = tpu.memref_slice %arg17[%add3A_259, %dma_start3A_260] : memref<6408x128xf32, #tpu.memory_space<vmem_shared>> -> memref<40x128xf32, #tpu.memory_space<vmem_shared>>
      %dma_start3A_262 = arith.constant 0 : i32
      %dma_start3A_263 = tpu.memref_slice %arg17[%add3A_259, %dma_start3A_262] : memref<6408x128xf32, #tpu.memory_space<vmem_shared>> -> memref<40x128xf32, #tpu.memory_space<vmem_shared>>
      tpu.enqueue_dma source(%arg16 : memref<40x128xf32, #tpu.memory_space<vmem>>) target(%dma_start3A_263 : memref<40x128xf32, #tpu.memory_space<vmem_shared>>) target_semaphore(%arg18 : memref<!tpu.dma_semaphore, #tpu.memory_space<semaphore_mem>>)
      %add3A_264 = arith.constant 120 : i32
      %add3A_265 = arith.addi %mul3A_87, %add3A_264 : i32
      %dma_start3A_266 = arith.constant 0 : i32
      %dma_start3A_267 = tpu.memref_slice %arg17[%add3A_265, %dma_start3A_266] : memref<6408x128xf32, #tpu.memory_space<vmem_shared>> -> memref<40x128xf32, #tpu.memory_space<vmem_shared>>
      %dma_start3A_268 = arith.constant 0 : i32
      %dma_start3A_269 = tpu.memref_slice %arg17[%add3A_265, %dma_start3A_268] : memref<6408x128xf32, #tpu.memory_space<vmem_shared>> -> memref<40x128xf32, #tpu.memory_space<vmem_shared>>
      tpu.enqueue_dma source(%arg16 : memref<40x128xf32, #tpu.memory_space<vmem>>) target(%dma_start3A_269 : memref<40x128xf32, #tpu.memory_space<vmem_shared>>) target_semaphore(%arg18 : memref<!tpu.dma_semaphore, #tpu.memory_space<semaphore_mem>>)
      %add3A_270 = arith.constant 160 : i32
      %add3A_271 = arith.addi %mul3A_87, %add3A_270 : i32
      %dma_start3A_272 = arith.constant 0 : i32
      %dma_start3A_273 = tpu.memref_slice %arg17[%add3A_271, %dma_start3A_272] : memref<6408x128xf32, #tpu.memory_space<vmem_shared>> -> memref<40x128xf32, #tpu.memory_space<vmem_shared>>
      %dma_start3A_274 = arith.constant 0 : i32
      %dma_start3A_275 = tpu.memref_slice %arg17[%add3A_271, %dma_start3A_274] : memref<6408x128xf32, #tpu.memory_space<vmem_shared>> -> memref<40x128xf32, #tpu.memory_space<vmem_shared>>
      tpu.enqueue_dma source(%arg16 : memref<40x128xf32, #tpu.memory_space<vmem>>) target(%dma_start3A_275 : memref<40x128xf32, #tpu.memory_space<vmem_shared>>) target_semaphore(%arg18 : memref<!tpu.dma_semaphore, #tpu.memory_space<semaphore_mem>>)
      %add3A_276 = arith.constant 200 : i32
      %add3A_277 = arith.addi %mul3A_87, %add3A_276 : i32
      %dma_start3A_278 = arith.constant 0 : i32
      %dma_start3A_279 = tpu.memref_slice %arg17[%add3A_277, %dma_start3A_278] : memref<6408x128xf32, #tpu.memory_space<vmem_shared>> -> memref<40x128xf32, #tpu.memory_space<vmem_shared>>
      %dma_start3A_280 = arith.constant 0 : i32
      %dma_start3A_281 = tpu.memref_slice %arg17[%add3A_277, %dma_start3A_280] : memref<6408x128xf32, #tpu.memory_space<vmem_shared>> -> memref<40x128xf32, #tpu.memory_space<vmem_shared>>
      tpu.enqueue_dma source(%arg16 : memref<40x128xf32, #tpu.memory_space<vmem>>) target(%dma_start3A_281 : memref<40x128xf32, #tpu.memory_space<vmem_shared>>) target_semaphore(%arg18 : memref<!tpu.dma_semaphore, #tpu.memory_space<semaphore_mem>>)
      %add3A_282 = arith.constant 240 : i32
      %add3A_283 = arith.addi %mul3A_87, %add3A_282 : i32
      %dma_start3A_284 = arith.constant 0 : i32
      %dma_start3A_285 = tpu.memref_slice %arg17[%add3A_283, %dma_start3A_284] : memref<6408x128xf32, #tpu.memory_space<vmem_shared>> -> memref<40x128xf32, #tpu.memory_space<vmem_shared>>
      %dma_start3A_286 = arith.constant 0 : i32
      %dma_start3A_287 = tpu.memref_slice %arg17[%add3A_283, %dma_start3A_286] : memref<6408x128xf32, #tpu.memory_space<vmem_shared>> -> memref<40x128xf32, #tpu.memory_space<vmem_shared>>
      tpu.enqueue_dma source(%arg16 : memref<40x128xf32, #tpu.memory_space<vmem>>) target(%dma_start3A_287 : memref<40x128xf32, #tpu.memory_space<vmem_shared>>) target_semaphore(%arg18 : memref<!tpu.dma_semaphore, #tpu.memory_space<semaphore_mem>>)
      %add3A_288 = arith.constant 280 : i32
      %add3A_289 = arith.addi %mul3A_87, %add3A_288 : i32
      %dma_start3A_290 = arith.constant 0 : i32
      %dma_start3A_291 = tpu.memref_slice %arg17[%add3A_289, %dma_start3A_290] : memref<6408x128xf32, #tpu.memory_space<vmem_shared>> -> memref<40x128xf32, #tpu.memory_space<vmem_shared>>
      %dma_start3A_292 = arith.constant 0 : i32
      %dma_start3A_293 = tpu.memref_slice %arg17[%add3A_289, %dma_start3A_292] : memref<6408x128xf32, #tpu.memory_space<vmem_shared>> -> memref<40x128xf32, #tpu.memory_space<vmem_shared>>
      tpu.enqueue_dma source(%arg16 : memref<40x128xf32, #tpu.memory_space<vmem>>) target(%dma_start3A_293 : memref<40x128xf32, #tpu.memory_space<vmem_shared>>) target_semaphore(%arg18 : memref<!tpu.dma_semaphore, #tpu.memory_space<semaphore_mem>>)
      %add3A_294 = arith.constant 320 : i32
      %add3A_295 = arith.addi %mul3A_87, %add3A_294 : i32
      %dma_start3A_296 = arith.constant 0 : i32
      %dma_start3A_297 = tpu.memref_slice %arg17[%add3A_295, %dma_start3A_296] : memref<6408x128xf32, #tpu.memory_space<vmem_shared>> -> memref<40x128xf32, #tpu.memory_space<vmem_shared>>
      %dma_start3A_298 = arith.constant 0 : i32
      %dma_start3A_299 = tpu.memref_slice %arg17[%add3A_295, %dma_start3A_298] : memref<6408x128xf32, #tpu.memory_space<vmem_shared>> -> memref<40x128xf32, #tpu.memory_space<vmem_shared>>
      tpu.enqueue_dma source(%arg16 : memref<40x128xf32, #tpu.memory_space<vmem>>) target(%dma_start3A_299 : memref<40x128xf32, #tpu.memory_space<vmem_shared>>) target_semaphore(%arg18 : memref<!tpu.dma_semaphore, #tpu.memory_space<semaphore_mem>>)
      %add3A_300 = arith.constant 360 : i32
      %add3A_301 = arith.addi %mul3A_87, %add3A_300 : i32
      %dma_start3A_302 = arith.constant 0 : i32
      %dma_start3A_303 = tpu.memref_slice %arg17[%add3A_301, %dma_start3A_302] : memref<6408x128xf32, #tpu.memory_space<vmem_shared>> -> memref<40x128xf32, #tpu.memory_space<vmem_shared>>
      %dma_start3A_304 = arith.constant 0 : i32
      %dma_start3A_305 = tpu.memref_slice %arg17[%add3A_301, %dma_start3A_304] : memref<6408x128xf32, #tpu.memory_space<vmem_shared>> -> memref<40x128xf32, #tpu.memory_space<vmem_shared>>
      tpu.enqueue_dma source(%arg16 : memref<40x128xf32, #tpu.memory_space<vmem>>) target(%dma_start3A_305 : memref<40x128xf32, #tpu.memory_space<vmem_shared>>) target_semaphore(%arg18 : memref<!tpu.dma_semaphore, #tpu.memory_space<semaphore_mem>>)
      %dma_wait3A_306 = arith.constant 0 : i32
      %dma_wait3A_307 = tpu.memref_slice %arg17[%add3A_247, %dma_wait3A_306] : memref<6408x128xf32, #tpu.memory_space<vmem_shared>> -> memref<40x128xf32, #tpu.memory_space<vmem_shared>>
      %dma_wait3A_308 = arith.constant 0 : i32
      %dma_wait3A_309 = tpu.memref_slice %arg17[%add3A_247, %dma_wait3A_308] : memref<6408x128xf32, #tpu.memory_space<vmem_shared>> -> memref<40x128xf32, #tpu.memory_space<vmem_shared>>
      tpu.wait_dma2 semaphore(%arg18 : memref<!tpu.dma_semaphore, #tpu.memory_space<semaphore_mem>>) src(%arg16 : memref<40x128xf32, #tpu.memory_space<vmem>>) dst(%dma_wait3A_309 : memref<40x128xf32, #tpu.memory_space<vmem_shared>>)
      %dma_wait3A_310 = arith.constant 0 : i32
      %dma_wait3A_311 = tpu.memref_slice %arg17[%add3A_253, %dma_wait3A_310] : memref<6408x128xf32, #tpu.memory_space<vmem_shared>> -> memref<40x128xf32, #tpu.memory_space<vmem_shared>>
      %dma_wait3A_312 = arith.constant 0 : i32
      %dma_wait3A_313 = tpu.memref_slice %arg17[%add3A_253, %dma_wait3A_312] : memref<6408x128xf32, #tpu.memory_space<vmem_shared>> -> memref<40x128xf32, #tpu.memory_space<vmem_shared>>
      tpu.wait_dma2 semaphore(%arg18 : memref<!tpu.dma_semaphore, #tpu.memory_space<semaphore_mem>>) src(%arg16 : memref<40x128xf32, #tpu.memory_space<vmem>>) dst(%dma_wait3A_313 : memref<40x128xf32, #tpu.memory_space<vmem_shared>>)
      %dma_wait3A_314 = arith.constant 0 : i32
      %dma_wait3A_315 = tpu.memref_slice %arg17[%add3A_259, %dma_wait3A_314] : memref<6408x128xf32, #tpu.memory_space<vmem_shared>> -> memref<40x128xf32, #tpu.memory_space<vmem_shared>>
      %dma_wait3A_316 = arith.constant 0 : i32
      %dma_wait3A_317 = tpu.memref_slice %arg17[%add3A_259, %dma_wait3A_316] : memref<6408x128xf32, #tpu.memory_space<vmem_shared>> -> memref<40x128xf32, #tpu.memory_space<vmem_shared>>
      tpu.wait_dma2 semaphore(%arg18 : memref<!tpu.dma_semaphore, #tpu.memory_space<semaphore_mem>>) src(%arg16 : memref<40x128xf32, #tpu.memory_space<vmem>>) dst(%dma_wait3A_317 : memref<40x128xf32, #tpu.memory_space<vmem_shared>>)
      %dma_wait3A_318 = arith.constant 0 : i32
      %dma_wait3A_319 = tpu.memref_slice %arg17[%add3A_265, %dma_wait3A_318] : memref<6408x128xf32, #tpu.memory_space<vmem_shared>> -> memref<40x128xf32, #tpu.memory_space<vmem_shared>>
      %dma_wait3A_320 = arith.constant 0 : i32
      %dma_wait3A_321 = tpu.memref_slice %arg17[%add3A_265, %dma_wait3A_320] : memref<6408x128xf32, #tpu.memory_space<vmem_shared>> -> memref<40x128xf32, #tpu.memory_space<vmem_shared>>
      tpu.wait_dma2 semaphore(%arg18 : memref<!tpu.dma_semaphore, #tpu.memory_space<semaphore_mem>>) src(%arg16 : memref<40x128xf32, #tpu.memory_space<vmem>>) dst(%dma_wait3A_321 : memref<40x128xf32, #tpu.memory_space<vmem_shared>>)
      %dma_wait3A_322 = arith.constant 0 : i32
      %dma_wait3A_323 = tpu.memref_slice %arg17[%add3A_271, %dma_wait3A_322] : memref<6408x128xf32, #tpu.memory_space<vmem_shared>> -> memref<40x128xf32, #tpu.memory_space<vmem_shared>>
      %dma_wait3A_324 = arith.constant 0 : i32
      %dma_wait3A_325 = tpu.memref_slice %arg17[%add3A_271, %dma_wait3A_324] : memref<6408x128xf32, #tpu.memory_space<vmem_shared>> -> memref<40x128xf32, #tpu.memory_space<vmem_shared>>
      tpu.wait_dma2 semaphore(%arg18 : memref<!tpu.dma_semaphore, #tpu.memory_space<semaphore_mem>>) src(%arg16 : memref<40x128xf32, #tpu.memory_space<vmem>>) dst(%dma_wait3A_325 : memref<40x128xf32, #tpu.memory_space<vmem_shared>>)
      %dma_wait3A_326 = arith.constant 0 : i32
      %dma_wait3A_327 = tpu.memref_slice %arg17[%add3A_277, %dma_wait3A_326] : memref<6408x128xf32, #tpu.memory_space<vmem_shared>> -> memref<40x128xf32, #tpu.memory_space<vmem_shared>>
      %dma_wait3A_328 = arith.constant 0 : i32
      %dma_wait3A_329 = tpu.memref_slice %arg17[%add3A_277, %dma_wait3A_328] : memref<6408x128xf32, #tpu.memory_space<vmem_shared>> -> memref<40x128xf32, #tpu.memory_space<vmem_shared>>
      tpu.wait_dma2 semaphore(%arg18 : memref<!tpu.dma_semaphore, #tpu.memory_space<semaphore_mem>>) src(%arg16 : memref<40x128xf32, #tpu.memory_space<vmem>>) dst(%dma_wait3A_329 : memref<40x128xf32, #tpu.memory_space<vmem_shared>>)
      %dma_wait3A_330 = arith.constant 0 : i32
      %dma_wait3A_331 = tpu.memref_slice %arg17[%add3A_283, %dma_wait3A_330] : memref<6408x128xf32, #tpu.memory_space<vmem_shared>> -> memref<40x128xf32, #tpu.memory_space<vmem_shared>>
      %dma_wait3A_332 = arith.constant 0 : i32
      %dma_wait3A_333 = tpu.memref_slice %arg17[%add3A_283, %dma_wait3A_332] : memref<6408x128xf32, #tpu.memory_space<vmem_shared>> -> memref<40x128xf32, #tpu.memory_space<vmem_shared>>
      tpu.wait_dma2 semaphore(%arg18 : memref<!tpu.dma_semaphore, #tpu.memory_space<semaphore_mem>>) src(%arg16 : memref<40x128xf32, #tpu.memory_space<vmem>>) dst(%dma_wait3A_333 : memref<40x128xf32, #tpu.memory_space<vmem_shared>>)
      %dma_wait3A_334 = arith.constant 0 : i32
      %dma_wait3A_335 = tpu.memref_slice %arg17[%add3A_289, %dma_wait3A_334] : memref<6408x128xf32, #tpu.memory_space<vmem_shared>> -> memref<40x128xf32, #tpu.memory_space<vmem_shared>>
      %dma_wait3A_336 = arith.constant 0 : i32
      %dma_wait3A_337 = tpu.memref_slice %arg17[%add3A_289, %dma_wait3A_336] : memref<6408x128xf32, #tpu.memory_space<vmem_shared>> -> memref<40x128xf32, #tpu.memory_space<vmem_shared>>
      tpu.wait_dma2 semaphore(%arg18 : memref<!tpu.dma_semaphore, #tpu.memory_space<semaphore_mem>>) src(%arg16 : memref<40x128xf32, #tpu.memory_space<vmem>>) dst(%dma_wait3A_337 : memref<40x128xf32, #tpu.memory_space<vmem_shared>>)
      %dma_wait3A_338 = arith.constant 0 : i32
      %dma_wait3A_339 = tpu.memref_slice %arg17[%add3A_295, %dma_wait3A_338] : memref<6408x128xf32, #tpu.memory_space<vmem_shared>> -> memref<40x128xf32, #tpu.memory_space<vmem_shared>>
      %dma_wait3A_340 = arith.constant 0 : i32
      %dma_wait3A_341 = tpu.memref_slice %arg17[%add3A_295, %dma_wait3A_340] : memref<6408x128xf32, #tpu.memory_space<vmem_shared>> -> memref<40x128xf32, #tpu.memory_space<vmem_shared>>
      tpu.wait_dma2 semaphore(%arg18 : memref<!tpu.dma_semaphore, #tpu.memory_space<semaphore_mem>>) src(%arg16 : memref<40x128xf32, #tpu.memory_space<vmem>>) dst(%dma_wait3A_341 : memref<40x128xf32, #tpu.memory_space<vmem_shared>>)
      %dma_wait3A_342 = arith.constant 0 : i32
      %dma_wait3A_343 = tpu.memref_slice %arg17[%add3A_301, %dma_wait3A_342] : memref<6408x128xf32, #tpu.memory_space<vmem_shared>> -> memref<40x128xf32, #tpu.memory_space<vmem_shared>>
      %dma_wait3A_344 = arith.constant 0 : i32
      %dma_wait3A_345 = tpu.memref_slice %arg17[%add3A_301, %dma_wait3A_344] : memref<6408x128xf32, #tpu.memory_space<vmem_shared>> -> memref<40x128xf32, #tpu.memory_space<vmem_shared>>
      tpu.wait_dma2 semaphore(%arg18 : memref<!tpu.dma_semaphore, #tpu.memory_space<semaphore_mem>>) src(%arg16 : memref<40x128xf32, #tpu.memory_space<vmem>>) dst(%dma_wait3A_345 : memref<40x128xf32, #tpu.memory_space<vmem_shared>>)
      %barrier3A_346 = arith.constant 0 : index
      tpu.barrier barrier_id(%barrier3A_346)
      %scan3A_347 = arith.constant 0 : i32
      scf.yield %scan3A_347 : i32
    }
    %scan3A_26 = arith.constant 16 : i32
    return
  }
}

#map = affine_map<(d0, d1) -> (0, 0)>
#map1 = affine_map<(d0, d1) -> (0)>
module attributes {stable_mosaic.version = 14 : i64} {
  func.func @_sc_embed_gather(%arg0: i32, %arg1: i32, %arg2: memref<32768x128xf32, #tpu.memory_space<hbm>>, %arg3: memref<102400xi32, #tpu.memory_space<hbm>>, %arg4: memref<102400x128xf32, #tpu.memory_space<hbm>>, %arg5: memref<128xi32, #tpu.memory_space<vmem>>, %arg6: memref<128x128xf32, #tpu.memory_space<vmem>>, %arg7: memref<!tpu.dma_semaphore, #tpu.memory_space<semaphore_mem>>) attributes {dimension_semantics = [#tpu.dimension_semantics<core_parallel>, #tpu.dimension_semantics<subcore_parallel>], iteration_bounds = array<i64: 2, 16>, scalar_prefetch = 0 : i64, scratch_operands = 3 : i64, tpu.core_type = #tpu.core_type<sc_vector_subcore>, window_params = [{transform_indices = #map}, {transform_indices = #map1}, {transform_indices = #map}]} {
    %mul3A = arith.constant 2 : i32
    %mul3A_0 = arith.muli %arg1, %mul3A : i32
    %add3A = arith.addi %mul3A_0, %arg0 : i32
    %scan3A = arith.constant 0 : i32
    %scan3A_1 = arith.constant 0 : i32
    %scan3A_2 = arith.constant 25 : i32
    %scan3A_3 = arith.addi %scan3A_1, %scan3A_2 : i32
    %scan3A_4 = arith.constant 1 : i32
    %scan3A_5 = scf.for %scan3A_7 = %scan3A_1 to %scan3A_3 step %scan3A_4 iter_args(%scan3A_8 = %scan3A) -> (i32)  : i32 {
      %mul3A_9 = arith.constant 3200 : i32
      %mul3A_10 = arith.muli %add3A, %mul3A_9 : i32
      %mul3A_11 = arith.constant 128 : i32
      %mul3A_12 = arith.muli %scan3A_7, %mul3A_11 : i32
      %add3A_13 = arith.addi %mul3A_10, %mul3A_12 : i32
      "tpu.region"() ({
        %run_scoped3A = tpu.sem_alloc : memref<!tpu.dma_semaphore, #tpu.memory_space<semaphore_mem>>
        %dma_start3A_19 = tpu.memref_slice %arg3[%add3A_13] : memref<102400xi32, #tpu.memory_space<hbm>> -> memref<128xi32, #tpu.memory_space<hbm>>
        %dma_start3A_20 = tpu.memref_slice %arg3[%add3A_13] : memref<102400xi32, #tpu.memory_space<hbm>> -> memref<128xi32, #tpu.memory_space<hbm>>
        tpu.enqueue_dma source(%dma_start3A_20 : memref<128xi32, #tpu.memory_space<hbm>>) target(%arg5 : memref<128xi32, #tpu.memory_space<vmem>>) target_semaphore(%run_scoped3A : memref<!tpu.dma_semaphore, #tpu.memory_space<semaphore_mem>>)
        %dma_wait3A_21 = tpu.memref_slice %arg3[%add3A_13] : memref<102400xi32, #tpu.memory_space<hbm>> -> memref<128xi32, #tpu.memory_space<hbm>>
        %dma_wait3A_22 = tpu.memref_slice %arg3[%add3A_13] : memref<102400xi32, #tpu.memory_space<hbm>> -> memref<128xi32, #tpu.memory_space<hbm>>
        tpu.wait_dma2 semaphore(%run_scoped3A : memref<!tpu.dma_semaphore, #tpu.memory_space<semaphore_mem>>) src(%dma_wait3A_22 : memref<128xi32, #tpu.memory_space<hbm>>) dst(%arg5 : memref<128xi32, #tpu.memory_space<vmem>>)
        tpu.yield
      }) : () -> ()
      %dma_start3A = arith.constant 0 : i32
      %dma_start3A_14 = arith.constant 0 : i32
      %dma_start3A_15 = tpu.memref_slice %arg2[%dma_start3A, %dma_start3A_14] : memref<32768x128xf32, #tpu.memory_space<hbm>> -> memref<32768x128xf32, #tpu.memory_space<hbm>>
      tpu.enqueue_indirect_dma source(%dma_start3A_15 : memref<32768x128xf32, #tpu.memory_space<hbm>>) target(%arg6 : memref<128x128xf32, #tpu.memory_space<vmem>>) offsets(%arg5 : memref<128xi32, #tpu.memory_space<vmem>>) semaphore(%arg7 : memref<!tpu.dma_semaphore, #tpu.memory_space<semaphore_mem>>)
      %dma_wait3A = arith.constant 0 : i32
      %dma_wait3A_16 = arith.constant 0 : i32
      %dma_wait3A_17 = tpu.memref_slice %arg2[%dma_wait3A, %dma_wait3A_16] : memref<32768x128xf32, #tpu.memory_space<hbm>> -> memref<32768x128xf32, #tpu.memory_space<hbm>>
      tpu.wait_indirect_dma semaphore(%arg7 : memref<!tpu.dma_semaphore, #tpu.memory_space<semaphore_mem>>) src(%dma_wait3A_17 : memref<32768x128xf32, #tpu.memory_space<hbm>>) dst(%arg6 : memref<128x128xf32, #tpu.memory_space<vmem>>)
      "tpu.region"() ({
        %run_scoped3A = tpu.sem_alloc : memref<!tpu.dma_semaphore, #tpu.memory_space<semaphore_mem>>
        %dma_start3A_19 = arith.constant 0 : i32
        %dma_start3A_20 = tpu.memref_slice %arg4[%add3A_13, %dma_start3A_19] : memref<102400x128xf32, #tpu.memory_space<hbm>> -> memref<128x128xf32, #tpu.memory_space<hbm>>
        %dma_start3A_21 = arith.constant 0 : i32
        %dma_start3A_22 = tpu.memref_slice %arg4[%add3A_13, %dma_start3A_21] : memref<102400x128xf32, #tpu.memory_space<hbm>> -> memref<128x128xf32, #tpu.memory_space<hbm>>
        tpu.enqueue_dma source(%arg6 : memref<128x128xf32, #tpu.memory_space<vmem>>) target(%dma_start3A_22 : memref<128x128xf32, #tpu.memory_space<hbm>>) target_semaphore(%run_scoped3A : memref<!tpu.dma_semaphore, #tpu.memory_space<semaphore_mem>>)
        %dma_wait3A_23 = arith.constant 0 : i32
        %dma_wait3A_24 = tpu.memref_slice %arg4[%add3A_13, %dma_wait3A_23] : memref<102400x128xf32, #tpu.memory_space<hbm>> -> memref<128x128xf32, #tpu.memory_space<hbm>>
        %dma_wait3A_25 = arith.constant 0 : i32
        %dma_wait3A_26 = tpu.memref_slice %arg4[%add3A_13, %dma_wait3A_25] : memref<102400x128xf32, #tpu.memory_space<hbm>> -> memref<128x128xf32, #tpu.memory_space<hbm>>
        tpu.wait_dma2 semaphore(%run_scoped3A : memref<!tpu.dma_semaphore, #tpu.memory_space<semaphore_mem>>) src(%arg6 : memref<128x128xf32, #tpu.memory_space<vmem>>) dst(%dma_wait3A_26 : memref<128x128xf32, #tpu.memory_space<hbm>>)
        tpu.yield
      }) : () -> ()
      %scan3A_18 = arith.constant 0 : i32
      scf.yield %scan3A_18 : i32
    }
    %scan3A_6 = arith.constant 25 : i32
    return
  }
}

module attributes {stable_mosaic.version = 14 : i64} {
  func.func @_tc_step_body(%arg0: i32, %arg1: memref<1024x384xf32, #tpu.memory_space<vmem>>, %arg2: memref<1024x128xf32, #tpu.memory_space<vmem>>, %arg3: memref<1024x128xf32, #tpu.memory_space<vmem>>, %arg4: memref<128x384xf32, #tpu.memory_space<vmem>>, %arg5: memref<1x384xf32, #tpu.memory_space<vmem>>, %arg6: memref<128x128xf32, #tpu.memory_space<vmem>>, %arg7: memref<1024x128xf32, #tpu.memory_space<vmem>>, %arg8: memref<1024x256xf32, #tpu.memory_space<vmem>>) attributes {dimension_semantics = [#tpu.dimension_semantics<arbitrary>], iteration_bounds = array<i64: 100>, scalar_prefetch = 0 : i64, scratch_operands = 0 : i64, tpu.core_type = #tpu.core_type<tc>, window_params = [{transform_indices = @transform_0, window_bounds = array<i64: 1024, 384>}, {transform_indices = @transform_1, window_bounds = array<i64: 1024, 128>}, {transform_indices = @transform_2, window_bounds = array<i64: 1024, 128>}, {pipeline_mode = #tpu.pipeline_mode<synchronous>, transform_indices = @transform_3, window_bounds = array<i64: 128, 384>}, {pipeline_mode = #tpu.pipeline_mode<synchronous>, transform_indices = @transform_4, window_bounds = array<i64: 1, 384>}, {pipeline_mode = #tpu.pipeline_mode<synchronous>, transform_indices = @transform_5, window_bounds = array<i64: 128, 128>}, {transform_indices = @transform_6, window_bounds = array<i64: 1024, 128>}, {transform_indices = @transform_7, window_bounds = array<i64: 1024, 256>}]} {
    %get3A = arith.constant 0 : index
    %get3A_0 = arith.constant 0 : index
    %get3A_1 = vector.load %arg2[%get3A, %get3A_0] : memref<1024x128xf32, #tpu.memory_space<vmem>>, vector<1024x128xf32>
    %get3A_2 = arith.constant 0 : index
    %get3A_3 = arith.constant 0 : index
    %get3A_4 = vector.load %arg1[%get3A_2, %get3A_3] : memref<1024x384xf32, #tpu.memory_space<vmem>>, vector<1024x384xf32>
    %get3A_5 = arith.constant 0 : index
    %get3A_6 = arith.constant 0 : index
    %get3A_7 = vector.load %arg4[%get3A_5, %get3A_6] : memref<128x384xf32, #tpu.memory_space<vmem>>, vector<128x384xf32>
    %dot_general3A = arith.constant dense<0.000000e+00> : vector<1024x384xf32>
    %dot_general3A_8 = tpu.matmul %get3A_1, %get3A_7, %dot_general3A {dimension_numbers = #tpu.dot_dimension_numbers<[1], [0], [0], [1], [0, 0, 1, 1], [], []>, transpose_lhs_hint = false} : vector<1024x128xf32>, vector<128x384xf32>, vector<1024x384xf32> -> vector<1024x384xf32>
    %add3A = arith.addf %get3A_4, %dot_general3A_8 : vector<1024x384xf32>
    %get3A_9 = arith.constant 0 : index
    %get3A_10 = arith.constant 0 : index
    %get3A_11 = vector.load %arg5[%get3A_9, %get3A_10] : memref<1x384xf32, #tpu.memory_space<vmem>>, vector<1x384xf32>
    %add3A_12 = vector.broadcast %get3A_11 : vector<1x384xf32> to vector<1024x384xf32>
    %add3A_13 = arith.addf %add3A, %add3A_12 : vector<1024x384xf32>
    %slice3A = vector.extract_strided_slice %add3A_13 {offsets = [0, 0], sizes = [1024, 128], strides = [1, 1]} : vector<1024x384xf32> to vector<1024x128xf32>
    %logistic3A = arith.negf %slice3A : vector<1024x128xf32>
    %logistic3A_14 = math.exp %logistic3A : vector<1024x128xf32>
    %logistic3A_15 = arith.constant 1.000000e+00 : f32
    %logistic3A_16 = vector.broadcast %logistic3A_15 : f32 to vector<1024x128xf32>
    %logistic3A_17 = arith.addf %logistic3A_16, %logistic3A_14 : vector<1024x128xf32>
    %logistic3A_18 = arith.divf %logistic3A_16, %logistic3A_17 : vector<1024x128xf32>
    %slice3A_19 = vector.extract_strided_slice %add3A_13 {offsets = [0, 128], sizes = [1024, 128], strides = [1, 1]} : vector<1024x384xf32> to vector<1024x128xf32>
    %logistic3A_20 = arith.negf %slice3A_19 : vector<1024x128xf32>
    %logistic3A_21 = math.exp %logistic3A_20 : vector<1024x128xf32>
    %logistic3A_22 = arith.constant 1.000000e+00 : f32
    %logistic3A_23 = vector.broadcast %logistic3A_22 : f32 to vector<1024x128xf32>
    %logistic3A_24 = arith.addf %logistic3A_23, %logistic3A_21 : vector<1024x128xf32>
    %logistic3A_25 = arith.divf %logistic3A_23, %logistic3A_24 : vector<1024x128xf32>
    %slice3A_26 = vector.extract_strided_slice %add3A_13 {offsets = [0, 256], sizes = [1024, 128], strides = [1, 1]} : vector<1024x384xf32> to vector<1024x128xf32>
    %tanh3A = math.tanh %slice3A_26 : vector<1024x128xf32>
    %mul3A = arith.mulf %logistic3A_18, %tanh3A : vector<1024x128xf32>
    %get3A_27 = arith.constant 0 : index
    %get3A_28 = arith.constant 0 : index
    %get3A_29 = vector.load %arg3[%get3A_27, %get3A_28] : memref<1024x128xf32, #tpu.memory_space<vmem>>, vector<1024x128xf32>
    %add3A_30 = arith.addf %mul3A, %get3A_29 : vector<1024x128xf32>
    %tanh3A_31 = math.tanh %add3A_30 : vector<1024x128xf32>
    %mul3A_32 = arith.mulf %logistic3A_25, %tanh3A_31 : vector<1024x128xf32>
    %swap3A = arith.constant 0 : index
    %swap3A_33 = arith.constant 0 : index
    %swap3A_34 = vector.load %arg7[%swap3A, %swap3A_33] : memref<1024x128xf32, #tpu.memory_space<vmem>>, vector<1024x128xf32>
    tpu.vector_store %arg7[%swap3A, %swap3A_33], %mul3A_32 {strides = array<i32>} : memref<1024x128xf32, #tpu.memory_space<vmem>>, vector<1024x128xf32>,
    %get3A_35 = arith.constant 0 : index
    %get3A_36 = arith.constant 0 : index
    %get3A_37 = vector.load %arg6[%get3A_35, %get3A_36] : memref<128x128xf32, #tpu.memory_space<vmem>>, vector<128x128xf32>
    %dot_general3A_38 = arith.constant dense<0.000000e+00> : vector<1024x128xf32>
    %dot_general3A_39 = tpu.matmul %mul3A_32, %get3A_37, %dot_general3A_38 {dimension_numbers = #tpu.dot_dimension_numbers<[1], [0], [0], [1], [0, 0, 1, 1], [], []>, transpose_lhs_hint = false} : vector<1024x128xf32>, vector<128x128xf32>, vector<1024x128xf32> -> vector<1024x128xf32>
    %concatenate3A = tpu.concatenate %dot_general3A_39, %add3A_30 in 1 : vector<1024x128xf32>, vector<1024x128xf32> -> vector<1024x256xf32>
    %swap3A_40 = arith.constant 0 : index
    %swap3A_41 = arith.constant 0 : index
    %swap3A_42 = vector.load %arg8[%swap3A_40, %swap3A_41] : memref<1024x256xf32, #tpu.memory_space<vmem>>, vector<1024x256xf32>
    tpu.vector_store %arg8[%swap3A_40, %swap3A_41], %concatenate3A {strides = array<i32>} : memref<1024x256xf32, #tpu.memory_space<vmem>>, vector<1024x256xf32>,
    return
  }
  func.func @transform_0(%arg0: i32) -> (i32, i32) {
    %c0_i32 = arith.constant 0 : i32
    %c0_i32_0 = arith.constant 0 : i32
    return %arg0, %c0_i32 : i32, i32
  }
  func.func @transform_1(%arg0: i32) -> (i32, i32) {
    %c0_i32 = arith.constant 0 : i32
    %c0_i32_0 = arith.constant 0 : i32
    return %arg0, %c0_i32 : i32, i32
  }
  func.func @transform_2(%arg0: i32) -> (i32, i32) {
    %add3A = arith.constant 100 : i32
    %add3A_0 = arith.addi %arg0, %add3A : i32
    %c0_i32 = arith.constant 0 : i32
    %c0_i32_1 = arith.constant 0 : i32
    return %add3A_0, %c0_i32 : i32, i32
  }
  func.func @transform_3(%arg0: i32) -> (i32, i32) {
    %c0_i32 = arith.constant 0 : i32
    %c0_i32_0 = arith.constant 0 : i32
    %c0_i32_1 = arith.constant 0 : i32
    return %c0_i32, %c0_i32_0 : i32, i32
  }
  func.func @transform_4(%arg0: i32) -> (i32, i32) {
    %c0_i32 = arith.constant 0 : i32
    %c0_i32_0 = arith.constant 0 : i32
    %c0_i32_1 = arith.constant 0 : i32
    return %c0_i32, %c0_i32_0 : i32, i32
  }
  func.func @transform_5(%arg0: i32) -> (i32, i32) {
    %c0_i32 = arith.constant 0 : i32
    %c0_i32_0 = arith.constant 0 : i32
    %c0_i32_1 = arith.constant 0 : i32
    return %c0_i32, %c0_i32_0 : i32, i32
  }
  func.func @transform_6(%arg0: i32) -> (i32, i32) {
    %c0_i32 = arith.constant 0 : i32
    %c0_i32_0 = arith.constant 0 : i32
    return %arg0, %c0_i32 : i32, i32
  }
  func.func @transform_7(%arg0: i32) -> (i32, i32) {
    %c0_i32 = arith.constant 0 : i32
    %c0_i32_0 = arith.constant 0 : i32
    return %arg0, %c0_i32 : i32, i32
  }
}

module attributes {stable_mosaic.version = 14 : i64} {
  func.func @_tc_pre_body(%arg0: i32, %arg1: memref<1024x128xf32, #tpu.memory_space<vmem>>, %arg2: memref<1024x128xf32, #tpu.memory_space<vmem>>, %arg3: memref<128x384xf32, #tpu.memory_space<vmem>>, %arg4: memref<1x384xf32, #tpu.memory_space<vmem>>, %arg5: memref<128x128xf32, #tpu.memory_space<vmem>>, %arg6: memref<1x128xf32, #tpu.memory_space<vmem>>, %arg7: memref<1x384xf32, #tpu.memory_space<vmem>>, %arg8: memref<128x128xf32, #tpu.memory_space<vmem>>, %arg9: memref<1024x384xf32, #tpu.memory_space<vmem>>, %arg10: memref<1024x128xf32, #tpu.memory_space<vmem>>, %arg11: memref<1024x128xf32, #tpu.memory_space<vmem>>, %arg12: memref<1024x256xf32, #tpu.memory_space<vmem>>) attributes {dimension_semantics = [#tpu.dimension_semantics<arbitrary>], iteration_bounds = array<i64: 100>, scalar_prefetch = 0 : i64, scratch_operands = 0 : i64, tpu.core_type = #tpu.core_type<tc>, window_params = [{transform_indices = @transform_0, window_bounds = array<i64: 1024, 128>}, {transform_indices = @transform_1, window_bounds = array<i64: 1024, 128>}, {pipeline_mode = #tpu.pipeline_mode<synchronous>, transform_indices = @transform_2, window_bounds = array<i64: 128, 384>}, {pipeline_mode = #tpu.pipeline_mode<synchronous>, transform_indices = @transform_3, window_bounds = array<i64: 1, 384>}, {pipeline_mode = #tpu.pipeline_mode<synchronous>, transform_indices = @transform_4, window_bounds = array<i64: 128, 128>}, {pipeline_mode = #tpu.pipeline_mode<synchronous>, transform_indices = @transform_5, window_bounds = array<i64: 1, 128>}, {pipeline_mode = #tpu.pipeline_mode<synchronous>, transform_indices = @transform_6, window_bounds = array<i64: 1, 384>}, {pipeline_mode = #tpu.pipeline_mode<synchronous>, transform_indices = @transform_7, window_bounds = array<i64: 128, 128>}, {transform_indices = @transform_8, window_bounds = array<i64: 1024, 384>}, {transform_indices = @transform_9, window_bounds = array<i64: 1024, 128>}, {transform_indices = @transform_10, window_bounds = array<i64: 1024, 128>}, {transform_indices = @transform_11, window_bounds = array<i64: 1024, 256>}]} {
    %get3A = arith.constant 0 : index
    %get3A_0 = arith.constant 0 : index
    %get3A_1 = vector.load %arg1[%get3A, %get3A_0] : memref<1024x128xf32, #tpu.memory_space<vmem>>, vector<1024x128xf32>
    %get3A_2 = arith.constant 0 : index
    %get3A_3 = arith.constant 0 : index
    %get3A_4 = vector.load %arg2[%get3A_2, %get3A_3] : memref<1024x128xf32, #tpu.memory_space<vmem>>, vector<1024x128xf32>
    %slice3A = vector.extract_strided_slice %get3A_4 {offsets = [0, 0], sizes = [1024, 1], strides = [1, 1]} : vector<1024x128xf32> to vector<1024x1xf32>
    %get3A_5 = arith.constant 0 : index
    %get3A_6 = arith.constant 0 : index
    %get3A_7 = vector.load %arg3[%get3A_5, %get3A_6] : memref<128x384xf32, #tpu.memory_space<vmem>>, vector<128x384xf32>
    %dot_general3A = arith.constant dense<0.000000e+00> : vector<1024x384xf32>
    %dot_general3A_8 = tpu.matmul %get3A_1, %get3A_7, %dot_general3A {dimension_numbers = #tpu.dot_dimension_numbers<[1], [0], [0], [1], [0, 0, 1, 1], [], []>, transpose_lhs_hint = false} : vector<1024x128xf32>, vector<128x384xf32>, vector<1024x384xf32> -> vector<1024x384xf32>
    %get3A_9 = arith.constant 0 : index
    %get3A_10 = arith.constant 0 : index
    %get3A_11 = vector.load %arg4[%get3A_9, %get3A_10] : memref<1x384xf32, #tpu.memory_space<vmem>>, vector<1x384xf32>
    %add3A = vector.broadcast %get3A_11 : vector<1x384xf32> to vector<1024x384xf32>
    %add3A_12 = arith.addf %dot_general3A_8, %add3A : vector<1024x384xf32>
    %mul3A = vector.broadcast %slice3A : vector<1024x1xf32> to vector<1024x384xf32>
    %mul3A_13 = arith.mulf %add3A_12, %mul3A : vector<1024x384xf32>
    %get3A_14 = arith.constant 0 : index
    %get3A_15 = arith.constant 0 : index
    %get3A_16 = vector.load %arg5[%get3A_14, %get3A_15] : memref<128x128xf32, #tpu.memory_space<vmem>>, vector<128x128xf32>
    %dot_general3A_17 = arith.constant dense<0.000000e+00> : vector<1024x128xf32>
    %dot_general3A_18 = tpu.matmul %get3A_1, %get3A_16, %dot_general3A_17 {dimension_numbers = #tpu.dot_dimension_numbers<[1], [0], [0], [1], [0, 0, 1, 1], [], []>, transpose_lhs_hint = false} : vector<1024x128xf32>, vector<128x128xf32>, vector<1024x128xf32> -> vector<1024x128xf32>
    %get3A_19 = arith.constant 0 : index
    %get3A_20 = arith.constant 0 : index
    %get3A_21 = vector.load %arg6[%get3A_19, %get3A_20] : memref<1x128xf32, #tpu.memory_space<vmem>>, vector<1x128xf32>
    %add3A_22 = vector.broadcast %get3A_21 : vector<1x128xf32> to vector<1024x128xf32>
    %add3A_23 = arith.addf %dot_general3A_18, %add3A_22 : vector<1024x128xf32>
    %mul3A_24 = vector.broadcast %slice3A : vector<1024x1xf32> to vector<1024x128xf32>
    %mul3A_25 = arith.mulf %add3A_23, %mul3A_24 : vector<1024x128xf32>
    %swap3A = arith.constant 0 : index
    %swap3A_26 = arith.constant 0 : index
    %swap3A_27 = vector.load %arg9[%swap3A, %swap3A_26] : memref<1024x384xf32, #tpu.memory_space<vmem>>, vector<1024x384xf32>
    tpu.vector_store %arg9[%swap3A, %swap3A_26], %mul3A_13 {strides = array<i32>} : memref<1024x384xf32, #tpu.memory_space<vmem>>, vector<1024x384xf32>,
    %swap3A_28 = arith.constant 0 : index
    %swap3A_29 = arith.constant 0 : index
    %swap3A_30 = vector.load %arg10[%swap3A_28, %swap3A_29] : memref<1024x128xf32, #tpu.memory_space<vmem>>, vector<1024x128xf32>
    tpu.vector_store %arg10[%swap3A_28, %swap3A_29], %mul3A_25 {strides = array<i32>} : memref<1024x128xf32, #tpu.memory_space<vmem>>, vector<1024x128xf32>,
    %get3A_31 = arith.constant 0 : index
    %get3A_32 = arith.constant 0 : index
    %get3A_33 = vector.load %arg7[%get3A_31, %get3A_32] : memref<1x384xf32, #tpu.memory_space<vmem>>, vector<1x384xf32>
    %add3A_34 = vector.broadcast %get3A_33 : vector<1x384xf32> to vector<1024x384xf32>
    %add3A_35 = arith.addf %mul3A_13, %add3A_34 : vector<1024x384xf32>
    %slice3A_36 = vector.extract_strided_slice %add3A_35 {offsets = [0, 0], sizes = [1024, 128], strides = [1, 1]} : vector<1024x384xf32> to vector<1024x128xf32>
    %logistic3A = arith.negf %slice3A_36 : vector<1024x128xf32>
    %logistic3A_37 = math.exp %logistic3A : vector<1024x128xf32>
    %logistic3A_38 = arith.constant 1.000000e+00 : f32
    %logistic3A_39 = vector.broadcast %logistic3A_38 : f32 to vector<1024x128xf32>
    %logistic3A_40 = arith.addf %logistic3A_39, %logistic3A_37 : vector<1024x128xf32>
    %logistic3A_41 = arith.divf %logistic3A_39, %logistic3A_40 : vector<1024x128xf32>
    %slice3A_42 = vector.extract_strided_slice %add3A_35 {offsets = [0, 128], sizes = [1024, 128], strides = [1, 1]} : vector<1024x384xf32> to vector<1024x128xf32>
    %logistic3A_43 = arith.negf %slice3A_42 : vector<1024x128xf32>
    %logistic3A_44 = math.exp %logistic3A_43 : vector<1024x128xf32>
    %logistic3A_45 = arith.constant 1.000000e+00 : f32
    %logistic3A_46 = vector.broadcast %logistic3A_45 : f32 to vector<1024x128xf32>
    %logistic3A_47 = arith.addf %logistic3A_46, %logistic3A_44 : vector<1024x128xf32>
    %logistic3A_48 = arith.divf %logistic3A_46, %logistic3A_47 : vector<1024x128xf32>
    %slice3A_49 = vector.extract_strided_slice %add3A_35 {offsets = [0, 256], sizes = [1024, 128], strides = [1, 1]} : vector<1024x384xf32> to vector<1024x128xf32>
    %tanh3A = math.tanh %slice3A_49 : vector<1024x128xf32>
    %mul3A_50 = arith.mulf %logistic3A_41, %tanh3A : vector<1024x128xf32>
    %tanh3A_51 = math.tanh %mul3A_50 : vector<1024x128xf32>
    %mul3A_52 = arith.mulf %logistic3A_48, %tanh3A_51 : vector<1024x128xf32>
    %swap3A_53 = arith.constant 0 : index
    %swap3A_54 = arith.constant 0 : index
    %swap3A_55 = vector.load %arg11[%swap3A_53, %swap3A_54] : memref<1024x128xf32, #tpu.memory_space<vmem>>, vector<1024x128xf32>
    tpu.vector_store %arg11[%swap3A_53, %swap3A_54], %mul3A_52 {strides = array<i32>} : memref<1024x128xf32, #tpu.memory_space<vmem>>, vector<1024x128xf32>,
    %get3A_56 = arith.constant 0 : index
    %get3A_57 = arith.constant 0 : index
    %get3A_58 = vector.load %arg8[%get3A_56, %get3A_57] : memref<128x128xf32, #tpu.memory_space<vmem>>, vector<128x128xf32>
    %dot_general3A_59 = arith.constant dense<0.000000e+00> : vector<1024x128xf32>
    %dot_general3A_60 = tpu.matmul %mul3A_52, %get3A_58, %dot_general3A_59 {dimension_numbers = #tpu.dot_dimension_numbers<[1], [0], [0], [1], [0, 0, 1, 1], [], []>, transpose_lhs_hint = false} : vector<1024x128xf32>, vector<128x128xf32>, vector<1024x128xf32> -> vector<1024x128xf32>
    %concatenate3A = tpu.concatenate %dot_general3A_60, %mul3A_50 in 1 : vector<1024x128xf32>, vector<1024x128xf32> -> vector<1024x256xf32>
    %swap3A_61 = arith.constant 0 : index
    %swap3A_62 = arith.constant 0 : index
    %swap3A_63 = vector.load %arg12[%swap3A_61, %swap3A_62] : memref<1024x256xf32, #tpu.memory_space<vmem>>, vector<1024x256xf32>
    tpu.vector_store %arg12[%swap3A_61, %swap3A_62], %concatenate3A {strides = array<i32>} : memref<1024x256xf32, #tpu.memory_space<vmem>>, vector<1024x256xf32>,
    return
  }
  func.func @transform_0(%arg0: i32) -> (i32, i32) {
    %c0_i32 = arith.constant 0 : i32
    %c0_i32_0 = arith.constant 0 : i32
    return %arg0, %c0_i32 : i32, i32
  }
  func.func @transform_1(%arg0: i32) -> (i32, i32) {
    %c0_i32 = arith.constant 0 : i32
    %c0_i32_0 = arith.constant 0 : i32
    return %arg0, %c0_i32 : i32, i32
  }
  func.func @transform_2(%arg0: i32) -> (i32, i32) {
    %c0_i32 = arith.constant 0 : i32
    %c0_i32_0 = arith.constant 0 : i32
    %c0_i32_1 = arith.constant 0 : i32
    return %c0_i32, %c0_i32_0 : i32, i32
  }
  func.func @transform_3(%arg0: i32) -> (i32, i32) {
    %c0_i32 = arith.constant 0 : i32
    %c0_i32_0 = arith.constant 0 : i32
    %c0_i32_1 = arith.constant 0 : i32
    return %c0_i32, %c0_i32_0 : i32, i32
  }
  func.func @transform_4(%arg0: i32) -> (i32, i32) {
    %c0_i32 = arith.constant 0 : i32
    %c0_i32_0 = arith.constant 0 : i32
    %c0_i32_1 = arith.constant 0 : i32
    return %c0_i32, %c0_i32_0 : i32, i32
  }
  func.func @transform_5(%arg0: i32) -> (i32, i32) {
    %c0_i32 = arith.constant 0 : i32
    %c0_i32_0 = arith.constant 0 : i32
    %c0_i32_1 = arith.constant 0 : i32
    return %c0_i32, %c0_i32_0 : i32, i32
  }
  func.func @transform_6(%arg0: i32) -> (i32, i32) {
    %c0_i32 = arith.constant 0 : i32
    %c0_i32_0 = arith.constant 0 : i32
    %c0_i32_1 = arith.constant 0 : i32
    return %c0_i32, %c0_i32_0 : i32, i32
  }
  func.func @transform_7(%arg0: i32) -> (i32, i32) {
    %c0_i32 = arith.constant 0 : i32
    %c0_i32_0 = arith.constant 0 : i32
    %c0_i32_1 = arith.constant 0 : i32
    return %c0_i32, %c0_i32_0 : i32, i32
  }
  func.func @transform_8(%arg0: i32) -> (i32, i32) {
    %c0_i32 = arith.constant 0 : i32
    %c0_i32_0 = arith.constant 0 : i32
    return %arg0, %c0_i32 : i32, i32
  }
  func.func @transform_9(%arg0: i32) -> (i32, i32) {
    %c0_i32 = arith.constant 0 : i32
    %c0_i32_0 = arith.constant 0 : i32
    return %arg0, %c0_i32 : i32, i32
  }
  func.func @transform_10(%arg0: i32) -> (i32, i32) {
    %c0_i32 = arith.constant 0 : i32
    %c0_i32_0 = arith.constant 0 : i32
    return %arg0, %c0_i32 : i32, i32
  }
  func.func @transform_11(%arg0: i32) -> (i32, i32) {
    %c0_i32 = arith.constant 0 : i32
    %c0_i32_0 = arith.constant 0 : i32
    return %arg0, %c0_i32 : i32, i32
  }
}

module attributes {stable_mosaic.version = 14 : i64} {
  func.func @_tc_last_body(%arg0: i32, %arg1: memref<1024x384xf32, #tpu.memory_space<vmem>>, %arg2: memref<1024x128xf32, #tpu.memory_space<vmem>>, %arg3: memref<1024x128xf32, #tpu.memory_space<vmem>>, %arg4: memref<128x384xf32, #tpu.memory_space<vmem>>, %arg5: memref<1x384xf32, #tpu.memory_space<vmem>>, %arg6: memref<128x128xf32, #tpu.memory_space<vmem>>, %arg7: memref<1x128xf32, #tpu.memory_space<vmem>>, %arg8: memref<1024x128xf32, #tpu.memory_space<vmem>>) attributes {dimension_semantics = [#tpu.dimension_semantics<arbitrary>], iteration_bounds = array<i64: 100>, scalar_prefetch = 0 : i64, scratch_operands = 0 : i64, tpu.core_type = #tpu.core_type<tc>, window_params = [{transform_indices = @transform_0, window_bounds = array<i64: 1024, 384>}, {transform_indices = @transform_1, window_bounds = array<i64: 1024, 128>}, {transform_indices = @transform_2, window_bounds = array<i64: 1024, 128>}, {pipeline_mode = #tpu.pipeline_mode<synchronous>, transform_indices = @transform_3, window_bounds = array<i64: 128, 384>}, {pipeline_mode = #tpu.pipeline_mode<synchronous>, transform_indices = @transform_4, window_bounds = array<i64: 1, 384>}, {pipeline_mode = #tpu.pipeline_mode<synchronous>, transform_indices = @transform_5, window_bounds = array<i64: 128, 128>}, {pipeline_mode = #tpu.pipeline_mode<synchronous>, transform_indices = @transform_6, window_bounds = array<i64: 1, 128>}, {transform_indices = @transform_7, window_bounds = array<i64: 1024, 128>}]} {
    %get3A = arith.constant 0 : index
    %get3A_0 = arith.constant 0 : index
    %get3A_1 = vector.load %arg2[%get3A, %get3A_0] : memref<1024x128xf32, #tpu.memory_space<vmem>>, vector<1024x128xf32>
    %get3A_2 = arith.constant 0 : index
    %get3A_3 = arith.constant 0 : index
    %get3A_4 = vector.load %arg1[%get3A_2, %get3A_3] : memref<1024x384xf32, #tpu.memory_space<vmem>>, vector<1024x384xf32>
    %get3A_5 = arith.constant 0 : index
    %get3A_6 = arith.constant 0 : index
    %get3A_7 = vector.load %arg4[%get3A_5, %get3A_6] : memref<128x384xf32, #tpu.memory_space<vmem>>, vector<128x384xf32>
    %dot_general3A = arith.constant dense<0.000000e+00> : vector<1024x384xf32>
    %dot_general3A_8 = tpu.matmul %get3A_1, %get3A_7, %dot_general3A {dimension_numbers = #tpu.dot_dimension_numbers<[1], [0], [0], [1], [0, 0, 1, 1], [], []>, transpose_lhs_hint = false} : vector<1024x128xf32>, vector<128x384xf32>, vector<1024x384xf32> -> vector<1024x384xf32>
    %add3A = arith.addf %get3A_4, %dot_general3A_8 : vector<1024x384xf32>
    %get3A_9 = arith.constant 0 : index
    %get3A_10 = arith.constant 0 : index
    %get3A_11 = vector.load %arg5[%get3A_9, %get3A_10] : memref<1x384xf32, #tpu.memory_space<vmem>>, vector<1x384xf32>
    %add3A_12 = vector.broadcast %get3A_11 : vector<1x384xf32> to vector<1024x384xf32>
    %add3A_13 = arith.addf %add3A, %add3A_12 : vector<1024x384xf32>
    %slice3A = vector.extract_strided_slice %add3A_13 {offsets = [0, 0], sizes = [1024, 128], strides = [1, 1]} : vector<1024x384xf32> to vector<1024x128xf32>
    %logistic3A = arith.negf %slice3A : vector<1024x128xf32>
    %logistic3A_14 = math.exp %logistic3A : vector<1024x128xf32>
    %logistic3A_15 = arith.constant 1.000000e+00 : f32
    %logistic3A_16 = vector.broadcast %logistic3A_15 : f32 to vector<1024x128xf32>
    %logistic3A_17 = arith.addf %logistic3A_16, %logistic3A_14 : vector<1024x128xf32>
    %logistic3A_18 = arith.divf %logistic3A_16, %logistic3A_17 : vector<1024x128xf32>
    %slice3A_19 = vector.extract_strided_slice %add3A_13 {offsets = [0, 128], sizes = [1024, 128], strides = [1, 1]} : vector<1024x384xf32> to vector<1024x128xf32>
    %logistic3A_20 = arith.negf %slice3A_19 : vector<1024x128xf32>
    %logistic3A_21 = math.exp %logistic3A_20 : vector<1024x128xf32>
    %logistic3A_22 = arith.constant 1.000000e+00 : f32
    %logistic3A_23 = vector.broadcast %logistic3A_22 : f32 to vector<1024x128xf32>
    %logistic3A_24 = arith.addf %logistic3A_23, %logistic3A_21 : vector<1024x128xf32>
    %logistic3A_25 = arith.divf %logistic3A_23, %logistic3A_24 : vector<1024x128xf32>
    %slice3A_26 = vector.extract_strided_slice %add3A_13 {offsets = [0, 256], sizes = [1024, 128], strides = [1, 1]} : vector<1024x384xf32> to vector<1024x128xf32>
    %tanh3A = math.tanh %slice3A_26 : vector<1024x128xf32>
    %mul3A = arith.mulf %logistic3A_18, %tanh3A : vector<1024x128xf32>
    %get3A_27 = arith.constant 0 : index
    %get3A_28 = arith.constant 0 : index
    %get3A_29 = vector.load %arg3[%get3A_27, %get3A_28] : memref<1024x128xf32, #tpu.memory_space<vmem>>, vector<1024x128xf32>
    %add3A_30 = arith.addf %mul3A, %get3A_29 : vector<1024x128xf32>
    %tanh3A_31 = math.tanh %add3A_30 : vector<1024x128xf32>
    %mul3A_32 = arith.mulf %logistic3A_25, %tanh3A_31 : vector<1024x128xf32>
    %get3A_33 = arith.constant 0 : index
    %get3A_34 = arith.constant 0 : index
    %get3A_35 = vector.load %arg6[%get3A_33, %get3A_34] : memref<128x128xf32, #tpu.memory_space<vmem>>, vector<128x128xf32>
    %dot_general3A_36 = arith.constant dense<0.000000e+00> : vector<1024x128xf32>
    %dot_general3A_37 = tpu.matmul %mul3A_32, %get3A_35, %dot_general3A_36 {dimension_numbers = #tpu.dot_dimension_numbers<[1], [0], [0], [1], [0, 0, 1, 1], [], []>, transpose_lhs_hint = false} : vector<1024x128xf32>, vector<128x128xf32>, vector<1024x128xf32> -> vector<1024x128xf32>
    %get3A_38 = arith.constant 0 : index
    %get3A_39 = arith.constant 0 : index
    %get3A_40 = vector.load %arg7[%get3A_38, %get3A_39] : memref<1x128xf32, #tpu.memory_space<vmem>>, vector<1x128xf32>
    %add3A_41 = vector.broadcast %get3A_40 : vector<1x128xf32> to vector<1024x128xf32>
    %add3A_42 = arith.addf %dot_general3A_37, %add3A_41 : vector<1024x128xf32>
    %swap3A = arith.constant 0 : index
    %swap3A_43 = arith.constant 0 : index
    %swap3A_44 = vector.load %arg8[%swap3A, %swap3A_43] : memref<1024x128xf32, #tpu.memory_space<vmem>>, vector<1024x128xf32>
    tpu.vector_store %arg8[%swap3A, %swap3A_43], %add3A_42 {strides = array<i32>} : memref<1024x128xf32, #tpu.memory_space<vmem>>, vector<1024x128xf32>,
    return
  }
  func.func @transform_0(%arg0: i32) -> (i32, i32) {
    %c0_i32 = arith.constant 0 : i32
    %c0_i32_0 = arith.constant 0 : i32
    return %arg0, %c0_i32 : i32, i32
  }
  func.func @transform_1(%arg0: i32) -> (i32, i32) {
    %c0_i32 = arith.constant 0 : i32
    %c0_i32_0 = arith.constant 0 : i32
    return %arg0, %c0_i32 : i32, i32
  }
  func.func @transform_2(%arg0: i32) -> (i32, i32) {
    %add3A = arith.constant 100 : i32
    %add3A_0 = arith.addi %arg0, %add3A : i32
    %c0_i32 = arith.constant 0 : i32
    %c0_i32_1 = arith.constant 0 : i32
    return %add3A_0, %c0_i32 : i32, i32
  }
  func.func @transform_3(%arg0: i32) -> (i32, i32) {
    %c0_i32 = arith.constant 0 : i32
    %c0_i32_0 = arith.constant 0 : i32
    %c0_i32_1 = arith.constant 0 : i32
    return %c0_i32, %c0_i32_0 : i32, i32
  }
  func.func @transform_4(%arg0: i32) -> (i32, i32) {
    %c0_i32 = arith.constant 0 : i32
    %c0_i32_0 = arith.constant 0 : i32
    %c0_i32_1 = arith.constant 0 : i32
    return %c0_i32, %c0_i32_0 : i32, i32
  }
  func.func @transform_5(%arg0: i32) -> (i32, i32) {
    %c0_i32 = arith.constant 0 : i32
    %c0_i32_0 = arith.constant 0 : i32
    %c0_i32_1 = arith.constant 0 : i32
    return %c0_i32, %c0_i32_0 : i32, i32
  }
  func.func @transform_6(%arg0: i32) -> (i32, i32) {
    %c0_i32 = arith.constant 0 : i32
    %c0_i32_0 = arith.constant 0 : i32
    %c0_i32_1 = arith.constant 0 : i32
    return %c0_i32, %c0_i32_0 : i32, i32
  }
  func.func @transform_7(%arg0: i32) -> (i32, i32) {
    %c0_i32 = arith.constant 0 : i32
    %c0_i32_0 = arith.constant 0 : i32
    return %arg0, %c0_i32 : i32, i32
  }
}

</mosaic_0001>

<sc_bundles>
// kernel: kernel.11.cloned.1.call-start
scs
__scs_entry_jumppad:
0x0: {  	(pc) =	sbr.rel $0x88, $3  }
0x1: {  	(tag) =	ssettag $0x0;
	lr =	simm.s32 $0x1  }
0x2: {  	[smem:$0x3F94] =	sst lr;
	_ =	strace $0xD0000000  }
0x3: {  	_ = 	snop  }
0x4: {  	_ = 	snop  }
0x5: {  	_ = 	snop  }
0x6: {  	_ = 	snop  }
0x7: {  	_ = 	snop  }
__scs_overlays_trampoline_lowered:
0x8: {  	[smem:$0x3FA3] =	sst s0  }
0x9: {  	[smem:$0x3FA4] =	sst s1  }
0xa: {  	[smem:$0x3FA5] =	sst s2  }
0xb: {  	[smem:$0x3FA6] =	sst s3  }
0xc: {  	[smem:$0x3FA7] =	sst s4  }
0xd: {  	[smem:$0x3FA8] =	sst s5  }
0xe: {  	[smem:$0x3FA9] =	sst s6  }
0xf: {  	[smem:$0x3FAA] =	sst s7  }
0x10: {  	[smem:$0x3FAB] =	sst s8  }
0x11: {  	[smem:$0x3FAC] =	sst s9;
	s0 =	simm.s32 @!p0 $0x0  }
0x12: {  	s1 =	sld [smem:$0x3F92];
	s0 =	simm.s32 @p0 $0x1  }
0x13: {  	[smem:$0x3FAD] =	sst s0;
	s0 =	simm.s32 @!p1 $0x0  }
0x14: {  	s2 =	sld [smem:$0x3F91];
	s0 =	simm.s32 @p1 $0x1  }
0x15: {  	[smem:$0x3FAE] =	sst s0;
	s0 =	simm.s32 @!p2 $0x0  }
0x16: {  	s3 =	sld [smem:$0x3FDB];
	s0 =	simm.s32 @p2 $0x1  }
0x17: {  	s4 =	simm.s32 $0x1BF5;
	[smem:$0x3FB0] =	sst s0  }
0x18: {  	s0 =	sld [smem:$0x3F93];
	_ =	swait.ge [sflag:s4], $0x0  }
0x19: {  	s7 =	sld [smem:$0x3F94]  }
0x1a: {  	s8 =	sadd.s32 $0xFFFFE003, lr  }
0x1b: {  	s9 =	sadd.s32 $0xFFFFFEF7, lr;
	s5 =	simm.s32 $0xFFFFFFFF;
	p2 =	slt.u32 s8, $0xFFFFF086  }
0x1c: {  	p1 =	slt.u32 s9, $0xF7A;
	s5 =	simm.s32 @!p2 $0x0  }
0x1d: {  	s5 =	simm.s32 @p1 $0x1;
	p0 =	seq.s32 s7, s2  }
0x1e: {  	s7 =	smul.u32 @!p0 $0xF7A, s2;
	p2 =	seq.s32 @!p0 s5, $0x0  }
0x1f: {  	s9 =	smul.u32 $0xF7A, s1;
	s8 =	simm.s32 @!p0 $0x1BF5;
	p2 =	por !p2, p0  }
0x20: {  	[sflag:s8] =	ssyncset.s32 @!p0 $0xFFFFF086;
	s6 =	sadd.s32 @!p0 s3, s7;
	s7 =	simm.s32 @!p0 $0x108  }
0x21: {  	s3 =	sadd.s32 s3, s9;
	s6 =	sadd.s32 @!p0 $0x88, s6;
	s7 =	simm.s32 @p2 $0x1082  }
0x22: {  	[simem:s7], [sflag:s8] =	dma.local @!p0 [hbm:s6], $0xF7A  }
0x23: {  	s9 =	sor.u32 $0xD0000000, s2;
	s6 =	simm.s32 $0x108;
	_ =	swait.ge @!p0 [sflag:s8], $0x0  }
0x24: {  	s3 =	sadd.s32 $0x88, s3;
	s6 =	simm.s32 @!p1 $0x1082;
	[sflag:s4] =	ssyncset.s32 $0xFFFFF086  }
0x25: {  	[simem:s6], [sflag:s4] =	dma.local [hbm:s3], $0xF7A  }
0x26: {  	[smem:$0x3F94] =	sst s1;
	(tag) =	ssettag s2;
	_ =	strace s9  }
0x27: {  	s1 =	sld [smem:$0x3FA4]  }
0x28: {  	s2 =	sld [smem:$0x3FA5]  }
0x29: {  	s4 =	sld [smem:$0x3FA7]  }
0x2a: {  	p0 =	seq.s32 s5, $0x0;
	s5 =	sld [smem:$0x3FA8]  }
0x2b: {  	s6 =	sld [smem:$0x3FA9]  }
0x2c: {  	s7 =	sld [smem:$0x3FAA]  }
0x2d: {  	s3 =	simm.s32 $0x108;
	s8 =	sld [smem:$0x3FAB]  }
0x2e: {  	s3 =	simm.s32 @!p0 $0x1082;
	s9 =	sld [smem:$0x3FAC]  }
0x2f: {  	lr =	sadd.s32 s0, s3;
	s0 =	sld [smem:$0x3FA3]  }
0x30: {  	s3 =	sld [smem:$0x3FA6]  }
0x31: {  	[smem:$0x3FAF] =	sst s10  }
0x32: {  	s10 =	sld [smem:$0x3FAD];
	_ =	sdelay $0x3  }
0x33: {  	p0 =	seq.s32 s10, $0x1;
	s10 =	sld [smem:$0x3FAF];
	_ =	sdelay $0x3  }
0x34: {  	[smem:$0x3FAF] =	sst s10  }
0x35: {  	s10 =	sld [smem:$0x3FAE];
	_ =	sdelay $0x3  }
0x36: {  	p1 =	seq.s32 s10, $0x1;
	s10 =	sld [smem:$0x3FAF];
	_ =	sdelay $0x3  }
0x37: {  	[smem:$0x3FAF] =	sst s10  }
0x38: {  	s10 =	sld [smem:$0x3FB0]  }
0x39: {  	_ = 	snop;
	(pc) =	sbr.ind lr, $3  }
0x3a: {  	_ = 	snop  }
0x3b: {  	_ = 	snop  }
0x3c: {  	p2 =	seq.s32 s10, $0x1;
	s10 =	sld [smem:$0x3FAF]  }
0x3d: {  	_ =	shalt  }
0x3e: {  	_ =	shalt  }
0x3f: {  	_ =	shalt  }
0x40: {  	_ =	shalt  }
0x41: {  	_ =	shalt  }
0x42: {  	_ =	shalt  }
0x43: {  	_ =	shalt  }
0x44: {  	_ =	shalt  }
0x45: {  	_ =	shalt  }
0x46: {  	_ =	shalt  }
0x47: {  	_ =	shalt  }
0x48: {  	_ =	shalt  }
0x49: {  	_ =	shalt  }
0x4a: {  	_ =	shalt  }
0x4b: {  	_ =	shalt  }
0x4c: {  	_ =	shalt  }
0x4d: {  	_ =	shalt  }
0x4e: {  	_ =	shalt  }
0x4f: {  	_ =	shalt  }
0x50: {  	_ =	shalt  }
0x51: {  	_ =	shalt  }
0x52: {  	_ =	shalt  }
0x53: {  	_ =	shalt  }
0x54: {  	_ =	shalt  }
0x55: {  	_ =	shalt  }
0x56: {  	_ =	shalt  }
0x57: {  	_ =	shalt  }
0x58: {  	_ =	shalt  }
0x59: {  	_ =	shalt  }
0x5a: {  	_ =	shalt  }
0x5b: {  	_ =	shalt  }
0x5c: {  	_ =	shalt  }
0x5d: {  	_ =	shalt  }
0x5e: {  	_ =	shalt  }
0x5f: {  	_ =	shalt  }
0x60: {  	_ =	shalt  }
0x61: {  	_ =	shalt  }
0x62: {  	_ =	shalt  }
0x63: {  	_ =	shalt  }
0x64: {  	_ =	shalt  }
0x65: {  	_ =	shalt  }
0x66: {  	_ =	shalt  }
0x67: {  	_ =	shalt  }
0x68: {  	_ =	shalt  }
0x69: {  	_ =	shalt  }
0x6a: {  	_ =	shalt  }
0x6b: {  	_ =	shalt  }
0x6c: {  	_ =	shalt  }
0x6d: {  	_ =	shalt  }
0x6e: {  	_ =	shalt  }
0x6f: {  	_ =	shalt  }
0x70: {  	_ =	shalt  }
0x71: {  	_ =	shalt  }
0x72: {  	_ =	shalt  }
0x73: {  	_ =	shalt  }
0x74: {  	_ =	shalt  }
0x75: {  	_ =	shalt  }
0x76: {  	_ =	shalt  }
0x77: {  	_ =	shalt  }
0x78: {  	_ =	shalt  }
0x79: {  	_ =	shalt  }
0x7a: {  	_ =	shalt  }
0x7b: {  	_ =	shalt  }
0x7c: {  	_ =	shalt  }
0x7d: {  	_ =	shalt  }
0x7e: {  	_ =	shalt  }
0x7f: {  	_ =	shalt  }
0x80: {  	_ =	shalt  }
0x81: {  	_ =	shalt  }
0x82: {  	_ =	shalt  }
0x83: {  	_ =	shalt  }
0x84: {  	_ =	shalt  }
0x85: {  	_ =	shalt  }
0x86: {  	_ =	shalt  }
0x87: {  	_ =	shalt  }
.Lfunc_end0:
.L_simem_size_0:
called_computation.1_lowered:
.L_overlay_start_0:
0x88: {  	s2 =	sld [smem:$0x3FD9]  }
0x89: {  	s3 =	sld [smem:$0x3FFE];
	_ =	sdelay $0x1  }
0x8a: {  	s1 =	srdreg.scid  }
0x8b: {  	s0 =	sand.u32 $0x1, s1  }
0x8c: {  	s16 =	sshll.u32 s0, $0xA;
	s2 =	sadd.s32 s3, s2  }
0x8d: {  	s2 =	sadd.s32 s2, s16  }
0x8e: {  	[smem:$0x3FBB] =	sst s2  }
0x8f: {  	_ = 	snop  }
0x90: {  	(tm) =	ssettm $0x1  }
0x91: {  	s17 =	sld [smem:$0x3FFB];
	_ =	sdelay $0x3  }
0x92: {  	_ =	strace s17  }
0x93: {  	s2 =	sld [smem:$0x3FFC];
	_ =	sdelay $0x3  }
0x94: {  	_ =	strace s2  }
0x95: {  	s2 =	sld [smem:$0x3FFD];
	_ =	sdelay $0x3  }
0x96: {  	_ =	strace s2  }
0x97: {  	_ =	strace $0x8FFFFFFF  }
0x98: {  	s18 =	sld [smem:$0x3FDB];
	_ =	sdelay $0x1  }
0x99: {  	s19 =	simm.s32 $_scs_section_size  }
0x9a: {  	s4 =	simm.s32 $_size__tile_overlayer_lowered;
	s5 =	simm.s32 $_tile_overlayer_lowered  }
0x9b: {  	s22 =	simm.s32 $0x1BFF;
	s21 =	sshll.u32 s5, $0x1;
	s2 =	sadd.s32 s19, s18  }
0x9c: {  	s6 =	simm.s32 $0x0;
	s20 =	sshll.u32 s4, $0x1;
	s4 =	sadd.s32 s21, s2  }
0x9d: {  	[timem:s6], [sflag:s22] =	dma.local [hbm:s4], s20  }
0x9e: {  	_ =	swait.ge [sflag:s22], s20  }
0x9f: {  	s3 =	ssub.s32 $0x0, s20;
	[sflag:s22] =	ssyncset.done $0x0  }
0xa0: {  	[sflag:s22] =	ssyncadd.s32 s3;
	_ =	sdelay $0x1  }
0xa1: {  	s23 =	simm.s32 $0x1B8B  }
0xa2: {  	_ =	swait.ge [sflag:s23], $0x1  }
0xa3: {  	[sflag:s23] =	ssyncset.done $0x0  }
0xa4: {  	s25 =	simm.s32 $0x1B8E;
	s24 =	sld [smem:$0x3FFE];
	[sflag:s23] =	ssyncadd.s32 $0xFFFFFFFF  }
0xa5: {  	s26 =	simm.s32 $execute0_lowered;
	[smem:$0x3FD2] =	sst s25  }
0xa6: {  	s4 =	sshll.u32 s26, $0x1;
	_ =	strace $0x80000049;
	[dreg:$0x1] =	wrdreg $0xFFFFFFFF  }
0xa7: {  	s28 =	simm.s32 $_size_execute0_lowered;
	s2 =	sadd.s32 s2, s4;
	[dreg:$0x0] =	wrdreg $0x0  }
0xa8: {  	s4 =	sshll.u32 s28, $0x1;
	[dreg:$0x2] =	wrdreg s2  }
0xa9: {  	[dreg:$0x3] =	wrdreg s4  }
0xaa: {  	[dreg:$0x4] =	wrdreg $0xC0  }
0xab: {  	_ =	task [dreg:s6], $0x5FFFF  }
0xac: {  	[dreg:$0x1] =	wrdreg $0xFFFFFFFF  }
0xad: {  	[dreg:$0x0] =	wrdreg $0x60  }
0xae: {  	[dreg:$0x2] =	wrdreg s24  }
0xaf: {  	[dreg:$0x3] =	wrdreg $0x137000  }
0xb0: {  	[dreg:$0x4] =	wrdreg $0x9  }
0xb1: {  	_ =	task.clear_ibuf [dreg:s6], $0x5FFFF;
	_ =	strace $0x90000049  }
0xb2: {  	s29 =	simm.s32 $0x9;
	_ =	strace $0x8000004B  }
0xb3: {  	_ =	swait.ge [sflag:s29], $0x1  }
0xb4: {  	[sflag:s29] =	ssyncadd.s32 $0xFFFFFFFF  }
0xb5: {  	_ =	strace $0x9000004B  }
0xb6: {  	_ =	sfence  }
0xb7: {  	s30 =	sld [smem:$0x0];
	_ =	sdelay $0x2  }
0xb8: {  	s31 =	sshll.u32 s1, $0xD;
	s1 =	sshrl.u32 s1, $0x2  }
0xb9: {  	s3 =	sand.u32 $0x4000, s31;
	s1 =	sadd.s32 s1, s30  }
0xba: {  	s0 =	sor.u32 s3, s0;
	s1 =	sshll.u32 s1, $0x11  }
0xbb: {  	s0 =	sor.u32 s1, s0  }
0xbc: {  	s0 =	sadd.s32 $0x8F2B, s0  }
0xbd: {  	[sflag:s0] =	ssyncadd.remote.s32 $0x1  }
0xbe: {  	_ =	sfence.sel $0xFFFF  }
0xbf: {  	[dreg:$0x0] =	wrdreg $0xFFFFFFFF;
	(pc) =	sbr.abs _section_cstart, $3  }
0xc0: {  	[dreg:$0x1] =	wrdreg $0xFFFFFFFF  }
0xc1: {  	_ =	task.clear_ibuf [dreg:s6], $0x2FFFF;
	_ =	strace $0x9FFFFFFF  }
0xc2: {  	(tm) =	ssettm $0x7FFFFFFF  }
0xc3: {  	_ =	shalt  }
tec
execute0_lowered:
.L_overlay_start_1:
0x0: {  	(tag) =	ssettag $0x1  }
0x1: {  	s0 =	rddreg [dreg:$0x0]  }
0x2: {  	s1 =	rddreg [dreg:$0x1];
	s16 =	simm.s32 $0x0  }
0x3: {  	[smem:$0x7FF] =	sst s16  }
0x4: {  	s9 =	stileid.u32;
	s4 =	sadd.s32 $0x328A00, s0;
	s5 =	sadd.s32 $0x4B8A00, s0  }
0x5: {  	s30 =	srdreg.scid;
	s6 =	sadd.s32 $0x7D8A00, s0;
	s3 =	sadd.s32 $0xE18A00, s0  }
0x6: {  	s14 =	sadd.s32 $0xE18F00, s0;
	_ =	strace $0x8000004A;
	[dreg:$0x4] =	wrdreg s3  }
0x7: {  	s7 =	sadd.s32 $0x195800, s0;
	s15 =	sadd.s32 $0xE19180, s0;
	[dreg:$0xa] =	wrdreg s14  }
0x8: {  	s2 =	smul.u32 $0x32000, s9;
	s18 =	sadd.s32 $0xE19400, s0;
	[dreg:$0xb] =	wrdreg s15  }
0x9: {  	s8 =	sadd.s32 $0x192600, s0;
	s19 =	sadd.s32 $0xE19680, s0;
	[dreg:$0xc] =	wrdreg s18  }
0xa: {  	s10 =	smul.u32 $0x190, s9;
	s20 =	sadd.s32 $0xE19900, s0;
	[dreg:$0xd] =	wrdreg s19  }
0xb: {  	s12 =	smul.u32 $0x1900, s9;
	s21 =	sadd.s32 $0xE19B80, s0;
	[dreg:$0xe] =	wrdreg s20  }
0xc: {  	s22 =	sadd.s32 $0xE19E00, s0;
	s9 =	simm.s32 $0x700;
	[dreg:$0xf] =	wrdreg s21  }
0xd: {  	s3 =	sand.u32 $0x1, s30;
	[dreg:$0x10] =	wrdreg s22;
	s15 =	simm.s32 $0x6F00  }
0xe: {  	s18 =	simm.s32 $0xC300;
	[dreg:$0x5] =	wrdreg s10;
	s10 =	sadd.s32 $0xE18C80, s0  }
0xf: {  	s2 =	sshrl.u32 s2, $0x2;
	s0 =	sadd.s32 $0xE1A080, s0;
	[dreg:$0x8] =	wrdreg s10  }
0x10: {  	s19 =	simm.s32 $0xCB00;
	s31 =	sadd.s32 s2, s1;
	[dreg:$0x11] =	wrdreg s0  }
0x11: {  	s20 =	simm.s32 $0xD300;
	s2 =	sadd.s32 $0x1400, s31;
	[dreg:$0x6] =	wrdreg s31  }
0x12: {  	s21 =	simm.s32 $0xDB00;
	s11 =	sadd.s32 $0x2800, s31;
	[dreg:$0x7] =	wrdreg s2  }
0x13: {  	s22 =	simm.s32 $0xE300;
	s24 =	sadd.s32 $0x3C00, s31;
	[dreg:$0x9] =	wrdreg s11  }
0x14: {  	s14 =	simm.s32 $0x40;
	s25 =	sadd.s32 $0x5000, s31;
	[dreg:$0x13] =	wrdreg s24  }
0x15: {  	s13 =	ssub.s32 $0x2, s3;
	s26 =	sadd.s32 $0x6400, s31;
	[dreg:$0x14] =	wrdreg s25  }
0x16: {  	s3 =	simm.s32 $0x380;
	s28 =	sadd.s32 $0x7800, s31;
	[dreg:$0x15] =	wrdreg s26  }
0x17: {  	s17 =	sshrl.u32 s13, $0x1;
	s29 =	sadd.s32 $0x8C00, s31;
	[dreg:$0x16] =	wrdreg s28  }
.Ltmp0:
0x18: {  	v0 =	vimm.f32 $0.0e+00;
	s30 =	sadd.s32 $0xA000, s31;
	[dreg:$0x17] =	wrdreg s29;
	(pc) =	sbr.rel .LBB2_1-.Ltmp0, $4  }
0x19: {  	v1 =	vimm.s32 $0x0;
	v2 =	vimm.s32 $0xF;
	v3 =	vlaneseq.u32;
	s10 =	simm.s32 $0x1;
	s31 =	sadd.s32 $0xB400, s31;
	[dreg:$0x18] =	wrdreg s30  }
0x1a: {  	v4 =	vimm.s32 $0x1900;
	vm0 =	vmmov $0xffff;
	v5 =	vor.u32 $0x10, v3;
	s2 =	ssub.s32 s13, s17;
	[dreg:$0x19] =	wrdreg s31;
	s11 =	simm.s32 $0x3B00  }
0x1b: {  	v6 =	vor.u32 $0x20, v3;
	v7 =	vor.u32 $0x30, v3;
	v9 =	vshrl.u32 v3, $0x3;
	s24 =	simm.s32 $0xFB00;
	s13 =	simm.s32 $0x10300;
	s23 =	smax.u32 s2, $0x1  }
0x1c: {  	v8 =	vand.u32 $0x7, v3;
	v10 =	vor.u32 $0x8, v3;
	v9 =	vmul.u32 $0x8, v9;
	s2 =	simm.s32 $0x12300;
	[dreg:$0x12] =	wrdreg s23;
	s23 =	simm.s32 $0xF300  }
.LBB2_18:
0x1d: {  	s16 =	rddreg [dreg:$0x3]  }
0x1e: {  	s0 =	rddreg [dreg:$0x12];
	s16 =	sadd.s32 $0x1, s16  }
0x1f: {  	p0 =	sne.s32 s16, s0  }
.Ltmp1:
0x20: {  	_ = 	snop;
	(pc) =	sbr.rel @!p0 .LBB2_19-.Ltmp1, $1  }
0x21: {  	_ =	sdelay $0x3  }
.LBB2_1:
0x22: {  	[dreg:$0x3] =	wrdreg s16;
	s0 =	simm.s32 $0x0;
	s16 =	simm.s32 $0x200  }
.LBB2_2:
0x23: {  	p0 =	sne.s32 s16, $0x4E00;
	[tilespmem:s0+$0x12370] =	vst v0  }
0x24: {  	[tilespmem:s0+$0x12300] =	vst v0  }
0x25: {  	[tilespmem:s0+$0x12310] =	vst v0  }
.Ltmp2:
0x26: {  	[tilespmem:s0+$0x12320] =	vst v0;
	(pc) =	sbr.rel @p0 .LBB2_2-.Ltmp2, $4  }
0x27: {  	[tilespmem:s0+$0x12330] =	vst v0  }
0x28: {  	[tilespmem:s0+$0x12340] =	vst v0  }
0x29: {  	[tilespmem:s0+$0x12350] =	vst v0  }
0x2a: {  	[tilespmem:s0+$0x12360] =	vst v0;
	s0 =	sshra.s32 s16, $0x2;
	s16 =	sadd.s32 $0x200, s16  }
0x2b: {  	[tilespmem:s0+$0x12370] =	vst v0  }
0x2c: {  	[tilespmem:s0+$0x12300] =	vst v0  }
0x2d: {  	[tilespmem:s0+$0x12310] =	vst v0  }
0x2e: {  	[tilespmem:s0+$0x12320] =	vst v0  }
0x2f: {  	[tilespmem:s0+$0x12330] =	vst v0  }
0x30: {  	[tilespmem:s0+$0x12340] =	vst v0  }
0x31: {  	[tilespmem:s0+$0x12350] =	vst v0  }
0x32: {  	[tilespmem:s0+$0x12360] =	vst v0;
	s29 =	rddreg [dreg:$0x6];
	s16 =	simm.s32 $0x2  }
0x33: {  	[spmem:s29] =	stream.linear.scatter [tilespmem:s2], [sflag:$0x2], $0x1400, $0x38;
	[tilespmem:$0x1FF40] =	vst v63  }
0x34: {  	_ =	swait.ge [sflag:s16], $0x1400  }
0x35: {  	[sflag:s16] =	ssyncset.done $0x0  }
0x36: {  	s30 =	rddreg [dreg:$0x7];
	[sflag:s16] =	ssyncadd.s32 $0xFFFFEC00  }
0x37: {  	[spmem:s30] =	stream.linear.scatter [tilespmem:s2], [sflag:$0x2], $0x1400, $0x38;
	[tilespmem:$0x1FF40] =	vst v63  }
0x38: {  	_ =	swait.ge [sflag:s16], $0x1400  }
0x39: {  	[sflag:s16] =	ssyncset.done $0x0  }
0x3a: {  	s31 =	rddreg [dreg:$0x9];
	[sflag:s16] =	ssyncadd.s32 $0xFFFFEC00  }
0x3b: {  	[spmem:s31] =	stream.linear.scatter [tilespmem:s2], [sflag:$0x2], $0x1400, $0x38;
	[tilespmem:$0x1FF40] =	vst v63  }
0x3c: {  	_ =	swait.ge [sflag:s16], $0x1400  }
0x3d: {  	[sflag:s16] =	ssyncset.done $0x0  }
0x3e: {  	s17 =	rddreg [dreg:$0x13];
	[sflag:s16] =	ssyncadd.s32 $0xFFFFEC00  }
0x3f: {  	[spmem:s17] =	stream.linear.scatter [tilespmem:s2], [sflag:$0x2], $0x1400, $0x38;
	[tilespmem:$0x1FF40] =	vst v63  }
0x40: {  	_ =	swait.ge [sflag:s16], $0x1400  }
0x41: {  	[sflag:s16] =	ssyncset.done $0x0  }
0x42: {  	s25 =	rddreg [dreg:$0x14];
	[sflag:s16] =	ssyncadd.s32 $0xFFFFEC00  }
0x43: {  	[spmem:s25] =	stream.linear.scatter [tilespmem:s2], [sflag:$0x2], $0x1400, $0x38;
	[tilespmem:$0x1FF40] =	vst v63  }
0x44: {  	_ =	swait.ge [sflag:s16], $0x1400  }
0x45: {  	[sflag:s16] =	ssyncset.done $0x0  }
0x46: {  	s26 =	rddreg [dreg:$0x15];
	[sflag:s16] =	ssyncadd.s32 $0xFFFFEC00  }
0x47: {  	[spmem:s26] =	stream.linear.scatter [tilespmem:s2], [sflag:$0x2], $0x1400, $0x38;
	[tilespmem:$0x1FF40] =	vst v63  }
0x48: {  	_ =	swait.ge [sflag:s16], $0x1400  }
0x49: {  	[sflag:s16] =	ssyncset.done $0x0  }
0x4a: {  	s28 =	rddreg [dreg:$0x16];
	[sflag:s16] =	ssyncadd.s32 $0xFFFFEC00  }
0x4b: {  	[spmem:s28] =	stream.linear.scatter [tilespmem:s2], [sflag:$0x2], $0x1400, $0x38;
	[tilespmem:$0x1FF40] =	vst v63  }
0x4c: {  	_ =	swait.ge [sflag:s16], $0x1400  }
0x4d: {  	[sflag:s16] =	ssyncset.done $0x0  }
0x4e: {  	s29 =	rddreg [dreg:$0x17];
	[sflag:s16] =	ssyncadd.s32 $0xFFFFEC00  }
0x4f: {  	[spmem:s29] =	stream.linear.scatter [tilespmem:s2], [sflag:$0x2], $0x1400, $0x38;
	[tilespmem:$0x1FF40] =	vst v63  }
0x50: {  	_ =	swait.ge [sflag:s16], $0x1400  }
0x51: {  	[sflag:s16] =	ssyncset.done $0x0  }
0x52: {  	s30 =	rddreg [dreg:$0x18];
	[sflag:s16] =	ssyncadd.s32 $0xFFFFEC00  }
0x53: {  	[spmem:s30] =	stream.linear.scatter [tilespmem:s2], [sflag:$0x2], $0x1400, $0x38;
	[tilespmem:$0x1FF40] =	vst v63  }
0x54: {  	_ =	swait.ge [sflag:s16], $0x1400  }
0x55: {  	[sflag:s16] =	ssyncset.done $0x0  }
0x56: {  	s31 =	rddreg [dreg:$0x19];
	[sflag:s16] =	ssyncadd.s32 $0xFFFFEC00  }
0x57: {  	[spmem:s31] =	stream.linear.scatter [tilespmem:s2], [sflag:$0x2], $0x1400, $0x38;
	[tilespmem:$0x1FF40] =	vst v63  }
.Ltmp3:
0x58: {  	_ =	swait.ge [sflag:s16], $0x1400;
	(pc) =	sbr.rel .LBB2_4-.Ltmp3, $4  }
0x59: {  	[sflag:s16] =	ssyncset.done $0x0  }
0x5a: {  	[sflag:s16] =	ssyncadd.s32 $0xFFFFEC00  }
0x5b: {  	[bflag:$0x0] =	sbarrier.arrive $0xFFFF  }
0x5c: {  	s16 =	simm.s32 $0x0  }
.LBB2_17:
0x5d: {  	s0 =	simm.s32 $0x19000;
	s17 =	rddreg [dreg:$0x5]  }
0x5e: {  	[bflag:$0x0] =	sbarrier.arrive $0xFFFF;
	s0 =	simm.s32 @!p0 $0x0;
	s17 =	sadd.s32 s17, s26  }
0x5f: {  	s28 =	stileid.u32;
	s25 =	rddreg [dreg:$0x4];
	s0 =	sadd.s32 s0, s17  }
0x60: {  	s17 =	sshll.u32 s28, $0x6;
	s28 =	rddreg [dreg:$0x6];
	s0 =	sshll.u32 s0, $0x4  }
0x61: {  	s17 =	sor.u32 $0x1C01, s17;
	s29 =	sshrl.u32 s28, $0x3;
	s25 =	sadd.s32 s25, s0  }
0x62: {  	[hbm:s25], [sflag:s17] =	dma.local [spmem:s29], $0x280  }
0x63: {  	s25 =	rddreg [dreg:$0x8]  }
0x64: {  	s29 =	rddreg [dreg:$0x7]  }
0x65: {  	s25 =	sadd.s32 s0, s25;
	s30 =	sshrl.u32 s29, $0x3  }
0x66: {  	[hbm:s25], [sflag:s17] =	dma.local [spmem:s30], $0x280  }
0x67: {  	s25 =	rddreg [dreg:$0xa]  }
0x68: {  	s30 =	rddreg [dreg:$0x9]  }
0x69: {  	s25 =	sadd.s32 s0, s25;
	s31 =	sshrl.u32 s30, $0x3  }
0x6a: {  	[hbm:s25], [sflag:s17] =	dma.local [spmem:s31], $0x280  }
0x6b: {  	s25 =	rddreg [dreg:$0xb]  }
0x6c: {  	s31 =	rddreg [dreg:$0x13]  }
0x6d: {  	s25 =	sadd.s32 s0, s25;
	s18 =	sshrl.u32 s31, $0x3  }
0x6e: {  	[hbm:s25], [sflag:s17] =	dma.local [spmem:s18], $0x280  }
0x6f: {  	s25 =	rddreg [dreg:$0xc]  }
0x70: {  	s18 =	rddreg [dreg:$0x14]  }
0x71: {  	s25 =	sadd.s32 s0, s25;
	s19 =	sshrl.u32 s18, $0x3  }
0x72: {  	[hbm:s25], [sflag:s17] =	dma.local [spmem:s19], $0x280  }
0x73: {  	s25 =	rddreg [dreg:$0xd]  }
0x74: {  	s19 =	rddreg [dreg:$0x15]  }
0x75: {  	s25 =	sadd.s32 s0, s25;
	s20 =	sshrl.u32 s19, $0x3  }
0x76: {  	[hbm:s25], [sflag:s17] =	dma.local [spmem:s20], $0x280  }
0x77: {  	s25 =	rddreg [dreg:$0xe]  }
0x78: {  	s20 =	rddreg [dreg:$0x16]  }
0x79: {  	s25 =	sadd.s32 s0, s25;
	s21 =	sshrl.u32 s20, $0x3  }
0x7a: {  	[hbm:s25], [sflag:s17] =	dma.local [spmem:s21], $0x280  }
0x7b: {  	s25 =	rddreg [dreg:$0xf]  }
0x7c: {  	s21 =	rddreg [dreg:$0x17]  }
0x7d: {  	s25 =	sadd.s32 s0, s25;
	s22 =	sshrl.u32 s21, $0x3  }
0x7e: {  	[hbm:s25], [sflag:s17] =	dma.local [spmem:s22], $0x280  }
0x7f: {  	s25 =	rddreg [dreg:$0x10]  }
0x80: {  	s22 =	rddreg [dreg:$0x18]  }
0x81: {  	s25 =	sadd.s32 s0, s25;
	s26 =	sshrl.u32 s22, $0x3  }
0x82: {  	[hbm:s25], [sflag:s17] =	dma.local [spmem:s26], $0x280  }
0x83: {  	s25 =	rddreg [dreg:$0x11]  }
0x84: {  	s26 =	rddreg [dreg:$0x19]  }
0x85: {  	s0 =	sadd.s32 s0, s25;
	s25 =	sshrl.u32 s26, $0x3  }
0x86: {  	[hbm:s0], [sflag:s17] =	dma.local [spmem:s25], $0x280  }
0x87: {  	_ =	swait.ge [sflag:s10], $0x280  }
0x88: {  	[sflag:s10] =	ssyncset.done $0x0  }
0x89: {  	[sflag:s10] =	ssyncadd.s32 $0xFFFFFD80  }
0x8a: {  	_ =	swait.ge [sflag:s10], $0x280  }
0x8b: {  	[sflag:s10] =	ssyncset.done $0x0  }
0x8c: {  	[sflag:s10] =	ssyncadd.s32 $0xFFFFFD80  }
0x8d: {  	_ =	swait.ge [sflag:s10], $0x280  }
0x8e: {  	[sflag:s10] =	ssyncset.done $0x0  }
0x8f: {  	[sflag:s10] =	ssyncadd.s32 $0xFFFFFD80  }
0x90: {  	_ =	swait.ge [sflag:s10], $0x280  }
0x91: {  	[sflag:s10] =	ssyncset.done $0x0  }
0x92: {  	[sflag:s10] =	ssyncadd.s32 $0xFFFFFD80  }
0x93: {  	_ =	swait.ge [sflag:s10], $0x280  }
0x94: {  	[sflag:s10] =	ssyncset.done $0x0  }
0x95: {  	[sflag:s10] =	ssyncadd.s32 $0xFFFFFD80  }
0x96: {  	_ =	swait.ge [sflag:s10], $0x280  }
0x97: {  	[sflag:s10] =	ssyncset.done $0x0  }
0x98: {  	[sflag:s10] =	ssyncadd.s32 $0xFFFFFD80  }
0x99: {  	_ =	swait.ge [sflag:s10], $0x280  }
0x9a: {  	[sflag:s10] =	ssyncset.done $0x0  }
0x9b: {  	[sflag:s10] =	ssyncadd.s32 $0xFFFFFD80  }
0x9c: {  	_ =	swait.ge [sflag:s10], $0x280  }
0x9d: {  	[sflag:s10] =	ssyncset.done $0x0  }
0x9e: {  	[sflag:s10] =	ssyncadd.s32 $0xFFFFFD80  }
0x9f: {  	_ =	swait.ge [sflag:s10], $0x280  }
0xa0: {  	[sflag:s10] =	ssyncset.done $0x0  }
0xa1: {  	[sflag:s10] =	ssyncadd.s32 $0xFFFFFD80  }
0xa2: {  	_ =	swait.ge [sflag:s10], $0x280  }
0xa3: {  	[sflag:s10] =	ssyncset.done $0x0  }
0xa4: {  	[sflag:s10] =	ssyncadd.s32 $0xFFFFFD80  }
0xa5: {  	[spmem:s28] =	stream.linear.scatter [tilespmem:s2], [sflag:$0x1], $0x1400, $0x38;
	[tilespmem:$0x1FF40] =	vst v63  }
0xa6: {  	_ = 	snop  }
0xa7: {  	[spmem:s29] =	stream.linear.scatter [tilespmem:s2], [sflag:$0x1], $0x1400, $0x38;
	[tilespmem:$0x1FF40] =	vst v63  }
0xa8: {  	_ = 	snop  }
0xa9: {  	[spmem:s30] =	stream.linear.scatter [tilespmem:s2], [sflag:$0x1], $0x1400, $0x38;
	[tilespmem:$0x1FF40] =	vst v63  }
0xaa: {  	_ = 	snop  }
0xab: {  	[spmem:s31] =	stream.linear.scatter [tilespmem:s2], [sflag:$0x1], $0x1400, $0x38;
	[tilespmem:$0x1FF40] =	vst v63  }
0xac: {  	_ = 	snop  }
0xad: {  	[spmem:s18] =	stream.linear.scatter [tilespmem:s2], [sflag:$0x1], $0x1400, $0x38;
	[tilespmem:$0x1FF40] =	vst v63  }
0xae: {  	_ = 	snop  }
0xaf: {  	[spmem:s19] =	stream.linear.scatter [tilespmem:s2], [sflag:$0x1], $0x1400, $0x38;
	[tilespmem:$0x1FF40] =	vst v63  }
0xb0: {  	_ = 	snop  }
0xb1: {  	[spmem:s20] =	stream.linear.scatter [tilespmem:s2], [sflag:$0x1], $0x1400, $0x38;
	[tilespmem:$0x1FF40] =	vst v63  }
0xb2: {  	_ = 	snop  }
0xb3: {  	[spmem:s21] =	stream.linear.scatter [tilespmem:s2], [sflag:$0x1], $0x1400, $0x38;
	[tilespmem:$0x1FF40] =	vst v63  }
0xb4: {  	_ = 	snop  }
0xb5: {  	[spmem:s22] =	stream.linear.scatter [tilespmem:s2], [sflag:$0x1], $0x1400, $0x38;
	[tilespmem:$0x1FF40] =	vst v63  }
0xb6: {  	_ = 	snop  }
0xb7: {  	[spmem:s26] =	stream.linear.scatter [tilespmem:s2], [sflag:$0x1], $0x1400, $0x38;
	[tilespmem:$0x1FF40] =	vst v63  }
0xb8: {  	_ =	swait.ge [sflag:s10], $0x1400  }
0xb9: {  	[sflag:s10] =	ssyncset.done $0x0  }
0xba: {  	[sflag:s10] =	ssyncadd.s32 $0xFFFFEC00  }
0xbb: {  	_ =	swait.ge [sflag:s10], $0x1400  }
0xbc: {  	[sflag:s10] =	ssyncset.done $0x0  }
0xbd: {  	[sflag:s10] =	ssyncadd.s32 $0xFFFFEC00  }
0xbe: {  	_ =	swait.ge [sflag:s10], $0x1400  }
0xbf: {  	[sflag:s10] =	ssyncset.done $0x0  }
0xc0: {  	[sflag:s10] =	ssyncadd.s32 $0xFFFFEC00  }
0xc1: {  	_ =	swait.ge [sflag:s10], $0x1400  }
0xc2: {  	[sflag:s10] =	ssyncset.done $0x0  }
0xc3: {  	[sflag:s10] =	ssyncadd.s32 $0xFFFFEC00  }
0xc4: {  	_ =	swait.ge [sflag:s10], $0x1400  }
0xc5: {  	[sflag:s10] =	ssyncset.done $0x0  }
0xc6: {  	[sflag:s10] =	ssyncadd.s32 $0xFFFFEC00  }
0xc7: {  	_ =	swait.ge [sflag:s10], $0x1400  }
0xc8: {  	[sflag:s10] =	ssyncset.done $0x0  }
0xc9: {  	[sflag:s10] =	ssyncadd.s32 $0xFFFFEC00  }
0xca: {  	_ =	swait.ge [sflag:s10], $0x1400  }
0xcb: {  	[sflag:s10] =	ssyncset.done $0x0  }
0xcc: {  	[sflag:s10] =	ssyncadd.s32 $0xFFFFEC00  }
0xcd: {  	_ =	swait.ge [sflag:s10], $0x1400  }
0xce: {  	[sflag:s10] =	ssyncset.done $0x0  }
0xcf: {  	[sflag:s10] =	ssyncadd.s32 $0xFFFFEC00  }
0xd0: {  	_ =	swait.ge [sflag:s10], $0x1400  }
0xd1: {  	s16 =	sadd.s32 $0x1, s16;
	[sflag:s10] =	ssyncset.done $0x0  }
0xd2: {  	p0 =	sne.s32 s16, $0x10;
	[sflag:s10] =	ssyncadd.s32 $0xFFFFEC00  }
.Ltmp4:
0xd3: {  	_ =	swait.ge [sflag:s10], $0x1400;
	(pc) =	sbr.rel @!p0 .LBB2_18-.Ltmp4, $4  }
0xd4: {  	[sflag:s10] =	ssyncset.done $0x0  }
0xd5: {  	[sflag:s10] =	ssyncadd.s32 $0xFFFFEC00  }
0xd6: {  	s18 =	simm.s32 $0xC300;
	s19 =	simm.s32 $0xCB00;
	[bflag:$0x0] =	sbarrier.arrive $0xFFFF  }
0xd7: {  	s20 =	simm.s32 $0xD300;
	s21 =	simm.s32 $0xDB00;
	s22 =	simm.s32 $0xE300  }
.LBB2_4:
0xd8: {  	s26 =	smul.u32 $0x1900, s16;
	_ =	sdelay $0x1  }
0xd9: {  	v12 =	vmov s26  }
0xda: {  	v11 =	vimm.s32 $0x0;
	s0 =	simm.s32 $0x0;
	v13 =	vadd.s32 $0x1900, v12  }
.LBB2_5:
0xdb: {  	s25 =	smul.u32 $0x320, s0;
	_ =	sdelay $0x1  }
0xdc: {  	s25 =	sadd.s32 s12, s25  }
0xdd: {  	s25 =	sshrl.u32 s25, $0x3  }
0xde: {  	s29 =	simm.s32 $0x0;
	s28 =	sadd.s32 s7, s25  }
0xdf: {  	[tilespmem:s29], [sflag:$0x1] =	stream.linear.gather [hbm4b:s28+s29], $0x320, $0x38;
	[tilespmem:$0x1FF40] =	vst v63  }
0xe0: {  	s25 =	sadd.s32 s8, s25  }
0xe1: {  	[tilespmem:s3], [sflag:$0x1] =	stream.linear.gather [hbm4b:s25+s29], $0x320, $0x38;
	[tilespmem:$0x1FF40] =	vst v63  }
0xe2: {  	_ =	swait.ge [sflag:s10], $0x320  }
0xe3: {  	[sflag:s10] =	ssyncset.done $0x0  }
0xe4: {  	[sflag:s10] =	ssyncadd.s32 $0xFFFFFCE0  }
0xe5: {  	_ =	swait.ge [sflag:s10], $0x320  }
0xe6: {  	[sflag:s10] =	ssyncset.done $0x0  }
0xe7: {  	s31 =	simm.s32 $0x0;
	[sflag:s10] =	ssyncadd.s32 $0xFFFFFCE0  }
0xe8: {  	v14 =	vld [tilespmem:s31+$0x380]  }
0xe9: {  	s25 =	simm.s32 $0x40;
	v15 =	vld [tilespmem:s31+$0x0]  }
.LBB2_6:
0xea: {  	p0 =	sne.s32 s25, $0xC40;
	_ =	sdelay $0x2  }
0xeb: {  	vm1 =	vge.s32 v14, v12;
	vm2 =	vlt.s32 v14, v13;
	v16 =	vsub.s32 v14, v12  }
0xec: {  	vm1 =	vmand vm1, vm2  }
0xed: {  	v17 =	vsel vm1, $0x1, v1  }
0xee: {  	(xrf0) =	vadd.scan.msk.s32 $0xffff, v17;
	_ =	sdelay $0x5  }
0xef: {  	v17, _, _ =	vpop (xrf0)  }
0xf0: {  	v18 =	vadd.s32 v17, v11;
	v17 =	vperm.xlane v17, v2  }
0xf1: {  	v18 =	vadd.s32 $0xFFFFFFFF, v18  }
0xf2: {  	v19 =	vshll.u32 v18, $0x1;
	v11 =	vadd.s32 v11, v17  }
0xf3: {  	v17 =	vand.u32 $0x3F, v18;
	v18 =	vand.u32 $0xFFFFFF80, v19  }
0xf4: {  	v17 =	vor.u32 v17, v18;
	_ =	sdelay $0x4  }
.Ltmp5:
0xf5: {  	[tilespmem:v17+s9+$0x0] =	vst.idx.msk vm1, v15;
	(pc) =	sbr.rel @p0 .LBB2_6-.Ltmp5, $4  }
0xf6: {  	[tilespmem:v17+s11+$0x0] =	vst.idx.msk vm1, v16  }
0xf7: {  	s28 =	sshra.s32 s25, $0x2;
	[tilespmem:v17+s15+$0x0] =	vst.idx.msk vm1, v14  }
0xf8: {  	v14 =	vld [tilespmem:s28+$0x380]  }
0xf9: {  	s25 =	sadd.s32 $0x40, s25;
	v15 =	vld [tilespmem:s28+$0x0]  }
0xfa: {  	_ =	sdelay $0x2  }
0xfb: {  	vm1 =	vge.s32 v14, v12;
	vm2 =	vlt.s32 v14, v13  }
0xfc: {  	vm1 =	vmand vm1, vm2  }
0xfd: {  	v16 =	vsel vm1, $0x1, v1  }
0xfe: {  	(xrf0) =	vadd.scan.msk.s32 $0xffff, v16;
	_ =	sdelay $0x5  }
0xff: {  	v16, _, _ =	vpop (xrf0)  }
0x100: {  	v17 =	vadd.s32 v16, v11  }
0x101: {  	v17 =	vadd.s32 $0xFFFFFFFF, v17  }
0x102: {  	v18 =	vshll.u32 v17, $0x1  }
0x103: {  	v17 =	vand.u32 $0x3F, v17;
	v18 =	vand.u32 $0xFFFFFF80, v18  }
0x104: {  	v17 =	vor.u32 v17, v18  }
0x105: {  	s0 =	sadd.s32 $0x1, s0  }
0x106: {  	p0 =	sne.s32 s0, $0x8  }
.Ltmp6:
0x107: {  	_ = 	snop;
	(pc) =	sbr.rel @p0 .LBB2_5-.Ltmp6, $4  }
0x108: {  	_ = 	snop  }
0x109: {  	v63 =	vsub.s32 v14, v12;
	v16 =	vperm.xlane v16, v2;
	[tilespmem:v17+s9+$0x0] =	vst.idx.msk vm1, v15  }
0x10a: {  	[tilespmem:v17+s11+$0x0] =	vst.idx.msk vm1, v63  }
0x10b: {  	v11 =	vadd.s32 v11, v16;
	[tilespmem:v17+s15+$0x0] =	vst.idx.msk vm1, v14  }
0x10c: {  	v12 =	vadd.s32 v3, v11  }
0x10d: {  	v13 =	vshll.u32 v12, $0x1  }
0x10e: {  	v12 =	vand.u32 $0x3F, v12;
	v13 =	vand.u32 $0xFFFFFF80, v13  }
0x10f: {  	v60 =	vadd.s32 v5, v11;
	v12 =	vor.u32 v12, v13  }
0x110: {  	v14 =	vshll.u32 v60, $0x1  }
0x111: {  	v14 =	vand.u32 $0xFFFFFF80, v14;
	v13 =	vand.u32 $0x3F, v60  }
0x112: {  	v61 =	vadd.s32 v6, v11;
	v13 =	vor.u32 v13, v14  }
0x113: {  	v15 =	vshll.u32 v61, $0x1  }
0x114: {  	v15 =	vand.u32 $0xFFFFFF80, v15;
	v14 =	vand.u32 $0x3F, v61;
	[tilespmem:v12+s9+$0x0] =	vst.idx.msk $0xffff, v1  }
0x115: {  	v62 =	vadd.s32 v7, v11;
	v14 =	vor.u32 v14, v15;
	[tilespmem:v12+s11+$0x0] =	vst.idx.msk $0xffff, v4  }
0x116: {  	v63 =	vshll.u32 v62, $0x1;
	[tilespmem:v12+s15+$0x0] =	vst.idx.msk $0xffff, v1  }
0x117: {  	v15 =	vand.u32 $0x3F, v62;
	v12 =	vand.u32 $0xFFFFFF80, v63;
	[tilespmem:v13+s9+$0x0] =	vst.idx.msk $0xffff, v1  }
0x118: {  	v12 =	vor.u32 v15, v12;
	[tilespmem:v13+s11+$0x0] =	vst.idx.msk $0xffff, v4  }
0x119: {  	[tilespmem:v13+s15+$0x0] =	vst.idx.msk $0xffff, v1  }
0x11a: {  	[tilespmem:v14+s9+$0x0] =	vst.idx.msk $0xffff, v1  }
.Ltmp7:
0x11b: {  	[tilespmem:v14+s11+$0x0] =	vst.idx.msk $0xffff, v4;
	(pc) =	sbr.rel .LBB2_9-.Ltmp7, $4  }
0x11c: {  	s0 =	srdreg.scid;
	[tilespmem:v14+s15+$0x0] =	vst.idx.msk $0xffff, v1  }
0x11d: {  	s0 =	sadd.s32 s0, s16;
	[tilespmem:v12+s9+$0x0] =	vst.idx.msk $0xffff, v1  }
0x11e: {  	s0 =	sand.u32 $0x1, s0;
	[tilespmem:v12+s11+$0x0] =	vst.idx.msk $0xffff, v4  }
0x11f: {  	s28 =	simm.s32 $0x0;
	p0 =	seq.s32 s0, $0x1;
	[tilespmem:v12+s15+$0x0] =	vst.idx.msk $0xffff, v1  }
.LBB2_11:
0x120: {  	s25 =	sadd.s32 $0x700, s29;
	s0 =	simm.s32 $0xA300  }
0x121: {  	[tilespmem:s0], [sflag:$0x1] =	stream.indirect.gather [hbm4b:s4+s14], $0x80, s25, s14, $0xb8;
	[tilespmem:$0x1FF40] =	vst v63  }
0x122: {  	_ =	swait.ge [sflag:s10], $0x2000  }
0x123: {  	[sflag:s10] =	ssyncset.done $0x0  }
0x124: {  	[sflag:s10] =	ssyncadd.s32 $0xFFFFE000  }
.LBB2_15:
0x125: {  	s17 =	sadd.s32 $0x3B00, s29  }
0x126: {  	[spmem:s1] =	stream.indirect.scatter.add.f32 [tilespmem:s0], [sflag:$0x1], $0x80, s17, s14, $0xb8;
	[tilespmem:$0x1FF40] =	vst v63  }
0x127: {  	_ =	swait.ge [sflag:s10], $0x2000  }
0x128: {  	[sflag:s10] =	ssyncset.done $0x0  }
0x129: {  	[sflag:s10] =	ssyncadd.s32 $0xFFFFE000  }
.LBB2_16:
0x12a: {  	s28 =	sadd.s32 $0x1, s28  }
0x12b: {  	p1 =	sne.s32 s28, $0x64  }
.Ltmp8:
0x12c: {  	_ = 	snop;
	(pc) =	sbr.rel @!p1 .LBB2_17-.Ltmp8, $1  }
0x12d: {  	_ =	sdelay $0x3  }
.LBB2_9:
0x12e: {  	s0 =	sshll.u32 s28, $0x6  }
0x12f: {  	vm1 =	vgt.s32 v11, s0  }
0x130: {  	v12 =	vsel vm1, $0x3F800000, v0  }
0x131: {  	(xrf0) =	vmax.scan.msk.f32 $0xffff, v12;
	_ =	sdelay $0x5  }
0x132: {  	v12, _, _ =	vpop (xrf0)  }
0x133: {  	(v2sf) =	vpush v12, $0xF;
	_ =	sdelay $0xe  }
0x134: {  	s31 =	spop (v2sf)  }
0x135: {  	p1 =	sgt.f32 s31, $0.0e+00  }
.Ltmp9:
0x136: {  	_ = 	snop;
	(pc) =	sbr.rel @!p1 .LBB2_16-.Ltmp9, $1  }
0x137: {  	_ =	sdelay $0x3  }
.Ltmp10:
0x138: {  	(pc) =	sbr.rel @!p0 .LBB2_11-.Ltmp10, $2  }
0x139: {  	_ =	sdelay $0x2  }
0x13a: {  	s29 =	sshll.u32 s28, $0x7  }
0x13b: {  	v12 =	vld [tilespmem:s29+$0x700];
	_ =	sdelay $0x4  }
0x13c: {  	v13 =	vshll.u32 v12, $0x1  }
0x13d: {  	v12 =	vand.u32 $0x7, v12;
	v13 =	vand.u32 $0xFFFFFFF0, v13  }
0x13e: {  	v12 =	vor.u32 v12, v13  }
0x13f: {  	v13 =	vperm.xlane v12, v8;
	_ =	sdelay $0x1  }
0x140: {  	v12 =	vperm.xlane v12, v10;
	v13 =	vadd.s32 v9, v13;
	_ =	sdelay $0x1  }
0x141: {  	v12 =	vadd.s32 v9, v12;
	_ =	sdelay $0x1  }
0x142: {  	s30 =	simm.s32 $0x0  }
0x143: {  	[tilespmem:s18], [sflag:$0x1] =	stream.indirect_vreg.gather [hbm4b:s5+s30], $0x80, v13, vm0, $0xb8;
	[tilespmem:$0x1FF40] =	vst v63  }
0x144: {  	_ = 	snop  }
0x145: {  	[tilespmem:s19], [sflag:$0x1] =	stream.indirect_vreg.gather [hbm4b:s5+s30], $0x80, v12, vm0, $0xb8;
	[tilespmem:$0x1FF40] =	vst v63  }
0x146: {  	v12 =	vld [tilespmem:s29+$0x710];
	_ =	sdelay $0x4  }
0x147: {  	v61 =	vshll.u32 v12, $0x1  }
0x148: {  	v12 =	vand.u32 $0x7, v12;
	v13 =	vand.u32 $0xFFFFFFF0, v61  }
0x149: {  	v12 =	vor.u32 v12, v13  }
0x14a: {  	v13 =	vperm.xlane v12, v8;
	_ =	sdelay $0x1  }
0x14b: {  	v12 =	vperm.xlane v12, v10;
	v13 =	vadd.s32 v9, v13;
	_ =	sdelay $0x1  }
0x14c: {  	v12 =	vadd.s32 v9, v12;
	_ =	sdelay $0x2  }
0x14d: {  	[tilespmem:s20], [sflag:$0x1] =	stream.indirect_vreg.gather [hbm4b:s5+s30], $0x80, v13, vm0, $0xb8;
	[tilespmem:$0x1FF40] =	vst v63  }
0x14e: {  	_ = 	snop  }
0x14f: {  	[tilespmem:s21], [sflag:$0x1] =	stream.indirect_vreg.gather [hbm4b:s5+s30], $0x80, v12, vm0, $0xb8;
	[tilespmem:$0x1FF40] =	vst v63  }
0x150: {  	v12 =	vld [tilespmem:s29+$0x720];
	_ =	sdelay $0x4  }
0x151: {  	v62 =	vshll.u32 v12, $0x1  }
0x152: {  	v12 =	vand.u32 $0x7, v12;
	v13 =	vand.u32 $0xFFFFFFF0, v62  }
0x153: {  	v12 =	vor.u32 v12, v13  }
0x154: {  	v13 =	vperm.xlane v12, v8;
	_ =	sdelay $0x1  }
0x155: {  	v12 =	vperm.xlane v12, v10;
	v13 =	vadd.s32 v9, v13;
	_ =	sdelay $0x1  }
0x156: {  	v12 =	vadd.s32 v9, v12;
	_ =	sdelay $0x2  }
0x157: {  	[tilespmem:s22], [sflag:$0x1] =	stream.indirect_vreg.gather [hbm4b:s5+s30], $0x80, v13, vm0, $0xb8;
	[tilespmem:$0x1FF40] =	vst v63  }
0x158: {  	s0 =	simm.s32 $0xEB00  }
0x159: {  	[tilespmem:s0], [sflag:$0x1] =	stream.indirect_vreg.gather [hbm4b:s5+s30], $0x80, v12, vm0, $0xb8;
	[tilespmem:$0x1FF40] =	vst v63  }
0x15a: {  	v12 =	vld [tilespmem:s29+$0x730];
	_ =	sdelay $0x4  }
0x15b: {  	v63 =	vshll.u32 v12, $0x1  }
0x15c: {  	v12 =	vand.u32 $0x7, v12;
	v13 =	vand.u32 $0xFFFFFFF0, v63  }
0x15d: {  	v12 =	vor.u32 v12, v13  }
0x15e: {  	v13 =	vperm.xlane v12, v8;
	_ =	sdelay $0x1  }
0x15f: {  	v12 =	vperm.xlane v12, v10;
	v13 =	vadd.s32 v9, v13;
	_ =	sdelay $0x1  }
0x160: {  	v12 =	vadd.s32 v9, v12;
	_ =	sdelay $0x2  }
0x161: {  	[tilespmem:s23], [sflag:$0x1] =	stream.indirect_vreg.gather [hbm4b:s5+s30], $0x80, v13, vm0, $0xb8;
	[tilespmem:$0x1FF40] =	vst v63  }
0x162: {  	_ = 	snop  }
0x163: {  	[tilespmem:s24], [sflag:$0x1] =	stream.indirect_vreg.gather [hbm4b:s5+s30], $0x80, v12, vm0, $0xb8;
	[tilespmem:$0x1FF40] =	vst v63  }
0x164: {  	s25 =	sadd.s32 $0x6F00, s29  }
0x165: {  	[tilespmem:s13], [sflag:$0x1] =	stream.indirect.gather [hbm4b:s6+s14], $0x80, s25, s14, $0xb8;
	[tilespmem:$0x1FF40] =	vst v63  }
0x166: {  	_ =	swait.ge [sflag:s10], $0x4000  }
0x167: {  	[sflag:s10] =	ssyncset.done $0x0  }
0x168: {  	[sflag:s10] =	ssyncadd.s32 $0xFFFFC000  }
0x169: {  	_ =	swait.ge [sflag:s10], $0x2000  }
0x16a: {  	[sflag:s10] =	ssyncset.done $0x0  }
0x16b: {  	s31 =	simm.s32 $0x10340;
	s0 =	simm.s32 $0x0;
	[sflag:s10] =	ssyncadd.s32 $0xFFFFE000  }
.LBB2_13:
0x16c: {  	s25 =	sand.u32 $0x3800, s0;
	s17 =	sand.u32 $0x380, s30  }
0x16d: {  	v13 =	vld [tilespmem:s31+$0xFFFFFFC0];
	s25 =	sor.u32 s17, s25  }
0x16e: {  	v12 =	vld [tilespmem:s25+$0xC300];
	_ =	sdelay $0x4  }
0x16f: {  	v12 =	vadd.f32 v13, v12;
	_ =	sdelay $0x1  }
0x170: {  	v12 =	vsub.f32 $0.0e+00, v12;
	_ =	sdelay $0x1  }
0x171: {  	v12 =	vmul.f32 $1.442695020e+00, v12;
	_ =	sdelay $0x1  }
0x172: {  	(erf) = vpow2.f32 v12;
	_ =	sdelay $0x8  }
0x173: {  	v12 =	vpop (erf)  }
0x174: {  	v12 =	vadd.f32 $1.000000000e+00, v12;
	_ =	sdelay $0x1  }
0x175: {  	(erf) = vrcp.f32 v12;
	_ =	sdelay $0x4  }
0x176: {  	v41 =	vld [tilespmem:s25+$0xC700];
	_ =	sdelay $0x3  }
0x177: {  	v42 =	vpop (erf)  }
0x178: {  	v12 =	vmul.f32 v42, v41;
	_ =	sdelay $0x1  }
0x179: {  	v43 =	vld [tilespmem:s31+$0xFFFFFFD0];
	[tilespmem:s31+$0xFFFFFFC0] =	vst v12  }
0x17a: {  	v12 =	vld [tilespmem:s25+$0xC310];
	_ =	sdelay $0x4  }
0x17b: {  	v12 =	vadd.f32 v43, v12;
	_ =	sdelay $0x1  }
0x17c: {  	v12 =	vsub.f32 $0.0e+00, v12;
	_ =	sdelay $0x1  }
0x17d: {  	v12 =	vmul.f32 $1.442695020e+00, v12;
	_ =	sdelay $0x1  }
0x17e: {  	(erf) = vpow2.f32 v12;
	_ =	sdelay $0x8  }
0x17f: {  	v12 =	vpop (erf)  }
0x180: {  	v12 =	vadd.f32 $1.000000000e+00, v12;
	_ =	sdelay $0x1  }
0x181: {  	(erf) = vrcp.f32 v12;
	_ =	sdelay $0x4  }
0x182: {  	v44 =	vld [tilespmem:s25+$0xC710];
	_ =	sdelay $0x3  }
0x183: {  	v45 =	vpop (erf)  }
0x184: {  	v12 =	vmul.f32 v45, v44;
	_ =	sdelay $0x1  }
0x185: {  	v46 =	vld [tilespmem:s31+$0xFFFFFFE0];
	[tilespmem:s31+$0xFFFFFFD0] =	vst v12  }
0x186: {  	v12 =	vld [tilespmem:s25+$0xC320];
	_ =	sdelay $0x4  }
0x187: {  	v12 =	vadd.f32 v46, v12;
	_ =	sdelay $0x1  }
0x188: {  	v12 =	vsub.f32 $0.0e+00, v12;
	_ =	sdelay $0x1  }
0x189: {  	v12 =	vmul.f32 $1.442695020e+00, v12;
	_ =	sdelay $0x1  }
0x18a: {  	(erf) = vpow2.f32 v12;
	_ =	sdelay $0x8  }
0x18b: {  	v12 =	vpop (erf)  }
0x18c: {  	v12 =	vadd.f32 $1.000000000e+00, v12;
	_ =	sdelay $0x1  }
0x18d: {  	(erf) = vrcp.f32 v12;
	_ =	sdelay $0x4  }
0x18e: {  	v47 =	vld [tilespmem:s25+$0xC720];
	_ =	sdelay $0x3  }
0x18f: {  	v48 =	vpop (erf)  }
0x190: {  	v12 =	vmul.f32 v48, v47;
	_ =	sdelay $0x1  }
0x191: {  	v49 =	vld [tilespmem:s31+$0xFFFFFFF0];
	[tilespmem:s31+$0xFFFFFFE0] =	vst v12  }
0x192: {  	v12 =	vld [tilespmem:s25+$0xC330];
	_ =	sdelay $0x4  }
0x193: {  	v12 =	vadd.f32 v49, v12;
	_ =	sdelay $0x1  }
0x194: {  	v12 =	vsub.f32 $0.0e+00, v12;
	_ =	sdelay $0x1  }
0x195: {  	v12 =	vmul.f32 $1.442695020e+00, v12;
	_ =	sdelay $0x1  }
0x196: {  	(erf) = vpow2.f32 v12;
	_ =	sdelay $0x8  }
0x197: {  	v12 =	vpop (erf)  }
0x198: {  	v12 =	vadd.f32 $1.000000000e+00, v12;
	_ =	sdelay $0x1  }
0x199: {  	(erf) = vrcp.f32 v12;
	_ =	sdelay $0x4  }
0x19a: {  	v50 =	vld [tilespmem:s25+$0xC730];
	_ =	sdelay $0x3  }
0x19b: {  	v51 =	vpop (erf)  }
0x19c: {  	v12 =	vmul.f32 v51, v50;
	_ =	sdelay $0x1  }
0x19d: {  	v52 =	vld [tilespmem:s31+$0x0];
	[tilespmem:s31+$0xFFFFFFF0] =	vst v12  }
0x19e: {  	v12 =	vld [tilespmem:s25+$0xC340];
	_ =	sdelay $0x4  }
0x19f: {  	v12 =	vadd.f32 v52, v12;
	_ =	sdelay $0x1  }
0x1a0: {  	v12 =	vsub.f32 $0.0e+00, v12;
	_ =	sdelay $0x1  }
0x1a1: {  	v12 =	vmul.f32 $1.442695020e+00, v12;
	_ =	sdelay $0x1  }
0x1a2: {  	(erf) = vpow2.f32 v12;
	_ =	sdelay $0x8  }
0x1a3: {  	v12 =	vpop (erf)  }
0x1a4: {  	v12 =	vadd.f32 $1.000000000e+00, v12;
	_ =	sdelay $0x1  }
0x1a5: {  	(erf) = vrcp.f32 v12;
	_ =	sdelay $0x4  }
0x1a6: {  	v53 =	vld [tilespmem:s25+$0xC740];
	_ =	sdelay $0x3  }
0x1a7: {  	v54 =	vpop (erf)  }
0x1a8: {  	v12 =	vmul.f32 v54, v53;
	_ =	sdelay $0x1  }
0x1a9: {  	v55 =	vld [tilespmem:s31+$0x10];
	[tilespmem:s31+$0x0] =	vst v12  }
0x1aa: {  	v12 =	vld [tilespmem:s25+$0xC350];
	_ =	sdelay $0x4  }
0x1ab: {  	v12 =	vadd.f32 v55, v12;
	_ =	sdelay $0x1  }
0x1ac: {  	v12 =	vsub.f32 $0.0e+00, v12;
	_ =	sdelay $0x1  }
0x1ad: {  	v12 =	vmul.f32 $1.442695020e+00, v12;
	_ =	sdelay $0x1  }
0x1ae: {  	(erf) = vpow2.f32 v12;
	_ =	sdelay $0x8  }
0x1af: {  	v12 =	vpop (erf)  }
0x1b0: {  	v12 =	vadd.f32 $1.000000000e+00, v12;
	_ =	sdelay $0x1  }
0x1b1: {  	(erf) = vrcp.f32 v12;
	_ =	sdelay $0x4  }
0x1b2: {  	v56 =	vld [tilespmem:s25+$0xC750];
	_ =	sdelay $0x3  }
0x1b3: {  	v57 =	vpop (erf)  }
0x1b4: {  	v12 =	vmul.f32 v57, v56;
	_ =	sdelay $0x1  }
0x1b5: {  	v58 =	vld [tilespmem:s31+$0x20];
	[tilespmem:s31+$0x10] =	vst v12  }
0x1b6: {  	v12 =	vld [tilespmem:s25+$0xC360];
	_ =	sdelay $0x4  }
0x1b7: {  	v12 =	vadd.f32 v58, v12;
	_ =	sdelay $0x1  }
0x1b8: {  	v12 =	vsub.f32 $0.0e+00, v12;
	_ =	sdelay $0x1  }
0x1b9: {  	v12 =	vmul.f32 $1.442695020e+00, v12;
	_ =	sdelay $0x1  }
0x1ba: {  	(erf) = vpow2.f32 v12;
	_ =	sdelay $0x8  }
0x1bb: {  	v12 =	vpop (erf)  }
0x1bc: {  	v12 =	vadd.f32 $1.000000000e+00, v12;
	_ =	sdelay $0x1  }
0x1bd: {  	(erf) = vrcp.f32 v12;
	_ =	sdelay $0x4  }
0x1be: {  	v59 =	vld [tilespmem:s25+$0xC760];
	_ =	sdelay $0x3  }
0x1bf: {  	v60 =	vpop (erf)  }
0x1c0: {  	v12 =	vmul.f32 v60, v59;
	_ =	sdelay $0x1  }
0x1c1: {  	v61 =	vld [tilespmem:s31+$0x30];
	[tilespmem:s31+$0x20] =	vst v12  }
0x1c2: {  	v12 =	vld [tilespmem:s25+$0xC370];
	_ =	sdelay $0x4  }
0x1c3: {  	v12 =	vadd.f32 v61, v12;
	_ =	sdelay $0x1  }
0x1c4: {  	v12 =	vsub.f32 $0.0e+00, v12;
	_ =	sdelay $0x1  }
0x1c5: {  	v12 =	vmul.f32 $1.442695020e+00, v12;
	_ =	sdelay $0x1  }
0x1c6: {  	(erf) = vpow2.f32 v12;
	_ =	sdelay $0x8  }
0x1c7: {  	v12 =	vpop (erf)  }
0x1c8: {  	v12 =	vadd.f32 $1.000000000e+00, v12;
	_ =	sdelay $0x1  }
0x1c9: {  	(erf) = vrcp.f32 v12;
	_ =	sdelay $0x4  }
0x1ca: {  	v62 =	vld [tilespmem:s25+$0xC770];
	_ =	sdelay $0x1  }
0x1cb: {  	p1 =	sne.s32 s0, $0x3F00  }
.Ltmp11:
0x1cc: {  	_ = 	snop;
	(pc) =	sbr.rel @p1 .LBB2_13-.Ltmp11, $3  }
0x1cd: {  	v63 =	vpop (erf)  }
0x1ce: {  	v12 =	vmul.f32 v63, v62;
	_ =	sdelay $0x1  }
0x1cf: {  	s30 =	sadd.s32 $0x80, s30;
	s0 =	sadd.s32 $0x100, s0;
	[tilespmem:s31+$0x30] =	vst v12;
	s31 =	sadd.s32 $0x80, s31  }
.Ltmp12:
0x1d0: {  	(pc) =	sbr.rel .LBB2_15-.Ltmp12, $2  }
0x1d1: {  	_ =	sdelay $0x2  }
0x1d2: {  	s0 =	simm.s32 $0x10300  }
.LBB2_19:
0x1d3: {  	_ =	sfence.sel $0x180000  }
0x1d4: {  	[bflag:$0x0] =	sbarrier.arrive $0xFFFF  }
0x1d5: {  	_ =	strace $0x9000004A  }
0x1d6: {  	s0 =	stileid.u32;
	[bflag:$0x2] =	sbarrier.arrive $0xFFFF  }
0x1d7: {  	p0 =	sne.s32 s0, $0x0;
	s0 =	rddreg [dreg:$0x2]  }
0x1d8: {  	s0 =	sadd.s32 @!p0 $0x100000, s0  }
0x1d9: {  	[sflag:s0] =	ssyncadd.tile.s32 @!p0 $0x1;
	_ =	shalt  }
.Lfunc_end2:
_tile_overlayer_lowered:
.L_overlay_start_2:
0x1da: {  	(tag) =	ssettag $0x2  }
0x1db: {  	s0 =	rddreg [dreg:$0x0];
	s2 =	stileid.u32  }
0x1dc: {  	s1 =	rddreg [dreg:$0x1];
	p0 =	sne.s32 s2, $0x0  }
0x1dd: {  	s3 =	rddreg [dreg:$0x2];
	[bflag:$0x3] =	sbarrier.arrive $0xFFFF;
	s2 =	simm.s32 @!p0 $0x1C02  }
0x1de: {  	[timem:s3], [sflag:s2] =	dma.local @!p0 [hbm:s0], s1  }
0x1df: {  	s0 =	simm.s32 @!p0 $0x2  }
0x1e0: {  	_ =	swait.ge @!p0 [sflag:s0], s1  }
0x1e1: {  	s1 =	ssub.s32 @!p0 $0x0, s1;
	[sflag:s0] =	ssyncset.done @!p0 $0x0  }
0x1e2: {  	[sflag:s0] =	ssyncadd.s32 @!p0 s1  }
0x1e3: {  	[bflag:$0x3] =	sbarrier.arrive $0xFFFF  }
0x1e4: {  	_ =	shalt  }

// kernel: kernel.14.cloned.1.call-start
scs
__scs_entry_jumppad:
0x0: {  	(pc) =	sbr.rel $0x88, $3  }
0x1: {  	(tag) =	ssettag $0x0;
	lr =	simm.s32 $0x1  }
0x2: {  	[smem:$0x3F94] =	sst lr;
	_ =	strace $0xD0000000  }
0x3: {  	_ = 	snop  }
0x4: {  	_ = 	snop  }
0x5: {  	_ = 	snop  }
0x6: {  	_ = 	snop  }
0x7: {  	_ = 	snop  }
__scs_overlays_trampoline_lowered:
0x8: {  	[smem:$0x3FA3] =	sst s0  }
0x9: {  	[smem:$0x3FA4] =	sst s1  }
0xa: {  	[smem:$0x3FA5] =	sst s2  }
0xb: {  	[smem:$0x3FA6] =	sst s3  }
0xc: {  	[smem:$0x3FA7] =	sst s4  }
0xd: {  	[smem:$0x3FA8] =	sst s5  }
0xe: {  	[smem:$0x3FA9] =	sst s6  }
0xf: {  	[smem:$0x3FAA] =	sst s7  }
0x10: {  	[smem:$0x3FAB] =	sst s8  }
0x11: {  	[smem:$0x3FAC] =	sst s9;
	s0 =	simm.s32 @!p0 $0x0  }
0x12: {  	s1 =	sld [smem:$0x3F92];
	s0 =	simm.s32 @p0 $0x1  }
0x13: {  	[smem:$0x3FAD] =	sst s0;
	s0 =	simm.s32 @!p1 $0x0  }
0x14: {  	s2 =	sld [smem:$0x3F91];
	s0 =	simm.s32 @p1 $0x1  }
0x15: {  	[smem:$0x3FAE] =	sst s0;
	s0 =	simm.s32 @!p2 $0x0  }
0x16: {  	s3 =	sld [smem:$0x3FDB];
	s0 =	simm.s32 @p2 $0x1  }
0x17: {  	s4 =	simm.s32 $0x1BF5;
	[smem:$0x3FB0] =	sst s0  }
0x18: {  	s0 =	sld [smem:$0x3F93];
	_ =	swait.ge [sflag:s4], $0x0  }
0x19: {  	s7 =	sld [smem:$0x3F94]  }
0x1a: {  	s8 =	sadd.s32 $0xFFFFE003, lr  }
0x1b: {  	s9 =	sadd.s32 $0xFFFFFEF7, lr;
	s5 =	simm.s32 $0xFFFFFFFF;
	p2 =	slt.u32 s8, $0xFFFFF086  }
0x1c: {  	p1 =	slt.u32 s9, $0xF7A;
	s5 =	simm.s32 @!p2 $0x0  }
0x1d: {  	s5 =	simm.s32 @p1 $0x1;
	p0 =	seq.s32 s7, s2  }
0x1e: {  	s7 =	smul.u32 @!p0 $0xF7A, s2;
	p2 =	seq.s32 @!p0 s5, $0x0  }
0x1f: {  	s9 =	smul.u32 $0xF7A, s1;
	s8 =	simm.s32 @!p0 $0x1BF5;
	p2 =	por !p2, p0  }
0x20: {  	[sflag:s8] =	ssyncset.s32 @!p0 $0xFFFFF086;
	s6 =	sadd.s32 @!p0 s3, s7;
	s7 =	simm.s32 @!p0 $0x108  }
0x21: {  	s3 =	sadd.s32 s3, s9;
	s6 =	sadd.s32 @!p0 $0x88, s6;
	s7 =	simm.s32 @p2 $0x1082  }
0x22: {  	[simem:s7], [sflag:s8] =	dma.local @!p0 [hbm:s6], $0xF7A  }
0x23: {  	s9 =	sor.u32 $0xD0000000, s2;
	s6 =	simm.s32 $0x108;
	_ =	swait.ge @!p0 [sflag:s8], $0x0  }
0x24: {  	s3 =	sadd.s32 $0x88, s3;
	s6 =	simm.s32 @!p1 $0x1082;
	[sflag:s4] =	ssyncset.s32 $0xFFFFF086  }
0x25: {  	[simem:s6], [sflag:s4] =	dma.local [hbm:s3], $0xF7A  }
0x26: {  	[smem:$0x3F94] =	sst s1;
	(tag) =	ssettag s2;
	_ =	strace s9  }
0x27: {  	s1 =	sld [smem:$0x3FA4]  }
0x28: {  	s2 =	sld [smem:$0x3FA5]  }
0x29: {  	s4 =	sld [smem:$0x3FA7]  }
0x2a: {  	p0 =	seq.s32 s5, $0x0;
	s5 =	sld [smem:$0x3FA8]  }
0x2b: {  	s6 =	sld [smem:$0x3FA9]  }
0x2c: {  	s7 =	sld [smem:$0x3FAA]  }
0x2d: {  	s3 =	simm.s32 $0x108;
	s8 =	sld [smem:$0x3FAB]  }
0x2e: {  	s3 =	simm.s32 @!p0 $0x1082;
	s9 =	sld [smem:$0x3FAC]  }
0x2f: {  	lr =	sadd.s32 s0, s3;
	s0 =	sld [smem:$0x3FA3]  }
0x30: {  	s3 =	sld [smem:$0x3FA6]  }
0x31: {  	[smem:$0x3FAF] =	sst s10  }
0x32: {  	s10 =	sld [smem:$0x3FAD];
	_ =	sdelay $0x3  }
0x33: {  	p0 =	seq.s32 s10, $0x1;
	s10 =	sld [smem:$0x3FAF];
	_ =	sdelay $0x3  }
0x34: {  	[smem:$0x3FAF] =	sst s10  }
0x35: {  	s10 =	sld [smem:$0x3FAE];
	_ =	sdelay $0x3  }
0x36: {  	p1 =	seq.s32 s10, $0x1;
	s10 =	sld [smem:$0x3FAF];
	_ =	sdelay $0x3  }
0x37: {  	[smem:$0x3FAF] =	sst s10  }
0x38: {  	s10 =	sld [smem:$0x3FB0]  }
0x39: {  	_ = 	snop;
	(pc) =	sbr.ind lr, $3  }
0x3a: {  	_ = 	snop  }
0x3b: {  	_ = 	snop  }
0x3c: {  	p2 =	seq.s32 s10, $0x1;
	s10 =	sld [smem:$0x3FAF]  }
0x3d: {  	_ =	shalt  }
0x3e: {  	_ =	shalt  }
0x3f: {  	_ =	shalt  }
0x40: {  	_ =	shalt  }
0x41: {  	_ =	shalt  }
0x42: {  	_ =	shalt  }
0x43: {  	_ =	shalt  }
0x44: {  	_ =	shalt  }
0x45: {  	_ =	shalt  }
0x46: {  	_ =	shalt  }
0x47: {  	_ =	shalt  }
0x48: {  	_ =	shalt  }
0x49: {  	_ =	shalt  }
0x4a: {  	_ =	shalt  }
0x4b: {  	_ =	shalt  }
0x4c: {  	_ =	shalt  }
0x4d: {  	_ =	shalt  }
0x4e: {  	_ =	shalt  }
0x4f: {  	_ =	shalt  }
0x50: {  	_ =	shalt  }
0x51: {  	_ =	shalt  }
0x52: {  	_ =	shalt  }
0x53: {  	_ =	shalt  }
0x54: {  	_ =	shalt  }
0x55: {  	_ =	shalt  }
0x56: {  	_ =	shalt  }
0x57: {  	_ =	shalt  }
0x58: {  	_ =	shalt  }
0x59: {  	_ =	shalt  }
0x5a: {  	_ =	shalt  }
0x5b: {  	_ =	shalt  }
0x5c: {  	_ =	shalt  }
0x5d: {  	_ =	shalt  }
0x5e: {  	_ =	shalt  }
0x5f: {  	_ =	shalt  }
0x60: {  	_ =	shalt  }
0x61: {  	_ =	shalt  }
0x62: {  	_ =	shalt  }
0x63: {  	_ =	shalt  }
0x64: {  	_ =	shalt  }
0x65: {  	_ =	shalt  }
0x66: {  	_ =	shalt  }
0x67: {  	_ =	shalt  }
0x68: {  	_ =	shalt  }
0x69: {  	_ =	shalt  }
0x6a: {  	_ =	shalt  }
0x6b: {  	_ =	shalt  }
0x6c: {  	_ =	shalt  }
0x6d: {  	_ =	shalt  }
0x6e: {  	_ =	shalt  }
0x6f: {  	_ =	shalt  }
0x70: {  	_ =	shalt  }
0x71: {  	_ =	shalt  }
0x72: {  	_ =	shalt  }
0x73: {  	_ =	shalt  }
0x74: {  	_ =	shalt  }
0x75: {  	_ =	shalt  }
0x76: {  	_ =	shalt  }
0x77: {  	_ =	shalt  }
0x78: {  	_ =	shalt  }
0x79: {  	_ =	shalt  }
0x7a: {  	_ =	shalt  }
0x7b: {  	_ =	shalt  }
0x7c: {  	_ =	shalt  }
0x7d: {  	_ =	shalt  }
0x7e: {  	_ =	shalt  }
0x7f: {  	_ =	shalt  }
0x80: {  	_ =	shalt  }
0x81: {  	_ =	shalt  }
0x82: {  	_ =	shalt  }
0x83: {  	_ =	shalt  }
0x84: {  	_ =	shalt  }
0x85: {  	_ =	shalt  }
0x86: {  	_ =	shalt  }
0x87: {  	_ =	shalt  }
.Lfunc_end0:
.L_simem_size_0:
called_computation.2_lowered:
.L_overlay_start_0:
0x88: {  	s2 =	sld [smem:$0x3FD9]  }
0x89: {  	s3 =	sld [smem:$0x3FFE];
	_ =	sdelay $0x1  }
0x8a: {  	s1 =	srdreg.scid  }
0x8b: {  	s0 =	sand.u32 $0x1, s1  }
0x8c: {  	s16 =	sshll.u32 s0, $0xA;
	s2 =	sadd.s32 s3, s2  }
0x8d: {  	s2 =	sadd.s32 s2, s16  }
0x8e: {  	[smem:$0x3FBB] =	sst s2  }
0x8f: {  	_ = 	snop  }
0x90: {  	(tm) =	ssettm $0x1  }
0x91: {  	s17 =	sld [smem:$0x3FFB];
	_ =	sdelay $0x3  }
0x92: {  	_ =	strace s17  }
0x93: {  	s2 =	sld [smem:$0x3FFC];
	_ =	sdelay $0x3  }
0x94: {  	_ =	strace s2  }
0x95: {  	s2 =	sld [smem:$0x3FFD];
	_ =	sdelay $0x3  }
0x96: {  	_ =	strace s2  }
0x97: {  	_ =	strace $0x8FFFFFFF  }
0x98: {  	s18 =	sld [smem:$0x3FDB];
	_ =	sdelay $0x1  }
0x99: {  	s19 =	simm.s32 $_scs_section_size  }
0x9a: {  	s4 =	simm.s32 $_size__tile_overlayer_lowered;
	s5 =	simm.s32 $_tile_overlayer_lowered  }
0x9b: {  	s22 =	simm.s32 $0x1BFF;
	s21 =	sshll.u32 s5, $0x1;
	s2 =	sadd.s32 s19, s18  }
0x9c: {  	s6 =	simm.s32 $0x0;
	s20 =	sshll.u32 s4, $0x1;
	s4 =	sadd.s32 s21, s2  }
0x9d: {  	[timem:s6], [sflag:s22] =	dma.local [hbm:s4], s20  }
0x9e: {  	_ =	swait.ge [sflag:s22], s20  }
0x9f: {  	s3 =	ssub.s32 $0x0, s20;
	[sflag:s22] =	ssyncset.done $0x0  }
0xa0: {  	[sflag:s22] =	ssyncadd.s32 s3;
	_ =	sdelay $0x1  }
0xa1: {  	s23 =	simm.s32 $0x1B8B  }
0xa2: {  	_ =	swait.ge [sflag:s23], $0x1  }
0xa3: {  	[sflag:s23] =	ssyncset.done $0x0  }
0xa4: {  	s25 =	simm.s32 $0x1B8E;
	s24 =	sld [smem:$0x3FFE];
	[sflag:s23] =	ssyncadd.s32 $0xFFFFFFFF  }
0xa5: {  	s26 =	simm.s32 $execute0_lowered;
	[smem:$0x3FD2] =	sst s25  }
0xa6: {  	s4 =	sshll.u32 s26, $0x1;
	_ =	strace $0x8000004C;
	[dreg:$0x1] =	wrdreg $0xFFFFFFFF  }
0xa7: {  	s28 =	simm.s32 $_size_execute0_lowered;
	s2 =	sadd.s32 s2, s4;
	[dreg:$0x0] =	wrdreg $0x0  }
0xa8: {  	s4 =	sshll.u32 s28, $0x1;
	[dreg:$0x2] =	wrdreg s2  }
0xa9: {  	[dreg:$0x3] =	wrdreg s4  }
0xaa: {  	[dreg:$0x4] =	wrdreg $0xC0  }
0xab: {  	_ =	task [dreg:s6], $0x5FFFF  }
0xac: {  	[dreg:$0x1] =	wrdreg $0xFFFFFFFF  }
0xad: {  	[dreg:$0x0] =	wrdreg $0x60  }
0xae: {  	[dreg:$0x2] =	wrdreg s24  }
0xaf: {  	[dreg:$0x3] =	wrdreg $0x137000  }
0xb0: {  	[dreg:$0x4] =	wrdreg $0x9  }
0xb1: {  	_ =	task.clear_ibuf [dreg:s6], $0x5FFFF;
	_ =	strace $0x9000004C  }
0xb2: {  	s29 =	simm.s32 $0x9;
	_ =	strace $0x8000004E  }
0xb3: {  	_ =	swait.ge [sflag:s29], $0x1  }
0xb4: {  	[sflag:s29] =	ssyncadd.s32 $0xFFFFFFFF  }
0xb5: {  	_ =	strace $0x9000004E  }
0xb6: {  	_ =	sfence  }
0xb7: {  	s30 =	sld [smem:$0x0];
	_ =	sdelay $0x2  }
0xb8: {  	s31 =	sshll.u32 s1, $0xD;
	s1 =	sshrl.u32 s1, $0x2  }
0xb9: {  	s3 =	sand.u32 $0x4000, s31;
	s1 =	sadd.s32 s1, s30  }
0xba: {  	s0 =	sor.u32 s3, s0;
	s1 =	sshll.u32 s1, $0x11  }
0xbb: {  	s0 =	sor.u32 s1, s0  }
0xbc: {  	s0 =	sadd.s32 $0x8F2B, s0  }
0xbd: {  	[sflag:s0] =	ssyncadd.remote.s32 $0x1  }
0xbe: {  	_ =	sfence.sel $0xFFFF  }
0xbf: {  	[dreg:$0x0] =	wrdreg $0xFFFFFFFF;
	(pc) =	sbr.abs _section_cstart, $3  }
0xc0: {  	[dreg:$0x1] =	wrdreg $0xFFFFFFFF  }
0xc1: {  	_ =	task.clear_ibuf [dreg:s6], $0x2FFFF;
	_ =	strace $0x9FFFFFFF  }
0xc2: {  	(tm) =	ssettm $0x7FFFFFFF  }
0xc3: {  	_ =	shalt  }
tec
execute0_lowered:
.L_overlay_start_1:
0x0: {  	(tag) =	ssettag $0x1  }
0x1: {  	s0 =	rddreg [dreg:$0x0]  }
0x2: {  	s1 =	rddreg [dreg:$0x1];
	s16 =	simm.s32 $0x0;
	s9 =	stileid.u32  }
0x3: {  	s30 =	srdreg.scid;
	s4 =	sadd.s32 $0x198A00, s0;
	s5 =	sadd.s32 $0x7D8A00, s0  }
0x4: {  	[smem:$0x7FF] =	sst s16;
	s6 =	sadd.s32 $0x2400, s0;
	s3 =	sadd.s32 $0x4B8A00, s0  }
0x5: {  	s14 =	sadd.s32 $0x4B8F00, s0;
	_ =	strace $0x8000004D;
	[dreg:$0x4] =	wrdreg s3  }
0x6: {  	s7 =	sadd.s32 $0x195800, s0;
	s15 =	sadd.s32 $0x4B9180, s0;
	[dreg:$0xa] =	wrdreg s14  }
0x7: {  	s2 =	smul.u32 $0x32000, s9;
	s18 =	sadd.s32 $0x4B9400, s0;
	[dreg:$0xb] =	wrdreg s15  }
0x8: {  	s8 =	sadd.s32 $0x192600, s0;
	s19 =	sadd.s32 $0x4B9680, s0;
	[dreg:$0xc] =	wrdreg s18  }
0x9: {  	s10 =	smul.u32 $0x190, s9;
	s20 =	sadd.s32 $0x4B9900, s0;
	[dreg:$0xd] =	wrdreg s19  }
0xa: {  	s12 =	smul.u32 $0x1900, s9;
	s21 =	sadd.s32 $0x4B9B80, s0;
	[dreg:$0xe] =	wrdreg s20  }
0xb: {  	s22 =	sadd.s32 $0x4B9E00, s0;
	s9 =	simm.s32 $0x700;
	[dreg:$0xf] =	wrdreg s21  }
0xc: {  	s3 =	sand.u32 $0x1, s30;
	[dreg:$0x10] =	wrdreg s22;
	s15 =	simm.s32 $0x6F00  }
0xd: {  	s18 =	simm.s32 $0xC300;
	[dreg:$0x5] =	wrdreg s10;
	s10 =	sadd.s32 $0x4B8C80, s0  }
0xe: {  	s2 =	sshrl.u32 s2, $0x2;
	s0 =	sadd.s32 $0x4BA080, s0;
	[dreg:$0x8] =	wrdreg s10  }
0xf: {  	s19 =	simm.s32 $0xCB00;
	s31 =	sadd.s32 s2, s1;
	[dreg:$0x11] =	wrdreg s0  }
0x10: {  	s20 =	simm.s32 $0xD300;
	s2 =	sadd.s32 $0x1400, s31;
	[dreg:$0x6] =	wrdreg s31  }
0x11: {  	s21 =	simm.s32 $0xDB00;
	s11 =	sadd.s32 $0x2800, s31;
	[dreg:$0x7] =	wrdreg s2  }
0x12: {  	s22 =	simm.s32 $0xE300;
	s24 =	sadd.s32 $0x3C00, s31;
	[dreg:$0x9] =	wrdreg s11  }
0x13: {  	s14 =	simm.s32 $0x40;
	s25 =	sadd.s32 $0x5000, s31;
	[dreg:$0x13] =	wrdreg s24  }
0x14: {  	s13 =	ssub.s32 $0x2, s3;
	s26 =	sadd.s32 $0x6400, s31;
	[dreg:$0x14] =	wrdreg s25  }
0x15: {  	s3 =	simm.s32 $0x380;
	s28 =	sadd.s32 $0x7800, s31;
	[dreg:$0x15] =	wrdreg s26  }
0x16: {  	s17 =	sshrl.u32 s13, $0x1;
	s29 =	sadd.s32 $0x8C00, s31;
	[dreg:$0x16] =	wrdreg s28  }
.Ltmp0:
0x17: {  	v0 =	vimm.f32 $0.0e+00;
	s30 =	sadd.s32 $0xA000, s31;
	[dreg:$0x17] =	wrdreg s29;
	(pc) =	sbr.rel .LBB2_1-.Ltmp0, $4  }
0x18: {  	v1 =	vimm.s32 $0x0;
	v2 =	vimm.s32 $0xF;
	v3 =	vlaneseq.u32;
	s10 =	simm.s32 $0x1;
	s31 =	sadd.s32 $0xB400, s31;
	[dreg:$0x18] =	wrdreg s30  }
0x19: {  	v4 =	vimm.s32 $0x1900;
	vm0 =	vmmov $0xffff;
	v5 =	vor.u32 $0x10, v3;
	s2 =	ssub.s32 s13, s17;
	[dreg:$0x19] =	wrdreg s31;
	s11 =	simm.s32 $0x3B00  }
0x1a: {  	v6 =	vor.u32 $0x20, v3;
	v7 =	vor.u32 $0x30, v3;
	v9 =	vshrl.u32 v3, $0x3;
	s24 =	simm.s32 $0xFB00;
	s13 =	simm.s32 $0x10300;
	s23 =	smax.u32 s2, $0x1  }
0x1b: {  	v8 =	vand.u32 $0x7, v3;
	v10 =	vor.u32 $0x8, v3;
	v9 =	vmul.u32 $0x8, v9;
	s2 =	simm.s32 $0x12300;
	[dreg:$0x12] =	wrdreg s23;
	s23 =	simm.s32 $0xF300  }
.LBB2_18:
0x1c: {  	s16 =	rddreg [dreg:$0x3]  }
0x1d: {  	s0 =	rddreg [dreg:$0x12];
	s16 =	sadd.s32 $0x1, s16  }
0x1e: {  	p0 =	sne.s32 s16, s0  }
.Ltmp1:
0x1f: {  	_ = 	snop;
	(pc) =	sbr.rel @!p0 .LBB2_19-.Ltmp1, $1  }
0x20: {  	_ =	sdelay $0x3  }
.LBB2_1:
0x21: {  	[dreg:$0x3] =	wrdreg s16;
	s0 =	simm.s32 $0x0;
	s16 =	simm.s32 $0x200  }
.LBB2_2:
0x22: {  	p0 =	sne.s32 s16, $0x4E00;
	[tilespmem:s0+$0x12370] =	vst v0  }
0x23: {  	[tilespmem:s0+$0x12300] =	vst v0  }
0x24: {  	[tilespmem:s0+$0x12310] =	vst v0  }
.Ltmp2:
0x25: {  	[tilespmem:s0+$0x12320] =	vst v0;
	(pc) =	sbr.rel @p0 .LBB2_2-.Ltmp2, $4  }
0x26: {  	[tilespmem:s0+$0x12330] =	vst v0  }
0x27: {  	[tilespmem:s0+$0x12340] =	vst v0  }
0x28: {  	[tilespmem:s0+$0x12350] =	vst v0  }
0x29: {  	[tilespmem:s0+$0x12360] =	vst v0;
	s0 =	sshra.s32 s16, $0x2;
	s16 =	sadd.s32 $0x200, s16  }
0x2a: {  	[tilespmem:s0+$0x12370] =	vst v0  }
0x2b: {  	[tilespmem:s0+$0x12300] =	vst v0  }
0x2c: {  	[tilespmem:s0+$0x12310] =	vst v0  }
0x2d: {  	[tilespmem:s0+$0x12320] =	vst v0  }
0x2e: {  	[tilespmem:s0+$0x12330] =	vst v0  }
0x2f: {  	[tilespmem:s0+$0x12340] =	vst v0  }
0x30: {  	[tilespmem:s0+$0x12350] =	vst v0  }
0x31: {  	[tilespmem:s0+$0x12360] =	vst v0;
	s29 =	rddreg [dreg:$0x6];
	s16 =	simm.s32 $0x2  }
0x32: {  	[spmem:s29] =	stream.linear.scatter [tilespmem:s2], [sflag:$0x2], $0x1400, $0x38;
	[tilespmem:$0x1FF40] =	vst v63  }
0x33: {  	_ =	swait.ge [sflag:s16], $0x1400  }
0x34: {  	[sflag:s16] =	ssyncset.done $0x0  }
0x35: {  	s30 =	rddreg [dreg:$0x7];
	[sflag:s16] =	ssyncadd.s32 $0xFFFFEC00  }
0x36: {  	[spmem:s30] =	stream.linear.scatter [tilespmem:s2], [sflag:$0x2], $0x1400, $0x38;
	[tilespmem:$0x1FF40] =	vst v63  }
0x37: {  	_ =	swait.ge [sflag:s16], $0x1400  }
0x38: {  	[sflag:s16] =	ssyncset.done $0x0  }
0x39: {  	s31 =	rddreg [dreg:$0x9];
	[sflag:s16] =	ssyncadd.s32 $0xFFFFEC00  }
0x3a: {  	[spmem:s31] =	stream.linear.scatter [tilespmem:s2], [sflag:$0x2], $0x1400, $0x38;
	[tilespmem:$0x1FF40] =	vst v63  }
0x3b: {  	_ =	swait.ge [sflag:s16], $0x1400  }
0x3c: {  	[sflag:s16] =	ssyncset.done $0x0  }
0x3d: {  	s17 =	rddreg [dreg:$0x13];
	[sflag:s16] =	ssyncadd.s32 $0xFFFFEC00  }
0x3e: {  	[spmem:s17] =	stream.linear.scatter [tilespmem:s2], [sflag:$0x2], $0x1400, $0x38;
	[tilespmem:$0x1FF40] =	vst v63  }
0x3f: {  	_ =	swait.ge [sflag:s16], $0x1400  }
0x40: {  	[sflag:s16] =	ssyncset.done $0x0  }
0x41: {  	s25 =	rddreg [dreg:$0x14];
	[sflag:s16] =	ssyncadd.s32 $0xFFFFEC00  }
0x42: {  	[spmem:s25] =	stream.linear.scatter [tilespmem:s2], [sflag:$0x2], $0x1400, $0x38;
	[tilespmem:$0x1FF40] =	vst v63  }
0x43: {  	_ =	swait.ge [sflag:s16], $0x1400  }
0x44: {  	[sflag:s16] =	ssyncset.done $0x0  }
0x45: {  	s26 =	rddreg [dreg:$0x15];
	[sflag:s16] =	ssyncadd.s32 $0xFFFFEC00  }
0x46: {  	[spmem:s26] =	stream.linear.scatter [tilespmem:s2], [sflag:$0x2], $0x1400, $0x38;
	[tilespmem:$0x1FF40] =	vst v63  }
0x47: {  	_ =	swait.ge [sflag:s16], $0x1400  }
0x48: {  	[sflag:s16] =	ssyncset.done $0x0  }
0x49: {  	s28 =	rddreg [dreg:$0x16];
	[sflag:s16] =	ssyncadd.s32 $0xFFFFEC00  }
0x4a: {  	[spmem:s28] =	stream.linear.scatter [tilespmem:s2], [sflag:$0x2], $0x1400, $0x38;
	[tilespmem:$0x1FF40] =	vst v63  }
0x4b: {  	_ =	swait.ge [sflag:s16], $0x1400  }
0x4c: {  	[sflag:s16] =	ssyncset.done $0x0  }
0x4d: {  	s29 =	rddreg [dreg:$0x17];
	[sflag:s16] =	ssyncadd.s32 $0xFFFFEC00  }
0x4e: {  	[spmem:s29] =	stream.linear.scatter [tilespmem:s2], [sflag:$0x2], $0x1400, $0x38;
	[tilespmem:$0x1FF40] =	vst v63  }
0x4f: {  	_ =	swait.ge [sflag:s16], $0x1400  }
0x50: {  	[sflag:s16] =	ssyncset.done $0x0  }
0x51: {  	s30 =	rddreg [dreg:$0x18];
	[sflag:s16] =	ssyncadd.s32 $0xFFFFEC00  }
0x52: {  	[spmem:s30] =	stream.linear.scatter [tilespmem:s2], [sflag:$0x2], $0x1400, $0x38;
	[tilespmem:$0x1FF40] =	vst v63  }
0x53: {  	_ =	swait.ge [sflag:s16], $0x1400  }
0x54: {  	[sflag:s16] =	ssyncset.done $0x0  }
0x55: {  	s31 =	rddreg [dreg:$0x19];
	[sflag:s16] =	ssyncadd.s32 $0xFFFFEC00  }
0x56: {  	[spmem:s31] =	stream.linear.scatter [tilespmem:s2], [sflag:$0x2], $0x1400, $0x38;
	[tilespmem:$0x1FF40] =	vst v63  }
.Ltmp3:
0x57: {  	_ =	swait.ge [sflag:s16], $0x1400;
	(pc) =	sbr.rel .LBB2_4-.Ltmp3, $4  }
0x58: {  	[sflag:s16] =	ssyncset.done $0x0  }
0x59: {  	[sflag:s16] =	ssyncadd.s32 $0xFFFFEC00  }
0x5a: {  	[bflag:$0x0] =	sbarrier.arrive $0xFFFF  }
0x5b: {  	s16 =	simm.s32 $0x0  }
.LBB2_17:
0x5c: {  	s0 =	simm.s32 $0x19000;
	s17 =	rddreg [dreg:$0x5]  }
0x5d: {  	[bflag:$0x0] =	sbarrier.arrive $0xFFFF;
	s0 =	simm.s32 @!p0 $0x0;
	s17 =	sadd.s32 s17, s26  }
0x5e: {  	s28 =	stileid.u32;
	s25 =	rddreg [dreg:$0x4];
	s0 =	sadd.s32 s0, s17  }
0x5f: {  	s17 =	sshll.u32 s28, $0x6;
	s28 =	rddreg [dreg:$0x6];
	s0 =	sshll.u32 s0, $0x4  }
0x60: {  	s17 =	sor.u32 $0x1C01, s17;
	s29 =	sshrl.u32 s28, $0x3;
	s25 =	sadd.s32 s25, s0  }
0x61: {  	[hbm:s25], [sflag:s17] =	dma.local [spmem:s29], $0x280  }
0x62: {  	s25 =	rddreg [dreg:$0x8]  }
0x63: {  	s29 =	rddreg [dreg:$0x7]  }
0x64: {  	s25 =	sadd.s32 s0, s25;
	s30 =	sshrl.u32 s29, $0x3  }
0x65: {  	[hbm:s25], [sflag:s17] =	dma.local [spmem:s30], $0x280  }
0x66: {  	s25 =	rddreg [dreg:$0xa]  }
0x67: {  	s30 =	rddreg [dreg:$0x9]  }
0x68: {  	s25 =	sadd.s32 s0, s25;
	s31 =	sshrl.u32 s30, $0x3  }
0x69: {  	[hbm:s25], [sflag:s17] =	dma.local [spmem:s31], $0x280  }
0x6a: {  	s25 =	rddreg [dreg:$0xb]  }
0x6b: {  	s31 =	rddreg [dreg:$0x13]  }
0x6c: {  	s25 =	sadd.s32 s0, s25;
	s18 =	sshrl.u32 s31, $0x3  }
0x6d: {  	[hbm:s25], [sflag:s17] =	dma.local [spmem:s18], $0x280  }
0x6e: {  	s25 =	rddreg [dreg:$0xc]  }
0x6f: {  	s18 =	rddreg [dreg:$0x14]  }
0x70: {  	s25 =	sadd.s32 s0, s25;
	s19 =	sshrl.u32 s18, $0x3  }
0x71: {  	[hbm:s25], [sflag:s17] =	dma.local [spmem:s19], $0x280  }
0x72: {  	s25 =	rddreg [dreg:$0xd]  }
0x73: {  	s19 =	rddreg [dreg:$0x15]  }
0x74: {  	s25 =	sadd.s32 s0, s25;
	s20 =	sshrl.u32 s19, $0x3  }
0x75: {  	[hbm:s25], [sflag:s17] =	dma.local [spmem:s20], $0x280  }
0x76: {  	s25 =	rddreg [dreg:$0xe]  }
0x77: {  	s20 =	rddreg [dreg:$0x16]  }
0x78: {  	s25 =	sadd.s32 s0, s25;
	s21 =	sshrl.u32 s20, $0x3  }
0x79: {  	[hbm:s25], [sflag:s17] =	dma.local [spmem:s21], $0x280  }
0x7a: {  	s25 =	rddreg [dreg:$0xf]  }
0x7b: {  	s21 =	rddreg [dreg:$0x17]  }
0x7c: {  	s25 =	sadd.s32 s0, s25;
	s22 =	sshrl.u32 s21, $0x3  }
0x7d: {  	[hbm:s25], [sflag:s17] =	dma.local [spmem:s22], $0x280  }
0x7e: {  	s25 =	rddreg [dreg:$0x10]  }
0x7f: {  	s22 =	rddreg [dreg:$0x18]  }
0x80: {  	s25 =	sadd.s32 s0, s25;
	s26 =	sshrl.u32 s22, $0x3  }
0x81: {  	[hbm:s25], [sflag:s17] =	dma.local [spmem:s26], $0x280  }
0x82: {  	s25 =	rddreg [dreg:$0x11]  }
0x83: {  	s26 =	rddreg [dreg:$0x19]  }
0x84: {  	s0 =	sadd.s32 s0, s25;
	s25 =	sshrl.u32 s26, $0x3  }
0x85: {  	[hbm:s0], [sflag:s17] =	dma.local [spmem:s25], $0x280  }
0x86: {  	_ =	swait.ge [sflag:s10], $0x280  }
0x87: {  	[sflag:s10] =	ssyncset.done $0x0  }
0x88: {  	[sflag:s10] =	ssyncadd.s32 $0xFFFFFD80  }
0x89: {  	_ =	swait.ge [sflag:s10], $0x280  }
0x8a: {  	[sflag:s10] =	ssyncset.done $0x0  }
0x8b: {  	[sflag:s10] =	ssyncadd.s32 $0xFFFFFD80  }
0x8c: {  	_ =	swait.ge [sflag:s10], $0x280  }
0x8d: {  	[sflag:s10] =	ssyncset.done $0x0  }
0x8e: {  	[sflag:s10] =	ssyncadd.s32 $0xFFFFFD80  }
0x8f: {  	_ =	swait.ge [sflag:s10], $0x280  }
0x90: {  	[sflag:s10] =	ssyncset.done $0x0  }
0x91: {  	[sflag:s10] =	ssyncadd.s32 $0xFFFFFD80  }
0x92: {  	_ =	swait.ge [sflag:s10], $0x280  }
0x93: {  	[sflag:s10] =	ssyncset.done $0x0  }
0x94: {  	[sflag:s10] =	ssyncadd.s32 $0xFFFFFD80  }
0x95: {  	_ =	swait.ge [sflag:s10], $0x280  }
0x96: {  	[sflag:s10] =	ssyncset.done $0x0  }
0x97: {  	[sflag:s10] =	ssyncadd.s32 $0xFFFFFD80  }
0x98: {  	_ =	swait.ge [sflag:s10], $0x280  }
0x99: {  	[sflag:s10] =	ssyncset.done $0x0  }
0x9a: {  	[sflag:s10] =	ssyncadd.s32 $0xFFFFFD80  }
0x9b: {  	_ =	swait.ge [sflag:s10], $0x280  }
0x9c: {  	[sflag:s10] =	ssyncset.done $0x0  }
0x9d: {  	[sflag:s10] =	ssyncadd.s32 $0xFFFFFD80  }
0x9e: {  	_ =	swait.ge [sflag:s10], $0x280  }
0x9f: {  	[sflag:s10] =	ssyncset.done $0x0  }
0xa0: {  	[sflag:s10] =	ssyncadd.s32 $0xFFFFFD80  }
0xa1: {  	_ =	swait.ge [sflag:s10], $0x280  }
0xa2: {  	[sflag:s10] =	ssyncset.done $0x0  }
0xa3: {  	[sflag:s10] =	ssyncadd.s32 $0xFFFFFD80  }
0xa4: {  	[spmem:s28] =	stream.linear.scatter [tilespmem:s2], [sflag:$0x1], $0x1400, $0x38;
	[tilespmem:$0x1FF40] =	vst v63  }
0xa5: {  	_ = 	snop  }
0xa6: {  	[spmem:s29] =	stream.linear.scatter [tilespmem:s2], [sflag:$0x1], $0x1400, $0x38;
	[tilespmem:$0x1FF40] =	vst v63  }
0xa7: {  	_ = 	snop  }
0xa8: {  	[spmem:s30] =	stream.linear.scatter [tilespmem:s2], [sflag:$0x1], $0x1400, $0x38;
	[tilespmem:$0x1FF40] =	vst v63  }
0xa9: {  	_ = 	snop  }
0xaa: {  	[spmem:s31] =	stream.linear.scatter [tilespmem:s2], [sflag:$0x1], $0x1400, $0x38;
	[tilespmem:$0x1FF40] =	vst v63  }
0xab: {  	_ = 	snop  }
0xac: {  	[spmem:s18] =	stream.linear.scatter [tilespmem:s2], [sflag:$0x1], $0x1400, $0x38;
	[tilespmem:$0x1FF40] =	vst v63  }
0xad: {  	_ = 	snop  }
0xae: {  	[spmem:s19] =	stream.linear.scatter [tilespmem:s2], [sflag:$0x1], $0x1400, $0x38;
	[tilespmem:$0x1FF40] =	vst v63  }
0xaf: {  	_ = 	snop  }
0xb0: {  	[spmem:s20] =	stream.linear.scatter [tilespmem:s2], [sflag:$0x1], $0x1400, $0x38;
	[tilespmem:$0x1FF40] =	vst v63  }
0xb1: {  	_ = 	snop  }
0xb2: {  	[spmem:s21] =	stream.linear.scatter [tilespmem:s2], [sflag:$0x1], $0x1400, $0x38;
	[tilespmem:$0x1FF40] =	vst v63  }
0xb3: {  	_ = 	snop  }
0xb4: {  	[spmem:s22] =	stream.linear.scatter [tilespmem:s2], [sflag:$0x1], $0x1400, $0x38;
	[tilespmem:$0x1FF40] =	vst v63  }
0xb5: {  	_ = 	snop  }
0xb6: {  	[spmem:s26] =	stream.linear.scatter [tilespmem:s2], [sflag:$0x1], $0x1400, $0x38;
	[tilespmem:$0x1FF40] =	vst v63  }
0xb7: {  	_ =	swait.ge [sflag:s10], $0x1400  }
0xb8: {  	[sflag:s10] =	ssyncset.done $0x0  }
0xb9: {  	[sflag:s10] =	ssyncadd.s32 $0xFFFFEC00  }
0xba: {  	_ =	swait.ge [sflag:s10], $0x1400  }
0xbb: {  	[sflag:s10] =	ssyncset.done $0x0  }
0xbc: {  	[sflag:s10] =	ssyncadd.s32 $0xFFFFEC00  }
0xbd: {  	_ =	swait.ge [sflag:s10], $0x1400  }
0xbe: {  	[sflag:s10] =	ssyncset.done $0x0  }
0xbf: {  	[sflag:s10] =	ssyncadd.s32 $0xFFFFEC00  }
0xc0: {  	_ =	swait.ge [sflag:s10], $0x1400  }
0xc1: {  	[sflag:s10] =	ssyncset.done $0x0  }
0xc2: {  	[sflag:s10] =	ssyncadd.s32 $0xFFFFEC00  }
0xc3: {  	_ =	swait.ge [sflag:s10], $0x1400  }
0xc4: {  	[sflag:s10] =	ssyncset.done $0x0  }
0xc5: {  	[sflag:s10] =	ssyncadd.s32 $0xFFFFEC00  }
0xc6: {  	_ =	swait.ge [sflag:s10], $0x1400  }
0xc7: {  	[sflag:s10] =	ssyncset.done $0x0  }
0xc8: {  	[sflag:s10] =	ssyncadd.s32 $0xFFFFEC00  }
0xc9: {  	_ =	swait.ge [sflag:s10], $0x1400  }
0xca: {  	[sflag:s10] =	ssyncset.done $0x0  }
0xcb: {  	[sflag:s10] =	ssyncadd.s32 $0xFFFFEC00  }
0xcc: {  	_ =	swait.ge [sflag:s10], $0x1400  }
0xcd: {  	[sflag:s10] =	ssyncset.done $0x0  }
0xce: {  	[sflag:s10] =	ssyncadd.s32 $0xFFFFEC00  }
0xcf: {  	_ =	swait.ge [sflag:s10], $0x1400  }
0xd0: {  	s16 =	sadd.s32 $0x1, s16;
	[sflag:s10] =	ssyncset.done $0x0  }
0xd1: {  	p0 =	sne.s32 s16, $0x10;
	[sflag:s10] =	ssyncadd.s32 $0xFFFFEC00  }
.Ltmp4:
0xd2: {  	_ =	swait.ge [sflag:s10], $0x1400;
	(pc) =	sbr.rel @!p0 .LBB2_18-.Ltmp4, $4  }
0xd3: {  	[sflag:s10] =	ssyncset.done $0x0  }
0xd4: {  	[sflag:s10] =	ssyncadd.s32 $0xFFFFEC00  }
0xd5: {  	s18 =	simm.s32 $0xC300;
	s19 =	simm.s32 $0xCB00;
	[bflag:$0x0] =	sbarrier.arrive $0xFFFF  }
0xd6: {  	s20 =	simm.s32 $0xD300;
	s21 =	simm.s32 $0xDB00;
	s22 =	simm.s32 $0xE300  }
.LBB2_4:
0xd7: {  	s26 =	smul.u32 $0x1900, s16;
	_ =	sdelay $0x1  }
0xd8: {  	v12 =	vmov s26  }
0xd9: {  	v11 =	vimm.s32 $0x0;
	s0 =	simm.s32 $0x0;
	v13 =	vadd.s32 $0x1900, v12  }
.LBB2_5:
0xda: {  	s25 =	smul.u32 $0x320, s0;
	_ =	sdelay $0x1  }
0xdb: {  	s25 =	sadd.s32 s12, s25  }
0xdc: {  	s25 =	sshrl.u32 s25, $0x3  }
0xdd: {  	s29 =	simm.s32 $0x0;
	s28 =	sadd.s32 s7, s25  }
0xde: {  	[tilespmem:s29], [sflag:$0x1] =	stream.linear.gather [hbm4b:s28+s29], $0x320, $0x38;
	[tilespmem:$0x1FF40] =	vst v63  }
0xdf: {  	s25 =	sadd.s32 s8, s25  }
0xe0: {  	[tilespmem:s3], [sflag:$0x1] =	stream.linear.gather [hbm4b:s25+s29], $0x320, $0x38;
	[tilespmem:$0x1FF40] =	vst v63  }
0xe1: {  	_ =	swait.ge [sflag:s10], $0x320  }
0xe2: {  	[sflag:s10] =	ssyncset.done $0x0  }
0xe3: {  	[sflag:s10] =	ssyncadd.s32 $0xFFFFFCE0  }
0xe4: {  	_ =	swait.ge [sflag:s10], $0x320  }
0xe5: {  	[sflag:s10] =	ssyncset.done $0x0  }
0xe6: {  	s31 =	simm.s32 $0x0;
	[sflag:s10] =	ssyncadd.s32 $0xFFFFFCE0  }
0xe7: {  	v14 =	vld [tilespmem:s31+$0x380]  }
0xe8: {  	s25 =	simm.s32 $0x40;
	v15 =	vld [tilespmem:s31+$0x0]  }
.LBB2_6:
0xe9: {  	p0 =	sne.s32 s25, $0xC40;
	_ =	sdelay $0x2  }
0xea: {  	vm1 =	vge.s32 v14, v12;
	vm2 =	vlt.s32 v14, v13;
	v16 =	vsub.s32 v14, v12  }
0xeb: {  	vm1 =	vmand vm1, vm2  }
0xec: {  	v17 =	vsel vm1, $0x1, v1  }
0xed: {  	(xrf0) =	vadd.scan.msk.s32 $0xffff, v17;
	_ =	sdelay $0x5  }
0xee: {  	v17, _, _ =	vpop (xrf0)  }
0xef: {  	v18 =	vadd.s32 v17, v11;
	v17 =	vperm.xlane v17, v2  }
0xf0: {  	v18 =	vadd.s32 $0xFFFFFFFF, v18  }
0xf1: {  	v19 =	vshll.u32 v18, $0x1;
	v11 =	vadd.s32 v11, v17  }
0xf2: {  	v17 =	vand.u32 $0x3F, v18;
	v18 =	vand.u32 $0xFFFFFF80, v19  }
0xf3: {  	v17 =	vor.u32 v17, v18;
	_ =	sdelay $0x4  }
.Ltmp5:
0xf4: {  	[tilespmem:v17+s9+$0x0] =	vst.idx.msk vm1, v15;
	(pc) =	sbr.rel @p0 .LBB2_6-.Ltmp5, $4  }
0xf5: {  	[tilespmem:v17+s11+$0x0] =	vst.idx.msk vm1, v16  }
0xf6: {  	s28 =	sshra.s32 s25, $0x2;
	[tilespmem:v17+s15+$0x0] =	vst.idx.msk vm1, v14  }
0xf7: {  	v14 =	vld [tilespmem:s28+$0x380]  }
0xf8: {  	s25 =	sadd.s32 $0x40, s25;
	v15 =	vld [tilespmem:s28+$0x0]  }
0xf9: {  	_ =	sdelay $0x2  }
0xfa: {  	vm1 =	vge.s32 v14, v12;
	vm2 =	vlt.s32 v14, v13  }
0xfb: {  	vm1 =	vmand vm1, vm2  }
0xfc: {  	v16 =	vsel vm1, $0x1, v1  }
0xfd: {  	(xrf0) =	vadd.scan.msk.s32 $0xffff, v16;
	_ =	sdelay $0x5  }
0xfe: {  	v16, _, _ =	vpop (xrf0)  }
0xff: {  	v17 =	vadd.s32 v16, v11  }
0x100: {  	v17 =	vadd.s32 $0xFFFFFFFF, v17  }
0x101: {  	v18 =	vshll.u32 v17, $0x1  }
0x102: {  	v17 =	vand.u32 $0x3F, v17;
	v18 =	vand.u32 $0xFFFFFF80, v18  }
0x103: {  	v17 =	vor.u32 v17, v18  }
0x104: {  	s0 =	sadd.s32 $0x1, s0  }
0x105: {  	p0 =	sne.s32 s0, $0x8  }
.Ltmp6:
0x106: {  	_ = 	snop;
	(pc) =	sbr.rel @p0 .LBB2_5-.Ltmp6, $4  }
0x107: {  	_ = 	snop  }
0x108: {  	v63 =	vsub.s32 v14, v12;
	v16 =	vperm.xlane v16, v2;
	[tilespmem:v17+s9+$0x0] =	vst.idx.msk vm1, v15  }
0x109: {  	[tilespmem:v17+s11+$0x0] =	vst.idx.msk vm1, v63  }
0x10a: {  	v11 =	vadd.s32 v11, v16;
	[tilespmem:v17+s15+$0x0] =	vst.idx.msk vm1, v14  }
0x10b: {  	v12 =	vadd.s32 v3, v11  }
0x10c: {  	v13 =	vshll.u32 v12, $0x1  }
0x10d: {  	v12 =	vand.u32 $0x3F, v12;
	v13 =	vand.u32 $0xFFFFFF80, v13  }
0x10e: {  	v60 =	vadd.s32 v5, v11;
	v12 =	vor.u32 v12, v13  }
0x10f: {  	v14 =	vshll.u32 v60, $0x1  }
0x110: {  	v14 =	vand.u32 $0xFFFFFF80, v14;
	v13 =	vand.u32 $0x3F, v60  }
0x111: {  	v61 =	vadd.s32 v6, v11;
	v13 =	vor.u32 v13, v14  }
0x112: {  	v15 =	vshll.u32 v61, $0x1  }
0x113: {  	v15 =	vand.u32 $0xFFFFFF80, v15;
	v14 =	vand.u32 $0x3F, v61;
	[tilespmem:v12+s9+$0x0] =	vst.idx.msk $0xffff, v1  }
0x114: {  	v62 =	vadd.s32 v7, v11;
	v14 =	vor.u32 v14, v15;
	[tilespmem:v12+s11+$0x0] =	vst.idx.msk $0xffff, v4  }
0x115: {  	v63 =	vshll.u32 v62, $0x1;
	[tilespmem:v12+s15+$0x0] =	vst.idx.msk $0xffff, v1  }
0x116: {  	v15 =	vand.u32 $0x3F, v62;
	v12 =	vand.u32 $0xFFFFFF80, v63;
	[tilespmem:v13+s9+$0x0] =	vst.idx.msk $0xffff, v1  }
0x117: {  	v12 =	vor.u32 v15, v12;
	[tilespmem:v13+s11+$0x0] =	vst.idx.msk $0xffff, v4  }
0x118: {  	[tilespmem:v13+s15+$0x0] =	vst.idx.msk $0xffff, v1  }
0x119: {  	[tilespmem:v14+s9+$0x0] =	vst.idx.msk $0xffff, v1  }
.Ltmp7:
0x11a: {  	[tilespmem:v14+s11+$0x0] =	vst.idx.msk $0xffff, v4;
	(pc) =	sbr.rel .LBB2_9-.Ltmp7, $4  }
0x11b: {  	s0 =	srdreg.scid;
	[tilespmem:v14+s15+$0x0] =	vst.idx.msk $0xffff, v1  }
0x11c: {  	s0 =	sadd.s32 s0, s16;
	[tilespmem:v12+s9+$0x0] =	vst.idx.msk $0xffff, v1  }
0x11d: {  	s0 =	sand.u32 $0x1, s0;
	[tilespmem:v12+s11+$0x0] =	vst.idx.msk $0xffff, v4  }
0x11e: {  	s28 =	simm.s32 $0x0;
	p0 =	seq.s32 s0, $0x1;
	[tilespmem:v12+s15+$0x0] =	vst.idx.msk $0xffff, v1  }
.LBB2_11:
0x11f: {  	s25 =	sadd.s32 $0x700, s29;
	s0 =	simm.s32 $0xA300  }
0x120: {  	[tilespmem:s0], [sflag:$0x1] =	stream.indirect.gather [hbm4b:s6+s14], $0x80, s25, s14, $0xb8;
	[tilespmem:$0x1FF40] =	vst v63  }
0x121: {  	_ =	swait.ge [sflag:s10], $0x2000  }
0x122: {  	[sflag:s10] =	ssyncset.done $0x0  }
0x123: {  	[sflag:s10] =	ssyncadd.s32 $0xFFFFE000  }
.LBB2_15:
0x124: {  	s17 =	sadd.s32 $0x3B00, s29  }
0x125: {  	[spmem:s1] =	stream.indirect.scatter.add.f32 [tilespmem:s0], [sflag:$0x1], $0x80, s17, s14, $0xb8;
	[tilespmem:$0x1FF40] =	vst v63  }
0x126: {  	_ =	swait.ge [sflag:s10], $0x2000  }
0x127: {  	[sflag:s10] =	ssyncset.done $0x0  }
0x128: {  	[sflag:s10] =	ssyncadd.s32 $0xFFFFE000  }
.LBB2_16:
0x129: {  	s28 =	sadd.s32 $0x1, s28  }
0x12a: {  	p1 =	sne.s32 s28, $0x64  }
.Ltmp8:
0x12b: {  	_ = 	snop;
	(pc) =	sbr.rel @!p1 .LBB2_17-.Ltmp8, $1  }
0x12c: {  	_ =	sdelay $0x3  }
.LBB2_9:
0x12d: {  	s0 =	sshll.u32 s28, $0x6  }
0x12e: {  	vm1 =	vgt.s32 v11, s0  }
0x12f: {  	v12 =	vsel vm1, $0x3F800000, v0  }
0x130: {  	(xrf0) =	vmax.scan.msk.f32 $0xffff, v12;
	_ =	sdelay $0x5  }
0x131: {  	v12, _, _ =	vpop (xrf0)  }
0x132: {  	(v2sf) =	vpush v12, $0xF;
	_ =	sdelay $0xe  }
0x133: {  	s31 =	spop (v2sf)  }
0x134: {  	p1 =	sgt.f32 s31, $0.0e+00  }
.Ltmp9:
0x135: {  	_ = 	snop;
	(pc) =	sbr.rel @!p1 .LBB2_16-.Ltmp9, $1  }
0x136: {  	_ =	sdelay $0x3  }
.Ltmp10:
0x137: {  	(pc) =	sbr.rel @!p0 .LBB2_11-.Ltmp10, $2  }
0x138: {  	_ =	sdelay $0x2  }
0x139: {  	s29 =	sshll.u32 s28, $0x7  }
0x13a: {  	v12 =	vld [tilespmem:s29+$0x700];
	_ =	sdelay $0x4  }
0x13b: {  	v13 =	vshll.u32 v12, $0x1  }
0x13c: {  	v12 =	vand.u32 $0x7, v12;
	v13 =	vand.u32 $0xFFFFFFF0, v13  }
0x13d: {  	v12 =	vor.u32 v12, v13  }
0x13e: {  	v13 =	vperm.xlane v12, v8;
	_ =	sdelay $0x1  }
0x13f: {  	v12 =	vperm.xlane v12, v10;
	v13 =	vadd.s32 v9, v13;
	_ =	sdelay $0x1  }
0x140: {  	v12 =	vadd.s32 v9, v12;
	_ =	sdelay $0x1  }
0x141: {  	s30 =	simm.s32 $0x0  }
0x142: {  	[tilespmem:s18], [sflag:$0x1] =	stream.indirect_vreg.gather [hbm4b:s4+s30], $0x80, v13, vm0, $0xb8;
	[tilespmem:$0x1FF40] =	vst v63  }
0x143: {  	_ = 	snop  }
0x144: {  	[tilespmem:s19], [sflag:$0x1] =	stream.indirect_vreg.gather [hbm4b:s4+s30], $0x80, v12, vm0, $0xb8;
	[tilespmem:$0x1FF40] =	vst v63  }
0x145: {  	v12 =	vld [tilespmem:s29+$0x710];
	_ =	sdelay $0x4  }
0x146: {  	v61 =	vshll.u32 v12, $0x1  }
0x147: {  	v12 =	vand.u32 $0x7, v12;
	v13 =	vand.u32 $0xFFFFFFF0, v61  }
0x148: {  	v12 =	vor.u32 v12, v13  }
0x149: {  	v13 =	vperm.xlane v12, v8;
	_ =	sdelay $0x1  }
0x14a: {  	v12 =	vperm.xlane v12, v10;
	v13 =	vadd.s32 v9, v13;
	_ =	sdelay $0x1  }
0x14b: {  	v12 =	vadd.s32 v9, v12;
	_ =	sdelay $0x2  }
0x14c: {  	[tilespmem:s20], [sflag:$0x1] =	stream.indirect_vreg.gather [hbm4b:s4+s30], $0x80, v13, vm0, $0xb8;
	[tilespmem:$0x1FF40] =	vst v63  }
0x14d: {  	_ = 	snop  }
0x14e: {  	[tilespmem:s21], [sflag:$0x1] =	stream.indirect_vreg.gather [hbm4b:s4+s30], $0x80, v12, vm0, $0xb8;
	[tilespmem:$0x1FF40] =	vst v63  }
0x14f: {  	v12 =	vld [tilespmem:s29+$0x720];
	_ =	sdelay $0x4  }
0x150: {  	v62 =	vshll.u32 v12, $0x1  }
0x151: {  	v12 =	vand.u32 $0x7, v12;
	v13 =	vand.u32 $0xFFFFFFF0, v62  }
0x152: {  	v12 =	vor.u32 v12, v13  }
0x153: {  	v13 =	vperm.xlane v12, v8;
	_ =	sdelay $0x1  }
0x154: {  	v12 =	vperm.xlane v12, v10;
	v13 =	vadd.s32 v9, v13;
	_ =	sdelay $0x1  }
0x155: {  	v12 =	vadd.s32 v9, v12;
	_ =	sdelay $0x2  }
0x156: {  	[tilespmem:s22], [sflag:$0x1] =	stream.indirect_vreg.gather [hbm4b:s4+s30], $0x80, v13, vm0, $0xb8;
	[tilespmem:$0x1FF40] =	vst v63  }
0x157: {  	s0 =	simm.s32 $0xEB00  }
0x158: {  	[tilespmem:s0], [sflag:$0x1] =	stream.indirect_vreg.gather [hbm4b:s4+s30], $0x80, v12, vm0, $0xb8;
	[tilespmem:$0x1FF40] =	vst v63  }
0x159: {  	v12 =	vld [tilespmem:s29+$0x730];
	_ =	sdelay $0x4  }
0x15a: {  	v63 =	vshll.u32 v12, $0x1  }
0x15b: {  	v12 =	vand.u32 $0x7, v12;
	v13 =	vand.u32 $0xFFFFFFF0, v63  }
0x15c: {  	v12 =	vor.u32 v12, v13  }
0x15d: {  	v13 =	vperm.xlane v12, v8;
	_ =	sdelay $0x1  }
0x15e: {  	v12 =	vperm.xlane v12, v10;
	v13 =	vadd.s32 v9, v13;
	_ =	sdelay $0x1  }
0x15f: {  	v12 =	vadd.s32 v9, v12;
	_ =	sdelay $0x2  }
0x160: {  	[tilespmem:s23], [sflag:$0x1] =	stream.indirect_vreg.gather [hbm4b:s4+s30], $0x80, v13, vm0, $0xb8;
	[tilespmem:$0x1FF40] =	vst v63  }
0x161: {  	_ = 	snop  }
0x162: {  	[tilespmem:s24], [sflag:$0x1] =	stream.indirect_vreg.gather [hbm4b:s4+s30], $0x80, v12, vm0, $0xb8;
	[tilespmem:$0x1FF40] =	vst v63  }
0x163: {  	s25 =	sadd.s32 $0x6F00, s29  }
0x164: {  	[tilespmem:s13], [sflag:$0x1] =	stream.indirect.gather [hbm4b:s5+s14], $0x80, s25, s14, $0xb8;
	[tilespmem:$0x1FF40] =	vst v63  }
0x165: {  	_ =	swait.ge [sflag:s10], $0x4000  }
0x166: {  	[sflag:s10] =	ssyncset.done $0x0  }
0x167: {  	[sflag:s10] =	ssyncadd.s32 $0xFFFFC000  }
0x168: {  	_ =	swait.ge [sflag:s10], $0x2000  }
0x169: {  	[sflag:s10] =	ssyncset.done $0x0  }
0x16a: {  	s31 =	simm.s32 $0x10340;
	s0 =	simm.s32 $0x0;
	[sflag:s10] =	ssyncadd.s32 $0xFFFFE000  }
.LBB2_13:
0x16b: {  	s25 =	sand.u32 $0x3800, s0;
	s17 =	sand.u32 $0x380, s30  }
0x16c: {  	v13 =	vld [tilespmem:s31+$0xFFFFFFC0];
	s25 =	sor.u32 s17, s25  }
0x16d: {  	v12 =	vld [tilespmem:s25+$0xC300];
	_ =	sdelay $0x4  }
0x16e: {  	v12 =	vadd.f32 v13, v12;
	_ =	sdelay $0x1  }
0x16f: {  	v12 =	vsub.f32 $0.0e+00, v12;
	_ =	sdelay $0x1  }
0x170: {  	v12 =	vmul.f32 $1.442695020e+00, v12;
	_ =	sdelay $0x1  }
0x171: {  	(erf) = vpow2.f32 v12;
	_ =	sdelay $0x8  }
0x172: {  	v12 =	vpop (erf)  }
0x173: {  	v12 =	vadd.f32 $1.000000000e+00, v12;
	_ =	sdelay $0x1  }
0x174: {  	(erf) = vrcp.f32 v12;
	_ =	sdelay $0x4  }
0x175: {  	v41 =	vld [tilespmem:s25+$0xC700];
	_ =	sdelay $0x3  }
0x176: {  	v42 =	vpop (erf)  }
0x177: {  	v12 =	vmul.f32 v42, v41;
	_ =	sdelay $0x1  }
0x178: {  	v43 =	vld [tilespmem:s31+$0xFFFFFFD0];
	[tilespmem:s31+$0xFFFFFFC0] =	vst v12  }
0x179: {  	v12 =	vld [tilespmem:s25+$0xC310];
	_ =	sdelay $0x4  }
0x17a: {  	v12 =	vadd.f32 v43, v12;
	_ =	sdelay $0x1  }
0x17b: {  	v12 =	vsub.f32 $0.0e+00, v12;
	_ =	sdelay $0x1  }
0x17c: {  	v12 =	vmul.f32 $1.442695020e+00, v12;
	_ =	sdelay $0x1  }
0x17d: {  	(erf) = vpow2.f32 v12;
	_ =	sdelay $0x8  }
0x17e: {  	v12 =	vpop (erf)  }
0x17f: {  	v12 =	vadd.f32 $1.000000000e+00, v12;
	_ =	sdelay $0x1  }
0x180: {  	(erf) = vrcp.f32 v12;
	_ =	sdelay $0x4  }
0x181: {  	v44 =	vld [tilespmem:s25+$0xC710];
	_ =	sdelay $0x3  }
0x182: {  	v45 =	vpop (erf)  }
0x183: {  	v12 =	vmul.f32 v45, v44;
	_ =	sdelay $0x1  }
0x184: {  	v46 =	vld [tilespmem:s31+$0xFFFFFFE0];
	[tilespmem:s31+$0xFFFFFFD0] =	vst v12  }
0x185: {  	v12 =	vld [tilespmem:s25+$0xC320];
	_ =	sdelay $0x4  }
0x186: {  	v12 =	vadd.f32 v46, v12;
	_ =	sdelay $0x1  }
0x187: {  	v12 =	vsub.f32 $0.0e+00, v12;
	_ =	sdelay $0x1  }
0x188: {  	v12 =	vmul.f32 $1.442695020e+00, v12;
	_ =	sdelay $0x1  }
0x189: {  	(erf) = vpow2.f32 v12;
	_ =	sdelay $0x8  }
0x18a: {  	v12 =	vpop (erf)  }
0x18b: {  	v12 =	vadd.f32 $1.000000000e+00, v12;
	_ =	sdelay $0x1  }
0x18c: {  	(erf) = vrcp.f32 v12;
	_ =	sdelay $0x4  }
0x18d: {  	v47 =	vld [tilespmem:s25+$0xC720];
	_ =	sdelay $0x3  }
0x18e: {  	v48 =	vpop (erf)  }
0x18f: {  	v12 =	vmul.f32 v48, v47;
	_ =	sdelay $0x1  }
0x190: {  	v49 =	vld [tilespmem:s31+$0xFFFFFFF0];
	[tilespmem:s31+$0xFFFFFFE0] =	vst v12  }
0x191: {  	v12 =	vld [tilespmem:s25+$0xC330];
	_ =	sdelay $0x4  }
0x192: {  	v12 =	vadd.f32 v49, v12;
	_ =	sdelay $0x1  }
0x193: {  	v12 =	vsub.f32 $0.0e+00, v12;
	_ =	sdelay $0x1  }
0x194: {  	v12 =	vmul.f32 $1.442695020e+00, v12;
	_ =	sdelay $0x1  }
0x195: {  	(erf) = vpow2.f32 v12;
	_ =	sdelay $0x8  }
0x196: {  	v12 =	vpop (erf)  }
0x197: {  	v12 =	vadd.f32 $1.000000000e+00, v12;
	_ =	sdelay $0x1  }
0x198: {  	(erf) = vrcp.f32 v12;
	_ =	sdelay $0x4  }
0x199: {  	v50 =	vld [tilespmem:s25+$0xC730];
	_ =	sdelay $0x3  }
0x19a: {  	v51 =	vpop (erf)  }
0x19b: {  	v12 =	vmul.f32 v51, v50;
	_ =	sdelay $0x1  }
0x19c: {  	v52 =	vld [tilespmem:s31+$0x0];
	[tilespmem:s31+$0xFFFFFFF0] =	vst v12  }
0x19d: {  	v12 =	vld [tilespmem:s25+$0xC340];
	_ =	sdelay $0x4  }
0x19e: {  	v12 =	vadd.f32 v52, v12;
	_ =	sdelay $0x1  }
0x19f: {  	v12 =	vsub.f32 $0.0e+00, v12;
	_ =	sdelay $0x1  }
0x1a0: {  	v12 =	vmul.f32 $1.442695020e+00, v12;
	_ =	sdelay $0x1  }
0x1a1: {  	(erf) = vpow2.f32 v12;
	_ =	sdelay $0x8  }
0x1a2: {  	v12 =	vpop (erf)  }
0x1a3: {  	v12 =	vadd.f32 $1.000000000e+00, v12;
	_ =	sdelay $0x1  }
0x1a4: {  	(erf) = vrcp.f32 v12;
	_ =	sdelay $0x4  }
0x1a5: {  	v53 =	vld [tilespmem:s25+$0xC740];
	_ =	sdelay $0x3  }
0x1a6: {  	v54 =	vpop (erf)  }
0x1a7: {  	v12 =	vmul.f32 v54, v53;
	_ =	sdelay $0x1  }
0x1a8: {  	v55 =	vld [tilespmem:s31+$0x10];
	[tilespmem:s31+$0x0] =	vst v12  }
0x1a9: {  	v12 =	vld [tilespmem:s25+$0xC350];
	_ =	sdelay $0x4  }
0x1aa: {  	v12 =	vadd.f32 v55, v12;
	_ =	sdelay $0x1  }
0x1ab: {  	v12 =	vsub.f32 $0.0e+00, v12;
	_ =	sdelay $0x1  }
0x1ac: {  	v12 =	vmul.f32 $1.442695020e+00, v12;
	_ =	sdelay $0x1  }
0x1ad: {  	(erf) = vpow2.f32 v12;
	_ =	sdelay $0x8  }
0x1ae: {  	v12 =	vpop (erf)  }
0x1af: {  	v12 =	vadd.f32 $1.000000000e+00, v12;
	_ =	sdelay $0x1  }
0x1b0: {  	(erf) = vrcp.f32 v12;
	_ =	sdelay $0x4  }
0x1b1: {  	v56 =	vld [tilespmem:s25+$0xC750];
	_ =	sdelay $0x3  }
0x1b2: {  	v57 =	vpop (erf)  }
0x1b3: {  	v12 =	vmul.f32 v57, v56;
	_ =	sdelay $0x1  }
0x1b4: {  	v58 =	vld [tilespmem:s31+$0x20];
	[tilespmem:s31+$0x10] =	vst v12  }
0x1b5: {  	v12 =	vld [tilespmem:s25+$0xC360];
	_ =	sdelay $0x4  }
0x1b6: {  	v12 =	vadd.f32 v58, v12;
	_ =	sdelay $0x1  }
0x1b7: {  	v12 =	vsub.f32 $0.0e+00, v12;
	_ =	sdelay $0x1  }
0x1b8: {  	v12 =	vmul.f32 $1.442695020e+00, v12;
	_ =	sdelay $0x1  }
0x1b9: {  	(erf) = vpow2.f32 v12;
	_ =	sdelay $0x8  }
0x1ba: {  	v12 =	vpop (erf)  }
0x1bb: {  	v12 =	vadd.f32 $1.000000000e+00, v12;
	_ =	sdelay $0x1  }
0x1bc: {  	(erf) = vrcp.f32 v12;
	_ =	sdelay $0x4  }
0x1bd: {  	v59 =	vld [tilespmem:s25+$0xC760];
	_ =	sdelay $0x3  }
0x1be: {  	v60 =	vpop (erf)  }
0x1bf: {  	v12 =	vmul.f32 v60, v59;
	_ =	sdelay $0x1  }
0x1c0: {  	v61 =	vld [tilespmem:s31+$0x30];
	[tilespmem:s31+$0x20] =	vst v12  }
0x1c1: {  	v12 =	vld [tilespmem:s25+$0xC370];
	_ =	sdelay $0x4  }
0x1c2: {  	v12 =	vadd.f32 v61, v12;
	_ =	sdelay $0x1  }
0x1c3: {  	v12 =	vsub.f32 $0.0e+00, v12;
	_ =	sdelay $0x1  }
0x1c4: {  	v12 =	vmul.f32 $1.442695020e+00, v12;
	_ =	sdelay $0x1  }
0x1c5: {  	(erf) = vpow2.f32 v12;
	_ =	sdelay $0x8  }
0x1c6: {  	v12 =	vpop (erf)  }
0x1c7: {  	v12 =	vadd.f32 $1.000000000e+00, v12;
	_ =	sdelay $0x1  }
0x1c8: {  	(erf) = vrcp.f32 v12;
	_ =	sdelay $0x4  }
0x1c9: {  	v62 =	vld [tilespmem:s25+$0xC770];
	_ =	sdelay $0x1  }
0x1ca: {  	p1 =	sne.s32 s0, $0x3F00  }
.Ltmp11:
0x1cb: {  	_ = 	snop;
	(pc) =	sbr.rel @p1 .LBB2_13-.Ltmp11, $3  }
0x1cc: {  	v63 =	vpop (erf)  }
0x1cd: {  	v12 =	vmul.f32 v63, v62;
	_ =	sdelay $0x1  }
0x1ce: {  	s30 =	sadd.s32 $0x80, s30;
	s0 =	sadd.s32 $0x100, s0;
	[tilespmem:s31+$0x30] =	vst v12;
	s31 =	sadd.s32 $0x80, s31  }
.Ltmp12:
0x1cf: {  	(pc) =	sbr.rel .LBB2_15-.Ltmp12, $2  }
0x1d0: {  	_ =	sdelay $0x2  }
0x1d1: {  	s0 =	simm.s32 $0x10300  }
.LBB2_19:
0x1d2: {  	_ =	sfence.sel $0x180000  }
0x1d3: {  	[bflag:$0x0] =	sbarrier.arrive $0xFFFF  }
0x1d4: {  	_ =	strace $0x9000004D  }
0x1d5: {  	s0 =	stileid.u32;
	[bflag:$0x2] =	sbarrier.arrive $0xFFFF  }
0x1d6: {  	p0 =	sne.s32 s0, $0x0;
	s0 =	rddreg [dreg:$0x2]  }
0x1d7: {  	s0 =	sadd.s32 @!p0 $0x100000, s0  }
0x1d8: {  	[sflag:s0] =	ssyncadd.tile.s32 @!p0 $0x1;
	_ =	shalt  }
.Lfunc_end2:
_tile_overlayer_lowered:
.L_overlay_start_2:
0x1d9: {  	(tag) =	ssettag $0x2  }
0x1da: {  	s0 =	rddreg [dreg:$0x0];
	s2 =	stileid.u32  }
0x1db: {  	s1 =	rddreg [dreg:$0x1];
	p0 =	sne.s32 s2, $0x0  }
0x1dc: {  	s3 =	rddreg [dreg:$0x2];
	[bflag:$0x3] =	sbarrier.arrive $0xFFFF;
	s2 =	simm.s32 @!p0 $0x1C02  }
0x1dd: {  	[timem:s3], [sflag:s2] =	dma.local @!p0 [hbm:s0], s1  }
0x1de: {  	s0 =	simm.s32 @!p0 $0x2  }
0x1df: {  	_ =	swait.ge @!p0 [sflag:s0], s1  }
0x1e0: {  	s1 =	ssub.s32 @!p0 $0x0, s1;
	[sflag:s0] =	ssyncset.done @!p0 $0x0  }
0x1e1: {  	[sflag:s0] =	ssyncadd.s32 @!p0 s1  }
0x1e2: {  	[bflag:$0x3] =	sbarrier.arrive $0xFFFF  }
0x1e3: {  	_ =	shalt  }

// kernel: kernel.8.cloned.1.call-start
scs
__scs_entry_jumppad:
0x0: {  	(pc) =	sbr.rel $0x88, $3  }
0x1: {  	(tag) =	ssettag $0x0;
	lr =	simm.s32 $0x1  }
0x2: {  	[smem:$0x3F94] =	sst lr;
	_ =	strace $0xD0000000  }
0x3: {  	_ = 	snop  }
0x4: {  	_ = 	snop  }
0x5: {  	_ = 	snop  }
0x6: {  	_ = 	snop  }
0x7: {  	_ = 	snop  }
__scs_overlays_trampoline_lowered:
0x8: {  	[smem:$0x3FA3] =	sst s0  }
0x9: {  	[smem:$0x3FA4] =	sst s1  }
0xa: {  	[smem:$0x3FA5] =	sst s2  }
0xb: {  	[smem:$0x3FA6] =	sst s3  }
0xc: {  	[smem:$0x3FA7] =	sst s4  }
0xd: {  	[smem:$0x3FA8] =	sst s5  }
0xe: {  	[smem:$0x3FA9] =	sst s6  }
0xf: {  	[smem:$0x3FAA] =	sst s7  }
0x10: {  	[smem:$0x3FAB] =	sst s8  }
0x11: {  	[smem:$0x3FAC] =	sst s9;
	s0 =	simm.s32 @!p0 $0x0  }
0x12: {  	s1 =	sld [smem:$0x3F92];
	s0 =	simm.s32 @p0 $0x1  }
0x13: {  	[smem:$0x3FAD] =	sst s0;
	s0 =	simm.s32 @!p1 $0x0  }
0x14: {  	s2 =	sld [smem:$0x3F91];
	s0 =	simm.s32 @p1 $0x1  }
0x15: {  	[smem:$0x3FAE] =	sst s0;
	s0 =	simm.s32 @!p2 $0x0  }
0x16: {  	s3 =	sld [smem:$0x3FDB];
	s0 =	simm.s32 @p2 $0x1  }
0x17: {  	s4 =	simm.s32 $0x1BF5;
	[smem:$0x3FB0] =	sst s0  }
0x18: {  	s0 =	sld [smem:$0x3F93];
	_ =	swait.ge [sflag:s4], $0x0  }
0x19: {  	s7 =	sld [smem:$0x3F94]  }
0x1a: {  	s8 =	sadd.s32 $0xFFFFE003, lr  }
0x1b: {  	s9 =	sadd.s32 $0xFFFFFEF7, lr;
	s5 =	simm.s32 $0xFFFFFFFF;
	p2 =	slt.u32 s8, $0xFFFFF086  }
0x1c: {  	p1 =	slt.u32 s9, $0xF7A;
	s5 =	simm.s32 @!p2 $0x0  }
0x1d: {  	s5 =	simm.s32 @p1 $0x1;
	p0 =	seq.s32 s7, s2  }
0x1e: {  	s7 =	smul.u32 @!p0 $0xF7A, s2;
	p2 =	seq.s32 @!p0 s5, $0x0  }
0x1f: {  	s9 =	smul.u32 $0xF7A, s1;
	s8 =	simm.s32 @!p0 $0x1BF5;
	p2 =	por !p2, p0  }
0x20: {  	[sflag:s8] =	ssyncset.s32 @!p0 $0xFFFFF086;
	s6 =	sadd.s32 @!p0 s3, s7;
	s7 =	simm.s32 @!p0 $0x108  }
0x21: {  	s3 =	sadd.s32 s3, s9;
	s6 =	sadd.s32 @!p0 $0x88, s6;
	s7 =	simm.s32 @p2 $0x1082  }
0x22: {  	[simem:s7], [sflag:s8] =	dma.local @!p0 [hbm:s6], $0xF7A  }
0x23: {  	s9 =	sor.u32 $0xD0000000, s2;
	s6 =	simm.s32 $0x108;
	_ =	swait.ge @!p0 [sflag:s8], $0x0  }
0x24: {  	s3 =	sadd.s32 $0x88, s3;
	s6 =	simm.s32 @!p1 $0x1082;
	[sflag:s4] =	ssyncset.s32 $0xFFFFF086  }
0x25: {  	[simem:s6], [sflag:s4] =	dma.local [hbm:s3], $0xF7A  }
0x26: {  	[smem:$0x3F94] =	sst s1;
	(tag) =	ssettag s2;
	_ =	strace s9  }
0x27: {  	s1 =	sld [smem:$0x3FA4]  }
0x28: {  	s2 =	sld [smem:$0x3FA5]  }
0x29: {  	s4 =	sld [smem:$0x3FA7]  }
0x2a: {  	p0 =	seq.s32 s5, $0x0;
	s5 =	sld [smem:$0x3FA8]  }
0x2b: {  	s6 =	sld [smem:$0x3FA9]  }
0x2c: {  	s7 =	sld [smem:$0x3FAA]  }
0x2d: {  	s3 =	simm.s32 $0x108;
	s8 =	sld [smem:$0x3FAB]  }
0x2e: {  	s3 =	simm.s32 @!p0 $0x1082;
	s9 =	sld [smem:$0x3FAC]  }
0x2f: {  	lr =	sadd.s32 s0, s3;
	s0 =	sld [smem:$0x3FA3]  }
0x30: {  	s3 =	sld [smem:$0x3FA6]  }
0x31: {  	[smem:$0x3FAF] =	sst s10  }
0x32: {  	s10 =	sld [smem:$0x3FAD];
	_ =	sdelay $0x3  }
0x33: {  	p0 =	seq.s32 s10, $0x1;
	s10 =	sld [smem:$0x3FAF];
	_ =	sdelay $0x3  }
0x34: {  	[smem:$0x3FAF] =	sst s10  }
0x35: {  	s10 =	sld [smem:$0x3FAE];
	_ =	sdelay $0x3  }
0x36: {  	p1 =	seq.s32 s10, $0x1;
	s10 =	sld [smem:$0x3FAF];
	_ =	sdelay $0x3  }
0x37: {  	[smem:$0x3FAF] =	sst s10  }
0x38: {  	s10 =	sld [smem:$0x3FB0]  }
0x39: {  	_ = 	snop;
	(pc) =	sbr.ind lr, $3  }
0x3a: {  	_ = 	snop  }
0x3b: {  	_ = 	snop  }
0x3c: {  	p2 =	seq.s32 s10, $0x1;
	s10 =	sld [smem:$0x3FAF]  }
0x3d: {  	_ =	shalt  }
0x3e: {  	_ =	shalt  }
0x3f: {  	_ =	shalt  }
0x40: {  	_ =	shalt  }
0x41: {  	_ =	shalt  }
0x42: {  	_ =	shalt  }
0x43: {  	_ =	shalt  }
0x44: {  	_ =	shalt  }
0x45: {  	_ =	shalt  }
0x46: {  	_ =	shalt  }
0x47: {  	_ =	shalt  }
0x48: {  	_ =	shalt  }
0x49: {  	_ =	shalt  }
0x4a: {  	_ =	shalt  }
0x4b: {  	_ =	shalt  }
0x4c: {  	_ =	shalt  }
0x4d: {  	_ =	shalt  }
0x4e: {  	_ =	shalt  }
0x4f: {  	_ =	shalt  }
0x50: {  	_ =	shalt  }
0x51: {  	_ =	shalt  }
0x52: {  	_ =	shalt  }
0x53: {  	_ =	shalt  }
0x54: {  	_ =	shalt  }
0x55: {  	_ =	shalt  }
0x56: {  	_ =	shalt  }
0x57: {  	_ =	shalt  }
0x58: {  	_ =	shalt  }
0x59: {  	_ =	shalt  }
0x5a: {  	_ =	shalt  }
0x5b: {  	_ =	shalt  }
0x5c: {  	_ =	shalt  }
0x5d: {  	_ =	shalt  }
0x5e: {  	_ =	shalt  }
0x5f: {  	_ =	shalt  }
0x60: {  	_ =	shalt  }
0x61: {  	_ =	shalt  }
0x62: {  	_ =	shalt  }
0x63: {  	_ =	shalt  }
0x64: {  	_ =	shalt  }
0x65: {  	_ =	shalt  }
0x66: {  	_ =	shalt  }
0x67: {  	_ =	shalt  }
0x68: {  	_ =	shalt  }
0x69: {  	_ =	shalt  }
0x6a: {  	_ =	shalt  }
0x6b: {  	_ =	shalt  }
0x6c: {  	_ =	shalt  }
0x6d: {  	_ =	shalt  }
0x6e: {  	_ =	shalt  }
0x6f: {  	_ =	shalt  }
0x70: {  	_ =	shalt  }
0x71: {  	_ =	shalt  }
0x72: {  	_ =	shalt  }
0x73: {  	_ =	shalt  }
0x74: {  	_ =	shalt  }
0x75: {  	_ =	shalt  }
0x76: {  	_ =	shalt  }
0x77: {  	_ =	shalt  }
0x78: {  	_ =	shalt  }
0x79: {  	_ =	shalt  }
0x7a: {  	_ =	shalt  }
0x7b: {  	_ =	shalt  }
0x7c: {  	_ =	shalt  }
0x7d: {  	_ =	shalt  }
0x7e: {  	_ =	shalt  }
0x7f: {  	_ =	shalt  }
0x80: {  	_ =	shalt  }
0x81: {  	_ =	shalt  }
0x82: {  	_ =	shalt  }
0x83: {  	_ =	shalt  }
0x84: {  	_ =	shalt  }
0x85: {  	_ =	shalt  }
0x86: {  	_ =	shalt  }
0x87: {  	_ =	shalt  }
.Lfunc_end0:
.L_simem_size_0:
called_computation_lowered:
.L_overlay_start_0:
0x88: {  	s2 =	sld [smem:$0x3FD9]  }
0x89: {  	s3 =	sld [smem:$0x3FFE];
	_ =	sdelay $0x1  }
0x8a: {  	s1 =	srdreg.scid  }
0x8b: {  	s0 =	sand.u32 $0x1, s1  }
0x8c: {  	s17 =	sshll.u32 s0, $0xA;
	s2 =	sadd.s32 s3, s2  }
0x8d: {  	s2 =	sadd.s32 s2, s17  }
0x8e: {  	[smem:$0x3FBB] =	sst s2  }
0x8f: {  	_ = 	snop  }
0x90: {  	s2 =	sld [smem:$0x3FC6]  }
0x91: {  	s18 =	sld [smem:$0x3FD0];
	(tm) =	ssettm $0x1  }
0x92: {  	s4 =	sld [smem:$0x3FFB];
	_ =	sdelay $0x3  }
0x93: {  	_ =	strace s4  }
0x94: {  	s4 =	sld [smem:$0x3FFC];
	_ =	sdelay $0x3  }
0x95: {  	_ =	strace s4  }
0x96: {  	s4 =	sld [smem:$0x3FFD];
	_ =	sdelay $0x3  }
0x97: {  	_ =	strace s4  }
0x98: {  	_ =	strace $0x8FFFFFFF  }
0x99: {  	s19 =	sld [smem:$0x3FDB];
	_ =	sdelay $0x1  }
0x9a: {  	s5 =	simm.s32 $_scs_section_size  }
0x9b: {  	s6 =	simm.s32 $_size__tile_overlayer_lowered;
	s7 =	simm.s32 $_tile_overlayer_lowered  }
0x9c: {  	s22 =	simm.s32 $0x1BFF;
	s21 =	sshll.u32 s7, $0x1;
	s4 =	sadd.s32 s5, s19  }
0x9d: {  	s8 =	simm.s32 $0x0;
	s20 =	sshll.u32 s6, $0x1;
	s6 =	sadd.s32 s21, s4  }
0x9e: {  	[timem:s8], [sflag:s22] =	dma.local [hbm:s6], s20  }
0x9f: {  	_ =	swait.ge [sflag:s22], s20  }
0xa0: {  	s5 =	ssub.s32 $0x0, s20;
	[sflag:s22] =	ssyncset.done $0x0  }
0xa1: {  	[sflag:s22] =	ssyncadd.s32 s5;
	_ =	sdelay $0x1  }
0xa2: {  	s23 =	simm.s32 $0x1B8B  }
0xa3: {  	_ =	swait.ge [sflag:s23], $0x1  }
0xa4: {  	[sflag:s23] =	ssyncset.done $0x0  }
0xa5: {  	s25 =	simm.s32 $0x1B8E;
	s24 =	sld [smem:$0x3FFE];
	[sflag:s23] =	ssyncadd.s32 $0xFFFFFFFF  }
0xa6: {  	s26 =	simm.s32 $execute0_lowered;
	[smem:$0x3FD2] =	sst s25  }
0xa7: {  	s6 =	sshll.u32 s26, $0x1;
	_ =	strace $0x80000046;
	[dreg:$0x1] =	wrdreg $0xFFFFFFFF  }
0xa8: {  	s28 =	simm.s32 $_size_execute0_lowered;
	s4 =	sadd.s32 s4, s6;
	[dreg:$0x0] =	wrdreg $0x0  }
0xa9: {  	s6 =	sshll.u32 s28, $0x1;
	[dreg:$0x2] =	wrdreg s4  }
0xaa: {  	[dreg:$0x3] =	wrdreg s6  }
0xab: {  	[dreg:$0x4] =	wrdreg $0xC0  }
0xac: {  	_ =	task [dreg:s8], $0x5FFFF  }
0xad: {  	[dreg:$0x1] =	wrdreg $0xFFFFFFFF  }
0xae: {  	[dreg:$0x0] =	wrdreg $0x60  }
0xaf: {  	[dreg:$0x2] =	wrdreg s2  }
0xb0: {  	[dreg:$0x3] =	wrdreg s18  }
0xb1: {  	[dreg:$0x4] =	wrdreg s24  }
0xb2: {  	[dreg:$0x5] =	wrdreg $0x9  }
0xb3: {  	_ =	task.clear_ibuf [dreg:s8], $0x6FFFF;
	_ =	strace $0x90000046  }
0xb4: {  	s29 =	simm.s32 $0x9;
	_ =	strace $0x80000048  }
0xb5: {  	_ =	swait.ge [sflag:s29], $0x1  }
0xb6: {  	[sflag:s29] =	ssyncadd.s32 $0xFFFFFFFF  }
0xb7: {  	_ =	strace $0x90000048  }
0xb8: {  	_ =	sfence  }
0xb9: {  	s30 =	sld [smem:$0x0];
	_ =	sdelay $0x2  }
0xba: {  	s31 =	sshll.u32 s1, $0xD;
	s1 =	sshrl.u32 s1, $0x2  }
0xbb: {  	s3 =	sand.u32 $0x4000, s31;
	s1 =	sadd.s32 s1, s30  }
0xbc: {  	s0 =	sor.u32 s3, s0;
	s1 =	sshll.u32 s1, $0x11  }
0xbd: {  	s0 =	sor.u32 s1, s0  }
0xbe: {  	s0 =	sadd.s32 $0x8F2B, s0  }
0xbf: {  	[sflag:s0] =	ssyncadd.remote.s32 $0x1  }
0xc0: {  	_ =	sfence.sel $0xFFFF  }
0xc1: {  	[dreg:$0x0] =	wrdreg $0xFFFFFFFF;
	(pc) =	sbr.abs _section_cstart, $3  }
0xc2: {  	[dreg:$0x1] =	wrdreg $0xFFFFFFFF  }
0xc3: {  	_ =	task.clear_ibuf [dreg:s8], $0x2FFFF;
	_ =	strace $0x9FFFFFFF  }
0xc4: {  	(tm) =	ssettm $0x7FFFFFFF  }
0xc5: {  	_ =	shalt  }
tec
execute0_lowered:
.L_overlay_start_1:
0x0: {  	(tag) =	ssettag $0x1  }
0x1: {  	s2 =	rddreg [dreg:$0x0]  }
0x2: {  	s6 =	rddreg [dreg:$0x1]  }
0x3: {  	s4 =	rddreg [dreg:$0x2]  }
0x4: {  	s0 =	rddreg [dreg:$0x3];
	s1 =	stileid.u32  }
0x5: {  	s7 =	srdreg.scid;
	s5 =	smul.u32 $0x19000, s1  }
0x6: {  	s3 =	simm.s32 $0x0;
	s7 =	sand.u32 $0x1, s7;
	s8 =	smul.u32 $0x1900, s1  }
0x7: {  	[smem:$0x7FF] =	sst s3;
	s9 =	ssub.s32 $0x2, s7;
	s10 =	smul.u32 $0xC80, s7  }
0x8: {  	s7 =	smul.u32 $0xC800, s7;
	_ =	strace $0x80000047;
	s30 =	sshrl.u32 s9, $0x1  }
0x9: {  	s5 =	sadd.s32 s5, s4;
	s4 =	ssub.s32 s9, s30;
	s8 =	sadd.s32 s10, s8  }
0xa: {  	s5 =	sadd.s32 s7, s5;
	s7 =	simm.s32 $0x2;
	s9 =	simm.s32 $0x1  }
0xb: {  	s10 =	simm.s32 $0x0;
	s4 =	smax.u32 s4, $0x1;
	s31 =	sshrl.u32 s8, $0x3  }
0xc: {  	s5 =	sadd.s32 $0x2400, s5;
	s8 =	simm.s32 $0x80;
	s6 =	sadd.s32 s31, s6  }
.LBB2_1:
0xd: {  	s11 =	sadd.s32 $0x0, s6  }
0xe: {  	[tilespmem:s3], [sflag:$0x2] =	stream.linear.gather [hbm4b:s11+s3], $0x80, $0x38;
	[tilespmem:$0x4080] =	vst v63  }
0xf: {  	_ =	swait.ge [sflag:s7], $0x80  }
0x10: {  	[sflag:s7] =	ssyncset.done $0x0  }
0x11: {  	[sflag:s7] =	ssyncadd.s32 $0xFFFFFF80  }
0x12: {  	[tilespmem:s8], [sflag:$0x1] =	stream.indirect.gather [hbm4b:s2+s8], $0x80, s3, s8, $0xb8;
	[tilespmem:$0x4080] =	vst v63  }
0x13: {  	_ =	swait.ge [sflag:s9], $0x4000  }
0x14: {  	[sflag:s9] =	ssyncset.done $0x0  }
0x15: {  	[sflag:s9] =	ssyncadd.s32 $0xFFFFC000  }
0x16: {  	[hbm4b:s5+s3] =	stream.linear.scatter [tilespmem:s8], [sflag:$0x2], $0x4000, $0x38;
	[tilespmem:$0x4080] =	vst v63  }
0x17: {  	s12 =	simm.s32 $0x10;
	_ =	swait.ge [sflag:s7], $0x4000  }
0x18: {  	s13 =	simm.s32 $0x20;
	s11 =	sadd.s32 $0x800, s5;
	[sflag:s7] =	ssyncset.done $0x0  }
.LBB2_2:
0x19: {  	s14 =	sadd.s32 s12, s6  }
0x1a: {  	[sflag:s7] =	ssyncadd.s32 $0xFFFFC000;
	s12 =	smov.u32 s13;
	s15 =	sadd.s32 $0x10, s13  }
0x1b: {  	[tilespmem:s3], [sflag:$0x2] =	stream.linear.gather [hbm4b:s14+s3], $0x80, $0x38;
	[tilespmem:$0x4080] =	vst v63  }
0x1c: {  	p0 =	sne.s32 s13, $0x180;
	_ =	swait.ge [sflag:s7], $0x80  }
0x1d: {  	[sflag:s7] =	ssyncset.done $0x0  }
0x1e: {  	[sflag:s7] =	ssyncadd.s32 $0xFFFFFF80  }
0x1f: {  	[tilespmem:s8], [sflag:$0x1] =	stream.indirect.gather [hbm4b:s2+s8], $0x80, s3, s8, $0xb8;
	[tilespmem:$0x4080] =	vst v63  }
0x20: {  	_ =	swait.ge [sflag:s9], $0x4000  }
.Ltmp0:
0x21: {  	[sflag:s9] =	ssyncset.done $0x0;
	(pc) =	sbr.rel @p0 .LBB2_2-.Ltmp0, $4  }
0x22: {  	[sflag:s9] =	ssyncadd.s32 $0xFFFFC000  }
0x23: {  	[hbm4b:s11+s3] =	stream.linear.scatter [tilespmem:s8], [sflag:$0x2], $0x4000, $0x38;
	[tilespmem:$0x4080] =	vst v63  }
0x24: {  	_ =	swait.ge [sflag:s7], $0x4000  }
0x25: {  	s13 =	smov.u32 s15;
	s11 =	sadd.s32 $0x800, s11;
	[sflag:s7] =	ssyncset.done $0x0  }
0x26: {  	s12 =	sadd.s32 s12, s6;
	[sflag:s7] =	ssyncadd.s32 $0xFFFFC000  }
0x27: {  	[tilespmem:s3], [sflag:$0x2] =	stream.linear.gather [hbm4b:s12+s3], $0x80, $0x38;
	[tilespmem:$0x4080] =	vst v63  }
0x28: {  	_ =	swait.ge [sflag:s7], $0x80  }
0x29: {  	[sflag:s7] =	ssyncset.done $0x0  }
0x2a: {  	[sflag:s7] =	ssyncadd.s32 $0xFFFFFF80  }
0x2b: {  	[tilespmem:s8], [sflag:$0x1] =	stream.indirect.gather [hbm4b:s2+s8], $0x80, s3, s8, $0xb8;
	[tilespmem:$0x4080] =	vst v63  }
0x2c: {  	s10 =	sadd.s32 $0x1, s10;
	_ =	swait.ge [sflag:s9], $0x4000  }
0x2d: {  	p0 =	sne.s32 s10, s4;
	[sflag:s9] =	ssyncset.done $0x0  }
.Ltmp1:
0x2e: {  	[sflag:s9] =	ssyncadd.s32 $0xFFFFC000;
	(pc) =	sbr.rel @p0 .LBB2_1-.Ltmp1, $4  }
0x2f: {  	[hbm4b:s11+s3] =	stream.linear.scatter [tilespmem:s8], [sflag:$0x2], $0x4000, $0x38;
	[tilespmem:$0x4080] =	vst v63  }
0x30: {  	_ =	swait.ge [sflag:s7], $0x4000  }
0x31: {  	[sflag:s7] =	ssyncset.done $0x0  }
0x32: {  	[sflag:s7] =	ssyncadd.s32 $0xFFFFC000  }
0x33: {  	_ =	sfence.sel $0x180000  }
0x34: {  	[bflag:$0x0] =	sbarrier.arrive $0xFFFF  }
0x35: {  	p0 =	sne.s32 s1, $0x0;
	_ =	strace $0x90000047  }
0x36: {  	s0 =	sadd.s32 @!p0 $0x100000, s0;
	[bflag:$0x2] =	sbarrier.arrive $0xFFFF  }
0x37: {  	[sflag:s0] =	ssyncadd.tile.s32 @!p0 $0x1;
	_ =	shalt  }
.Lfunc_end2:
_tile_overlayer_lowered:
.L_overlay_start_2:
0x38: {  	(tag) =	ssettag $0x2  }
0x39: {  	s0 =	rddreg [dreg:$0x0];
	s2 =	stileid.u32  }
0x3a: {  	s1 =	rddreg [dreg:$0x1];
	p0 =	sne.s32 s2, $0x0  }
0x3b: {  	s3 =	rddreg [dreg:$0x2];
	[bflag:$0x3] =	sbarrier.arrive $0xFFFF;
	s2 =	simm.s32 @!p0 $0x1C02  }
0x3c: {  	[timem:s3], [sflag:s2] =	dma.local @!p0 [hbm:s0], s1  }
0x3d: {  	s0 =	simm.s32 @!p0 $0x2  }
0x3e: {  	_ =	swait.ge @!p0 [sflag:s0], s1  }
0x3f: {  	s1 =	ssub.s32 @!p0 $0x0, s1;
	[sflag:s0] =	ssyncset.done @!p0 $0x0  }
0x40: {  	[sflag:s0] =	ssyncadd.s32 @!p0 s1  }
0x41: {  	[bflag:$0x3] =	sbarrier.arrive $0xFFFF  }
0x42: {  	_ =	shalt  }

</sc_bundles>
